<compile_context>
chip_gen: v7x
topology: tpu7x:2x2x1
jax: 0.10.2.dev20260603
libtpu: 0.0.44.dev20260713+nightly
codegen_flags: <defaults>
</compile_context>

<pallas_src>
import functools

import jax
import jax.numpy as jnp
from jax import lax
from jax.experimental import pallas as pl
from jax.experimental.pallas import tpu as pltpu
from jax.experimental.pallas import tpu_sc as plsc

_N = 10000
_E = 320000
_D = 128

_NC = 2
_NS = 16
_NW = _NC * _NS
_L = 16

_K = 128
_NPAD = 10240
_EPAD = _NW * 80 * _K
_NB = _EPAD // (_NW * _K)
_PH = 2
_NBP = _NB // _PH
_RPT = _NPAD // _NS

_mesh = plsc.VectorSubcoreMesh(core_axis_name="c", subcore_axis_name="s")


def _count_body(ei4d, cnt0, cnt1, dstv, onesv, zbuf, acc, csem):
    cid = lax.axis_index("c")
    sid = lax.axis_index("s")
    wid = cid * _NS + sid
    zero16 = jnp.zeros((_L,), jnp.float32)
    one16 = jnp.ones((_L,), jnp.float32)

    pltpu.sync_copy(ei4d.at[1, :, wid], dstv)

    @pl.loop(0, _RPT // _L)
    def _(i):
        zbuf[pl.ds(i * _L, _L)] = zero16

    @pl.loop(0, _K // _L)
    def _(j):
        onesv[pl.ds(j * _L, _L)] = one16

    pltpu.sync_copy(zbuf, acc.at[pl.ds(sid * _RPT, _RPT)])
    plsc.subcore_barrier()

    @pl.loop(0, _NB)
    def _(j):
        pltpu.async_copy(onesv, acc.at[dstv.at[j]], csem, add=True)

    @pl.loop(0, _NB)
    def _(j):
        pltpu.make_async_copy(onesv, acc.at[dstv.at[0]], csem).wait()

    plsc.subcore_barrier()

    @pl.when(cid == 0)
    def _():
        pltpu.sync_copy(acc.at[pl.ds(sid * _RPT, _RPT)],
                        cnt0.at[pl.ds(sid * _RPT, _RPT)])

    @pl.when(cid == 1)
    def _():
        pltpu.sync_copy(acc.at[pl.ds(sid * _RPT, _RPT)],
                        cnt1.at[pl.ds(sid * _RPT, _RPT)])


_count_call = functools.partial(
    pl.kernel,
    out_type=(
        jax.ShapeDtypeStruct((_NPAD,), jnp.float32),
        jax.ShapeDtypeStruct((_NPAD,), jnp.float32),
    ),
    mesh=_mesh,
    scratch_types=[
        pltpu.VMEM((_NB, _K), jnp.int32),
        pltpu.VMEM((_K,), jnp.float32),
        pltpu.VMEM((_RPT,), jnp.float32),
        pltpu.VMEM_SHARED((_NPAD,), jnp.float32),
        pltpu.SemaphoreType.DMA,
    ],
)(_count_body)


def _gs_body(hd, ei4d, out0, out1, srcv, dstv, buf0, buf1, acc, s0, s1):
    bufs = (buf0, buf1)
    sems = (s0, s1)
    cid = lax.axis_index("c")
    sid = lax.axis_index("s")
    wid = cid * _NS + sid
    zero16 = jnp.zeros((_L,), jnp.float32)

    @pl.loop(0, _K)
    def _(i):
        for c in range(_D // _L):
            buf0[i, pl.ds(c * _L, _L)] = zero16

    for r in range(_RPT // _K):
        pltpu.sync_copy(buf0, acc.at[pl.ds((sid * (_RPT // _K) + r) * _K, _K)])

    plsc.subcore_barrier()

    for phase in range(_PH):
        base = phase * _NBP
        pltpu.sync_copy(ei4d.at[0, pl.ds(base, _NBP), wid], srcv)
        pltpu.sync_copy(ei4d.at[1, pl.ds(base, _NBP), wid], dstv)

        for b in range(2):
            pltpu.async_copy(hd.at[srcv.at[b]], bufs[b], sems[b])

        @pl.loop(0, _NBP // 2)
        def _(g):
            r0 = g * 2
            for b in range(2):
                r = r0 + b
                pltpu.make_async_copy(hd.at[srcv.at[r]], bufs[b], sems[b]).wait()
                pltpu.sync_copy(bufs[b], acc.at[dstv.at[r]], add=True)

                @pl.when(r + 2 < _NBP)
                def _():
                    pltpu.async_copy(hd.at[srcv.at[r + 2]], bufs[b], sems[b])

    plsc.subcore_barrier()

    @pl.when(cid == 0)
    def _():
        pltpu.sync_copy(acc.at[pl.ds(sid * _RPT, _RPT)],
                        out0.at[pl.ds(sid * _RPT, _RPT)])

    @pl.when(cid == 1)
    def _():
        pltpu.sync_copy(acc.at[pl.ds(sid * _RPT, _RPT)],
                        out1.at[pl.ds(sid * _RPT, _RPT)])


_gs_call = functools.partial(
    pl.kernel,
    out_type=(
        jax.ShapeDtypeStruct((_NPAD, _D), jnp.float32),
        jax.ShapeDtypeStruct((_NPAD, _D), jnp.float32),
    ),
    mesh=_mesh,
    scratch_types=[
        pltpu.VMEM((_NBP, _K), jnp.int32),
        pltpu.VMEM((_NBP, _K), jnp.int32),
        pltpu.VMEM((_K, _D), jnp.float32),
        pltpu.VMEM((_K, _D), jnp.float32),
        pltpu.VMEM_SHARED((_NPAD, _D), jnp.float32),
        pltpu.SemaphoreType.DMA,
        pltpu.SemaphoreType.DMA,
    ],
)(_gs_body)


_BLK = 2000


def _tc1_body(x_ref, w_ref, c0_ref, c1_ref, hd_ref):
    d = lax.rsqrt(1.0 + c0_ref[...] + c1_ref[...])
    hd_ref[...] = jnp.dot(x_ref[...], w_ref[...],
                          preferred_element_type=jnp.float32) * d


def _tc1(x, W1, c0, c1):
    return pl.pallas_call(
        _tc1_body,
        grid=(_N // _BLK,),
        in_specs=[
            pl.BlockSpec((_BLK, _D), lambda i: (i, 0)),
            pl.BlockSpec((_D, _D), lambda i: (0, 0)),
            pl.BlockSpec((_BLK, 1), lambda i: (i, 0)),
            pl.BlockSpec((_BLK, 1), lambda i: (i, 0)),
        ],
        out_specs=pl.BlockSpec((_BLK, _D), lambda i: (i, 0)),
        out_shape=jax.ShapeDtypeStruct((_N, _D), jnp.float32),
    )(x, W1, c0, c1)


def _tc2_body(a0_ref, a1_ref, hd1_ref, c0_ref, c1_ref, w_ref, b1_ref, hd2_ref):
    d = lax.rsqrt(1.0 + c0_ref[...] + c1_ref[...])
    s = a0_ref[...] + a1_ref[...] + hd1_ref[...]
    h1 = jnp.maximum(d * s + b1_ref[...], 0.0)
    hd2_ref[...] = jnp.dot(h1, w_ref[...],
                           preferred_element_type=jnp.float32) * d


def _tc2(a0, a1, hd1, c0, c1, W2, b1):
    return pl.pallas_call(
        _tc2_body,
        grid=(_N // _BLK,),
        in_specs=[
            pl.BlockSpec((_BLK, _D), lambda i: (i, 0)),
            pl.BlockSpec((_BLK, _D), lambda i: (i, 0)),
            pl.BlockSpec((_BLK, _D), lambda i: (i, 0)),
            pl.BlockSpec((_BLK, 1), lambda i: (i, 0)),
            pl.BlockSpec((_BLK, 1), lambda i: (i, 0)),
            pl.BlockSpec((_D, _D), lambda i: (0, 0)),
            pl.BlockSpec((1, _D), lambda i: (0, 0)),
        ],
        out_specs=pl.BlockSpec((_BLK, _D), lambda i: (i, 0)),
        out_shape=jax.ShapeDtypeStruct((_N, _D), jnp.float32),
    )(a0, a1, hd1, c0, c1, W2, b1)


def _tc3_body(a0_ref, a1_ref, hd2_ref, c0_ref, c1_ref, b2_ref, out_ref):
    d = lax.rsqrt(1.0 + c0_ref[...] + c1_ref[...])
    out_ref[...] = d * (a0_ref[...] + a1_ref[...] + hd2_ref[...]) + b2_ref[...]


def _tc3(a0, a1, hd2, c0, c1, b2):
    return pl.pallas_call(
        _tc3_body,
        grid=(_N // _BLK,),
        in_specs=[
            pl.BlockSpec((_BLK, _D), lambda i: (i, 0)),
            pl.BlockSpec((_BLK, _D), lambda i: (i, 0)),
            pl.BlockSpec((_BLK, _D), lambda i: (i, 0)),
            pl.BlockSpec((_BLK, 1), lambda i: (i, 0)),
            pl.BlockSpec((_BLK, 1), lambda i: (i, 0)),
            pl.BlockSpec((1, _D), lambda i: (0, 0)),
        ],
        out_specs=pl.BlockSpec((_BLK, _D), lambda i: (i, 0)),
        out_shape=jax.ShapeDtypeStruct((_N, _D), jnp.float32),
    )(a0, a1, hd2, c0, c1, b2)


def kernel(x, edge_index, W1, b1, W2, b2):
    npad = _EPAD - _E
    pad_dst = _N + (jnp.arange(npad, dtype=jnp.int32) % (_NPAD - _N))
    pad_src = jnp.arange(npad, dtype=jnp.int32) % _N
    ei4d = jnp.concatenate(
        [edge_index, jnp.stack([pad_src, pad_dst])], axis=1
    ).reshape(2, _NB, _NW, _K)

    c0p, c1p = _count_call(ei4d)
    c0 = c0p.reshape(_NPAD, 1)
    c1 = c1p.reshape(_NPAD, 1)

    b1r = b1.reshape(1, _D)
    b2r = b2.reshape(1, _D)

    hd1 = _tc1(x, W1, c0, c1)
    a0, a1 = _gs_call(hd1, ei4d)
    hd2 = _tc2(a0, a1, hd1, c0, c1, W2, b1r)
    g0, g1 = _gs_call(hd2, ei4d)
    return _tc3(g0, g1, hd2, c0, c1, b2r)

# --- scband reference (transcript-rebuilt; emitter-appended) ---
"""Pipeline reference for scband-gcnencoder-17669495456113 (READ-ONLY COPY).

The authoritative reference and input builder live on the scoring server;
editing this copy changes nothing except your own understanding.
"""

import jax, jax.numpy as jnp
import numpy as np

N = 10000
E = 320000
D_IN = 128
D_HID = 128
D_OUT = 128


def glorot(key, shape):
    fan_in, fan_out = shape
    limit = jnp.sqrt(6.0 / (fan_in + fan_out))
    return jax.random.uniform(key, shape, dtype=jnp.float32, minval=-limit, maxval=limit)


def setup_inputs(seed: int = 0):
    key = jax.random.key(seed)
    k1, k2, k3, k4 = jax.random.split(key, 4)
    x = jax.random.normal(k1, (N, D_IN), dtype=jnp.float32)
    edge_index = jax.random.randint(k2, (2, E), 0, N, dtype=jnp.int32)
    W1 = glorot(k3, (D_IN, D_HID))
    b1 = jnp.zeros((D_HID,), dtype=jnp.float32)
    W2 = glorot(k4, (D_HID, D_OUT))
    b2 = jnp.zeros((D_OUT,), dtype=jnp.float32)
    return {"x": x, "edge_index": edge_index, "W1": W1, "b1": b1, "W2": W2, "b2": b2}


def gcn_conv(x, edge_index, W, b):
    # GCNConv: add self-loops, symmetric normalization, linear transform, sum-aggregate
    src = edge_index[0]
    dst = edge_index[1]
    loop = jnp.arange(N, dtype=src.dtype)
    src = jnp.concatenate([src, loop])
    dst = jnp.concatenate([dst, loop])
    h = x @ W
    deg = jnp.zeros((N,), dtype=h.dtype).at[dst].add(1.0)
    deg_inv_sqrt = jnp.where(deg > 0, jax.lax.rsqrt(jnp.where(deg > 0, deg, 1.0)), 0.0)
    norm = deg_inv_sqrt[src] * deg_inv_sqrt[dst]
    msg = h[src] * norm[:, None]
    out = jnp.zeros((N, W.shape[1]), dtype=h.dtype).at[dst].add(msg)
    return out + b


def reference(x, edge_index, W1, b1, W2, b2):
    h = jax.nn.relu(gcn_conv(x, edge_index, W1, b1))
    return gcn_conv(h, edge_index, W2, b2)

if __name__ == "__main__":
    import jax
    _d = setup_inputs()
    print(jax.jit(kernel)(*tuple(_d.values())))

</pallas_src>

<mosaic_0001>
#map = affine_map<(d0, d1) -> (0, 0, 0, 0)>
#map1 = affine_map<(d0, d1) -> (0)>
module attributes {stable_mosaic.version = 14 : i64} {
  func.func @_count_body(%arg0: i32, %arg1: i32, %arg2: memref<2x80x32x128xi32, #tpu.memory_space<hbm>>, %arg3: memref<10240xf32, #tpu.memory_space<hbm>>, %arg4: memref<10240xf32, #tpu.memory_space<hbm>>, %arg5: memref<80x128xi32, #tpu.memory_space<vmem>>, %arg6: memref<128xf32, #tpu.memory_space<vmem>>, %arg7: memref<640xf32, #tpu.memory_space<vmem>>, %arg8: memref<10240xf32, #tpu.memory_space<vmem_shared>>, %arg9: memref<!tpu.dma_semaphore, #tpu.memory_space<semaphore_mem>>) attributes {dimension_semantics = [#tpu.dimension_semantics<core_parallel>, #tpu.dimension_semantics<subcore_parallel>], iteration_bounds = array<i64: 2, 16>, scalar_prefetch = 0 : i64, scratch_operands = 5 : i64, tpu.core_type = #tpu.core_type<sc_vector_subcore>, window_params = [{transform_indices = #map}, {transform_indices = #map1}, {transform_indices = #map1}]} {
    %mul3A = arith.constant 16 : i32
    %mul3A_0 = arith.muli %arg0, %mul3A : i32
    %add3A = arith.addi %mul3A_0, %arg1 : i32
    %broadcast_in_dim3A = arith.constant 0.000000e+00 : f32
    %broadcast_in_dim3A_1 = vector.broadcast %broadcast_in_dim3A : f32 to vector<16xf32>
    %broadcast_in_dim3A_2 = arith.constant 1.000000e+00 : f32
    %broadcast_in_dim3A_3 = vector.broadcast %broadcast_in_dim3A_2 : f32 to vector<16xf32>
    %run_scoped3A = arith.constant 1 : i32
    "tpu.region"() ({
      %run_scoped3A_33 = tpu.sem_alloc : memref<!tpu.dma_semaphore, #tpu.memory_space<semaphore_mem>>
      %dma_start3A = arith.constant 0 : i32
      %dma_start3A_34 = arith.constant 0 : i32
      %dma_start3A_35 = tpu.memref_slice %arg2[%run_scoped3A, %dma_start3A, %add3A, %dma_start3A_34] : memref<2x80x32x128xi32, #tpu.memory_space<hbm>> -> memref<1x80x1x128xi32, #tpu.memory_space<hbm>>
      %dma_start3A_36 = tpu.memref_squeeze %dma_start3A_35 : memref<1x80x1x128xi32, #tpu.memory_space<hbm>> -> memref<80x128xi32, #tpu.memory_space<hbm>>
      %dma_start3A_37 = arith.constant 0 : i32
      %dma_start3A_38 = arith.constant 0 : i32
      %dma_start3A_39 = tpu.memref_slice %arg2[%run_scoped3A, %dma_start3A_37, %add3A, %dma_start3A_38] : memref<2x80x32x128xi32, #tpu.memory_space<hbm>> -> memref<1x80x1x128xi32, #tpu.memory_space<hbm>>
      %dma_start3A_40 = tpu.memref_squeeze %dma_start3A_39 : memref<1x80x1x128xi32, #tpu.memory_space<hbm>> -> memref<80x128xi32, #tpu.memory_space<hbm>>
      tpu.enqueue_dma source(%dma_start3A_40 : memref<80x128xi32, #tpu.memory_space<hbm>>) target(%arg5 : memref<80x128xi32, #tpu.memory_space<vmem>>) target_semaphore(%run_scoped3A_33 : memref<!tpu.dma_semaphore, #tpu.memory_space<semaphore_mem>>)
      %dma_wait3A = arith.constant 0 : i32
      %dma_wait3A_41 = arith.constant 0 : i32
      %dma_wait3A_42 = tpu.memref_slice %arg2[%run_scoped3A, %dma_wait3A, %add3A, %dma_wait3A_41] : memref<2x80x32x128xi32, #tpu.memory_space<hbm>> -> memref<1x80x1x128xi32, #tpu.memory_space<hbm>>
      %dma_wait3A_43 = tpu.memref_squeeze %dma_wait3A_42 : memref<1x80x1x128xi32, #tpu.memory_space<hbm>> -> memref<80x128xi32, #tpu.memory_space<hbm>>
      %dma_wait3A_44 = arith.constant 0 : i32
      %dma_wait3A_45 = arith.constant 0 : i32
      %dma_wait3A_46 = tpu.memref_slice %arg2[%run_scoped3A, %dma_wait3A_44, %add3A, %dma_wait3A_45] : memref<2x80x32x128xi32, #tpu.memory_space<hbm>> -> memref<1x80x1x128xi32, #tpu.memory_space<hbm>>
      %dma_wait3A_47 = tpu.memref_squeeze %dma_wait3A_46 : memref<1x80x1x128xi32, #tpu.memory_space<hbm>> -> memref<80x128xi32, #tpu.memory_space<hbm>>
      tpu.wait_dma2 semaphore(%run_scoped3A_33 : memref<!tpu.dma_semaphore, #tpu.memory_space<semaphore_mem>>) src(%dma_wait3A_47 : memref<80x128xi32, #tpu.memory_space<hbm>>) dst(%arg5 : memref<80x128xi32, #tpu.memory_space<vmem>>)
      tpu.yield
    }) : () -> ()
    %scan3A = arith.constant 0 : i32
    %scan3A_4 = arith.constant 40 : i32
    %scan3A_5 = arith.addi %scan3A, %scan3A_4 : i32
    %scan3A_6 = arith.constant 1 : i32
    scf.for %scan3A_33 = %scan3A to %scan3A_5 step %scan3A_6  : i32 {
      %mul3A_34 = arith.constant 1 : i32
      %mul3A_35 = arith.muli %scan3A_33, %mul3A_34 : i32
      %add3A_36 = arith.constant 0 : i32
      %add3A_37 = arith.addi %add3A_36, %mul3A_35 : i32
      %mul3A_38 = arith.constant 16 : i32
      %mul3A_39 = arith.muli %add3A_37, %mul3A_38 : i32
      %swap3A = arith.index_cast %mul3A_39 : i32 to index
      %swap3A_40 = tpu.vector_load %arg7[%swap3A] {strides = array<i32>} : memref<640xf32, #tpu.memory_space<vmem>>, vector<16xf32>,
      %swap3A_41 = vector.shape_cast %swap3A_40 : vector<16xf32> to vector<16xf32>
      %swap3A_42 = vector.shape_cast %broadcast_in_dim3A_1 : vector<16xf32> to vector<16xf32>
      tpu.vector_store %arg7[%swap3A], %swap3A_42 {strides = array<i32>} : memref<640xf32, #tpu.memory_space<vmem>>, vector<16xf32>,
    }
    %scan3A_7 = arith.constant 40 : i32
    %scan3A_8 = arith.constant 0 : i32
    %scan3A_9 = arith.constant 8 : i32
    %scan3A_10 = arith.addi %scan3A_8, %scan3A_9 : i32
    %scan3A_11 = arith.constant 1 : i32
    scf.for %scan3A_33 = %scan3A_8 to %scan3A_10 step %scan3A_11  : i32 {
      %mul3A_34 = arith.constant 1 : i32
      %mul3A_35 = arith.muli %scan3A_33, %mul3A_34 : i32
      %add3A_36 = arith.constant 0 : i32
      %add3A_37 = arith.addi %add3A_36, %mul3A_35 : i32
      %mul3A_38 = arith.constant 16 : i32
      %mul3A_39 = arith.muli %add3A_37, %mul3A_38 : i32
      %swap3A = arith.index_cast %mul3A_39 : i32 to index
      %swap3A_40 = tpu.vector_load %arg6[%swap3A] {strides = array<i32>} : memref<128xf32, #tpu.memory_space<vmem>>, vector<16xf32>,
      %swap3A_41 = vector.shape_cast %swap3A_40 : vector<16xf32> to vector<16xf32>
      %swap3A_42 = vector.shape_cast %broadcast_in_dim3A_3 : vector<16xf32> to vector<16xf32>
      tpu.vector_store %arg6[%swap3A], %swap3A_42 {strides = array<i32>} : memref<128xf32, #tpu.memory_space<vmem>>, vector<16xf32>,
    }
    %scan3A_12 = arith.constant 8 : i32
    %mul3A_13 = arith.constant 640 : i32
    %mul3A_14 = arith.muli %arg1, %mul3A_13 : i32
    "tpu.region"() ({
      %run_scoped3A_33 = tpu.sem_alloc : memref<!tpu.dma_semaphore, #tpu.memory_space<semaphore_mem>>
      %dma_start3A = tpu.memref_slice %arg8[%mul3A_14] : memref<10240xf32, #tpu.memory_space<vmem_shared>> -> memref<640xf32, #tpu.memory_space<vmem_shared>>
      %dma_start3A_34 = tpu.memref_slice %arg8[%mul3A_14] : memref<10240xf32, #tpu.memory_space<vmem_shared>> -> memref<640xf32, #tpu.memory_space<vmem_shared>>
      tpu.enqueue_dma source(%arg7 : memref<640xf32, #tpu.memory_space<vmem>>) target(%dma_start3A_34 : memref<640xf32, #tpu.memory_space<vmem_shared>>) target_semaphore(%run_scoped3A_33 : memref<!tpu.dma_semaphore, #tpu.memory_space<semaphore_mem>>)
      %dma_wait3A = tpu.memref_slice %arg8[%mul3A_14] : memref<10240xf32, #tpu.memory_space<vmem_shared>> -> memref<640xf32, #tpu.memory_space<vmem_shared>>
      %dma_wait3A_35 = tpu.memref_slice %arg8[%mul3A_14] : memref<10240xf32, #tpu.memory_space<vmem_shared>> -> memref<640xf32, #tpu.memory_space<vmem_shared>>
      tpu.wait_dma2 semaphore(%run_scoped3A_33 : memref<!tpu.dma_semaphore, #tpu.memory_space<semaphore_mem>>) src(%arg7 : memref<640xf32, #tpu.memory_space<vmem>>) dst(%dma_wait3A_35 : memref<640xf32, #tpu.memory_space<vmem_shared>>)
      tpu.yield
    }) : () -> ()
    %barrier3A = arith.constant 0 : index
    tpu.barrier barrier_id(%barrier3A)
    %scan3A_15 = arith.constant 0 : i32
    %scan3A_16 = arith.constant 80 : i32
    %scan3A_17 = arith.addi %scan3A_15, %scan3A_16 : i32
    %scan3A_18 = arith.constant 1 : i32
    scf.for %scan3A_33 = %scan3A_15 to %scan3A_17 step %scan3A_18  : i32 {
      %mul3A_34 = arith.constant 1 : i32
      %mul3A_35 = arith.muli %scan3A_33, %mul3A_34 : i32
      %add3A_36 = arith.constant 0 : i32
      %add3A_37 = arith.addi %add3A_36, %mul3A_35 : i32
      %dma_start3A = arith.constant 0 : i32
      %dma_start3A_38 = tpu.memref_slice %arg5[%add3A_37, %dma_start3A] : memref<80x128xi32, #tpu.memory_space<vmem>> -> memref<1x128xi32, #tpu.memory_space<vmem>>
      %dma_start3A_39 = tpu.memref_squeeze %dma_start3A_38 : memref<1x128xi32, #tpu.memory_space<vmem>> -> memref<128xi32, #tpu.memory_space<vmem>>
      %dma_start3A_40 = arith.constant 0 : i32
      %dma_start3A_41 = tpu.memref_slice %arg8[%dma_start3A_40] : memref<10240xf32, #tpu.memory_space<vmem_shared>> -> memref<10240xf32, #tpu.memory_space<vmem_shared>>
      tpu.enqueue_indirect_dma source(%arg6 : memref<128xf32, #tpu.memory_space<vmem>>) target(%dma_start3A_41 : memref<10240xf32, #tpu.memory_space<vmem_shared>>) offsets(%dma_start3A_39 : memref<128xi32, #tpu.memory_space<vmem>>) semaphore(%arg9 : memref<!tpu.dma_semaphore, #tpu.memory_space<semaphore_mem>>) {add = true}
    }
    %scan3A_19 = arith.constant 80 : i32
    %scan3A_20 = arith.constant 0 : i32
    %scan3A_21 = arith.constant 80 : i32
    %scan3A_22 = arith.addi %scan3A_20, %scan3A_21 : i32
    %scan3A_23 = arith.constant 1 : i32
    scf.for %scan3A_33 = %scan3A_20 to %scan3A_22 step %scan3A_23  : i32 {
      %mul3A_34 = arith.constant 1 : i32
      %mul3A_35 = arith.muli %scan3A_33, %mul3A_34 : i32
      %add3A_36 = arith.constant 0 : i32
      %add3A_37 = arith.addi %add3A_36, %mul3A_35 : i32
      %dma_wait3A = arith.constant 0 : i32
      %dma_wait3A_38 = arith.constant 0 : i32
      %dma_wait3A_39 = tpu.memref_slice %arg5[%dma_wait3A, %dma_wait3A_38] : memref<80x128xi32, #tpu.memory_space<vmem>> -> memref<1x128xi32, #tpu.memory_space<vmem>>
      %dma_wait3A_40 = tpu.memref_squeeze %dma_wait3A_39 : memref<1x128xi32, #tpu.memory_space<vmem>> -> memref<128xi32, #tpu.memory_space<vmem>>
      %dma_wait3A_41 = arith.constant 0 : i32
      %dma_wait3A_42 = tpu.memref_slice %arg8[%dma_wait3A_41] : memref<10240xf32, #tpu.memory_space<vmem_shared>> -> memref<10240xf32, #tpu.memory_space<vmem_shared>>
      tpu.wait_indirect_dma semaphore(%arg9 : memref<!tpu.dma_semaphore, #tpu.memory_space<semaphore_mem>>) src(%arg6 : memref<128xf32, #tpu.memory_space<vmem>>) dst(%dma_wait3A_42 : memref<10240xf32, #tpu.memory_space<vmem_shared>>)
    }
    %scan3A_24 = arith.constant 80 : i32
    %barrier3A_25 = arith.constant 0 : index
    tpu.barrier barrier_id(%barrier3A_25)
    %eq3A = arith.constant 0 : i32
    %eq3A_26 = arith.cmpi eq, %arg0, %eq3A : i32
    %convert_element_type3A = arith.extui %eq3A_26 : i1 to i32
    %cond3A = arith.constant 0 : i32
    %cond3A_27 = arith.cmpi ne, %convert_element_type3A, %cond3A : i32
    scf.if %cond3A_27 {
      %mul3A_33 = arith.constant 640 : i32
      %mul3A_34 = arith.muli %arg1, %mul3A_33 : i32
      %mul3A_35 = arith.constant 640 : i32
      %mul3A_36 = arith.muli %arg1, %mul3A_35 : i32
      "tpu.region"() ({
        %run_scoped3A_37 = tpu.sem_alloc : memref<!tpu.dma_semaphore, #tpu.memory_space<semaphore_mem>>
        %dma_start3A = tpu.memref_slice %arg3[%mul3A_36] : memref<10240xf32, #tpu.memory_space<hbm>> -> memref<640xf32, #tpu.memory_space<hbm>>
        %dma_start3A_38 = tpu.memref_slice %arg8[%mul3A_34] : memref<10240xf32, #tpu.memory_space<vmem_shared>> -> memref<640xf32, #tpu.memory_space<vmem_shared>>
        tpu.enqueue_dma source(%dma_start3A_38 : memref<640xf32, #tpu.memory_space<vmem_shared>>) target(%dma_start3A : memref<640xf32, #tpu.memory_space<hbm>>) target_semaphore(%run_scoped3A_37 : memref<!tpu.dma_semaphore, #tpu.memory_space<semaphore_mem>>)
        %dma_wait3A = tpu.memref_slice %arg3[%mul3A_36] : memref<10240xf32, #tpu.memory_space<hbm>> -> memref<640xf32, #tpu.memory_space<hbm>>
        %dma_wait3A_39 = tpu.memref_slice %arg8[%mul3A_34] : memref<10240xf32, #tpu.memory_space<vmem_shared>> -> memref<640xf32, #tpu.memory_space<vmem_shared>>
        tpu.wait_dma2 semaphore(%run_scoped3A_37 : memref<!tpu.dma_semaphore, #tpu.memory_space<semaphore_mem>>) src(%dma_wait3A_39 : memref<640xf32, #tpu.memory_space<vmem_shared>>) dst(%dma_wait3A : memref<640xf32, #tpu.memory_space<hbm>>)
        tpu.yield
      }) : () -> ()
    } else {
    }
    %eq3A_28 = arith.constant 1 : i32
    %eq3A_29 = arith.cmpi eq, %arg0, %eq3A_28 : i32
    %convert_element_type3A_30 = arith.extui %eq3A_29 : i1 to i32
    %cond3A_31 = arith.constant 0 : i32
    %cond3A_32 = arith.cmpi ne, %convert_element_type3A_30, %cond3A_31 : i32
    scf.if %cond3A_32 {
      %mul3A_33 = arith.constant 640 : i32
      %mul3A_34 = arith.muli %arg1, %mul3A_33 : i32
      %mul3A_35 = arith.constant 640 : i32
      %mul3A_36 = arith.muli %arg1, %mul3A_35 : i32
      "tpu.region"() ({
        %run_scoped3A_37 = tpu.sem_alloc : memref<!tpu.dma_semaphore, #tpu.memory_space<semaphore_mem>>
        %dma_start3A = tpu.memref_slice %arg4[%mul3A_36] : memref<10240xf32, #tpu.memory_space<hbm>> -> memref<640xf32, #tpu.memory_space<hbm>>
        %dma_start3A_38 = tpu.memref_slice %arg8[%mul3A_34] : memref<10240xf32, #tpu.memory_space<vmem_shared>> -> memref<640xf32, #tpu.memory_space<vmem_shared>>
        tpu.enqueue_dma source(%dma_start3A_38 : memref<640xf32, #tpu.memory_space<vmem_shared>>) target(%dma_start3A : memref<640xf32, #tpu.memory_space<hbm>>) target_semaphore(%run_scoped3A_37 : memref<!tpu.dma_semaphore, #tpu.memory_space<semaphore_mem>>)
        %dma_wait3A = tpu.memref_slice %arg4[%mul3A_36] : memref<10240xf32, #tpu.memory_space<hbm>> -> memref<640xf32, #tpu.memory_space<hbm>>
        %dma_wait3A_39 = tpu.memref_slice %arg8[%mul3A_34] : memref<10240xf32, #tpu.memory_space<vmem_shared>> -> memref<640xf32, #tpu.memory_space<vmem_shared>>
        tpu.wait_dma2 semaphore(%run_scoped3A_37 : memref<!tpu.dma_semaphore, #tpu.memory_space<semaphore_mem>>) src(%dma_wait3A_39 : memref<640xf32, #tpu.memory_space<vmem_shared>>) dst(%dma_wait3A : memref<640xf32, #tpu.memory_space<hbm>>)
        tpu.yield
      }) : () -> ()
    } else {
    }
    return
  }
}

#map = affine_map<(d0, d1) -> (0, 0)>
#map1 = affine_map<(d0, d1) -> (0, 0, 0, 0)>
module attributes {stable_mosaic.version = 14 : i64} {
  func.func @_gs_body(%arg0: i32, %arg1: i32, %arg2: memref<10000x128xf32, #tpu.memory_space<hbm>>, %arg3: memref<2x80x32x128xi32, #tpu.memory_space<hbm>>, %arg4: memref<10240x128xf32, #tpu.memory_space<hbm>>, %arg5: memref<10240x128xf32, #tpu.memory_space<hbm>>, %arg6: memref<40x128xi32, #tpu.memory_space<vmem>>, %arg7: memref<40x128xi32, #tpu.memory_space<vmem>>, %arg8: memref<128x128xf32, #tpu.memory_space<vmem>>, %arg9: memref<128x128xf32, #tpu.memory_space<vmem>>, %arg10: memref<10240x128xf32, #tpu.memory_space<vmem_shared>>, %arg11: memref<!tpu.dma_semaphore, #tpu.memory_space<semaphore_mem>>, %arg12: memref<!tpu.dma_semaphore, #tpu.memory_space<semaphore_mem>>) attributes {dimension_semantics = [#tpu.dimension_semantics<core_parallel>, #tpu.dimension_semantics<subcore_parallel>], iteration_bounds = array<i64: 2, 16>, scalar_prefetch = 0 : i64, scratch_operands = 7 : i64, tpu.core_type = #tpu.core_type<sc_vector_subcore>, window_params = [{transform_indices = #map}, {transform_indices = #map1}, {transform_indices = #map}, {transform_indices = #map}]} {
    %mul3A = arith.constant 16 : i32
    %mul3A_0 = arith.muli %arg0, %mul3A : i32
    %add3A = arith.addi %mul3A_0, %arg1 : i32
    %broadcast_in_dim3A = arith.constant 0.000000e+00 : f32
    %broadcast_in_dim3A_1 = vector.broadcast %broadcast_in_dim3A : f32 to vector<16xf32>
    %scan3A = arith.constant 0 : i32
    %scan3A_2 = arith.constant 128 : i32
    %scan3A_3 = arith.addi %scan3A, %scan3A_2 : i32
    %scan3A_4 = arith.constant 1 : i32
    scf.for %scan3A_84 = %scan3A to %scan3A_3 step %scan3A_4  : i32 {
      %mul3A_85 = arith.constant 1 : i32
      %mul3A_86 = arith.muli %scan3A_84, %mul3A_85 : i32
      %add3A_87 = arith.constant 0 : i32
      %add3A_88 = arith.addi %add3A_87, %mul3A_86 : i32
      %swap3A = arith.index_cast %add3A_88 : i32 to index
      %swap3A_89 = arith.constant 0 : index
      %swap3A_90 = tpu.vector_load %arg8[%swap3A, %swap3A_89] {strides = array<i32>} : memref<128x128xf32, #tpu.memory_space<vmem>>, vector<1x16xf32>,
      %swap3A_91 = vector.shape_cast %swap3A_90 : vector<1x16xf32> to vector<16xf32>
      %swap3A_92 = vector.shape_cast %broadcast_in_dim3A_1 : vector<16xf32> to vector<1x16xf32>
      tpu.vector_store %arg8[%swap3A, %swap3A_89], %swap3A_92 {strides = array<i32>} : memref<128x128xf32, #tpu.memory_space<vmem>>, vector<1x16xf32>,
      %swap3A_93 = arith.index_cast %add3A_88 : i32 to index
      %swap3A_94 = arith.constant 16 : index
      %swap3A_95 = tpu.vector_load %arg8[%swap3A_93, %swap3A_94] {strides = array<i32>} : memref<128x128xf32, #tpu.memory_space<vmem>>, vector<1x16xf32>,
      %swap3A_96 = vector.shape_cast %swap3A_95 : vector<1x16xf32> to vector<16xf32>
      %swap3A_97 = vector.shape_cast %broadcast_in_dim3A_1 : vector<16xf32> to vector<1x16xf32>
      tpu.vector_store %arg8[%swap3A_93, %swap3A_94], %swap3A_97 {strides = array<i32>} : memref<128x128xf32, #tpu.memory_space<vmem>>, vector<1x16xf32>,
      %swap3A_98 = arith.index_cast %add3A_88 : i32 to index
      %swap3A_99 = arith.constant 32 : index
      %swap3A_100 = tpu.vector_load %arg8[%swap3A_98, %swap3A_99] {strides = array<i32>} : memref<128x128xf32, #tpu.memory_space<vmem>>, vector<1x16xf32>,
      %swap3A_101 = vector.shape_cast %swap3A_100 : vector<1x16xf32> to vector<16xf32>
      %swap3A_102 = vector.shape_cast %broadcast_in_dim3A_1 : vector<16xf32> to vector<1x16xf32>
      tpu.vector_store %arg8[%swap3A_98, %swap3A_99], %swap3A_102 {strides = array<i32>} : memref<128x128xf32, #tpu.memory_space<vmem>>, vector<1x16xf32>,
      %swap3A_103 = arith.index_cast %add3A_88 : i32 to index
      %swap3A_104 = arith.constant 48 : index
      %swap3A_105 = tpu.vector_load %arg8[%swap3A_103, %swap3A_104] {strides = array<i32>} : memref<128x128xf32, #tpu.memory_space<vmem>>, vector<1x16xf32>,
      %swap3A_106 = vector.shape_cast %swap3A_105 : vector<1x16xf32> to vector<16xf32>
      %swap3A_107 = vector.shape_cast %broadcast_in_dim3A_1 : vector<16xf32> to vector<1x16xf32>
      tpu.vector_store %arg8[%swap3A_103, %swap3A_104], %swap3A_107 {strides = array<i32>} : memref<128x128xf32, #tpu.memory_space<vmem>>, vector<1x16xf32>,
      %swap3A_108 = arith.index_cast %add3A_88 : i32 to index
      %swap3A_109 = arith.constant 64 : index
      %swap3A_110 = tpu.vector_load %arg8[%swap3A_108, %swap3A_109] {strides = array<i32>} : memref<128x128xf32, #tpu.memory_space<vmem>>, vector<1x16xf32>,
      %swap3A_111 = vector.shape_cast %swap3A_110 : vector<1x16xf32> to vector<16xf32>
      %swap3A_112 = vector.shape_cast %broadcast_in_dim3A_1 : vector<16xf32> to vector<1x16xf32>
      tpu.vector_store %arg8[%swap3A_108, %swap3A_109], %swap3A_112 {strides = array<i32>} : memref<128x128xf32, #tpu.memory_space<vmem>>, vector<1x16xf32>,
      %swap3A_113 = arith.index_cast %add3A_88 : i32 to index
      %swap3A_114 = arith.constant 80 : index
      %swap3A_115 = tpu.vector_load %arg8[%swap3A_113, %swap3A_114] {strides = array<i32>} : memref<128x128xf32, #tpu.memory_space<vmem>>, vector<1x16xf32>,
      %swap3A_116 = vector.shape_cast %swap3A_115 : vector<1x16xf32> to vector<16xf32>
      %swap3A_117 = vector.shape_cast %broadcast_in_dim3A_1 : vector<16xf32> to vector<1x16xf32>
      tpu.vector_store %arg8[%swap3A_113, %swap3A_114], %swap3A_117 {strides = array<i32>} : memref<128x128xf32, #tpu.memory_space<vmem>>, vector<1x16xf32>,
      %swap3A_118 = arith.index_cast %add3A_88 : i32 to index
      %swap3A_119 = arith.constant 96 : index
      %swap3A_120 = tpu.vector_load %arg8[%swap3A_118, %swap3A_119] {strides = array<i32>} : memref<128x128xf32, #tpu.memory_space<vmem>>, vector<1x16xf32>,
      %swap3A_121 = vector.shape_cast %swap3A_120 : vector<1x16xf32> to vector<16xf32>
      %swap3A_122 = vector.shape_cast %broadcast_in_dim3A_1 : vector<16xf32> to vector<1x16xf32>
      tpu.vector_store %arg8[%swap3A_118, %swap3A_119], %swap3A_122 {strides = array<i32>} : memref<128x128xf32, #tpu.memory_space<vmem>>, vector<1x16xf32>,
      %swap3A_123 = arith.index_cast %add3A_88 : i32 to index
      %swap3A_124 = arith.constant 112 : index
      %swap3A_125 = tpu.vector_load %arg8[%swap3A_123, %swap3A_124] {strides = array<i32>} : memref<128x128xf32, #tpu.memory_space<vmem>>, vector<1x16xf32>,
      %swap3A_126 = vector.shape_cast %swap3A_125 : vector<1x16xf32> to vector<16xf32>
      %swap3A_127 = vector.shape_cast %broadcast_in_dim3A_1 : vector<16xf32> to vector<1x16xf32>
      tpu.vector_store %arg8[%swap3A_123, %swap3A_124], %swap3A_127 {strides = array<i32>} : memref<128x128xf32, #tpu.memory_space<vmem>>, vector<1x16xf32>,
    }
    %scan3A_5 = arith.constant 128 : i32
    %mul3A_6 = arith.constant 5 : i32
    %mul3A_7 = arith.muli %arg1, %mul3A_6 : i32
    %add3A_8 = arith.constant 0 : i32
    %add3A_9 = arith.addi %mul3A_7, %add3A_8 : i32
    %mul3A_10 = arith.constant 128 : i32
    %mul3A_11 = arith.muli %add3A_9, %mul3A_10 : i32
    "tpu.region"() ({
      %run_scoped3A_84 = tpu.sem_alloc : memref<!tpu.dma_semaphore, #tpu.memory_space<semaphore_mem>>
      %dma_start3A_85 = arith.constant 0 : i32
      %dma_start3A_86 = tpu.memref_slice %arg10[%mul3A_11, %dma_start3A_85] : memref<10240x128xf32, #tpu.memory_space<vmem_shared>> -> memref<128x128xf32, #tpu.memory_space<vmem_shared>>
      %dma_start3A_87 = arith.constant 0 : i32
      %dma_start3A_88 = tpu.memref_slice %arg10[%mul3A_11, %dma_start3A_87] : memref<10240x128xf32, #tpu.memory_space<vmem_shared>> -> memref<128x128xf32, #tpu.memory_space<vmem_shared>>
      tpu.enqueue_dma source(%arg8 : memref<128x128xf32, #tpu.memory_space<vmem>>) target(%dma_start3A_88 : memref<128x128xf32, #tpu.memory_space<vmem_shared>>) target_semaphore(%run_scoped3A_84 : memref<!tpu.dma_semaphore, #tpu.memory_space<semaphore_mem>>)
      %dma_wait3A = arith.constant 0 : i32
      %dma_wait3A_89 = tpu.memref_slice %arg10[%mul3A_11, %dma_wait3A] : memref<10240x128xf32, #tpu.memory_space<vmem_shared>> -> memref<128x128xf32, #tpu.memory_space<vmem_shared>>
      %dma_wait3A_90 = arith.constant 0 : i32
      %dma_wait3A_91 = tpu.memref_slice %arg10[%mul3A_11, %dma_wait3A_90] : memref<10240x128xf32, #tpu.memory_space<vmem_shared>> -> memref<128x128xf32, #tpu.memory_space<vmem_shared>>
      tpu.wait_dma2 semaphore(%run_scoped3A_84 : memref<!tpu.dma_semaphore, #tpu.memory_space<semaphore_mem>>) src(%arg8 : memref<128x128xf32, #tpu.memory_space<vmem>>) dst(%dma_wait3A_91 : memref<128x128xf32, #tpu.memory_space<vmem_shared>>)
      tpu.yield
    }) : () -> ()
    %mul3A_12 = arith.constant 5 : i32
    %mul3A_13 = arith.muli %arg1, %mul3A_12 : i32
    %add3A_14 = arith.constant 1 : i32
    %add3A_15 = arith.addi %mul3A_13, %add3A_14 : i32
    %mul3A_16 = arith.constant 128 : i32
    %mul3A_17 = arith.muli %add3A_15, %mul3A_16 : i32
    "tpu.region"() ({
      %run_scoped3A_84 = tpu.sem_alloc : memref<!tpu.dma_semaphore, #tpu.memory_space<semaphore_mem>>
      %dma_start3A_85 = arith.constant 0 : i32
      %dma_start3A_86 = tpu.memref_slice %arg10[%mul3A_17, %dma_start3A_85] : memref<10240x128xf32, #tpu.memory_space<vmem_shared>> -> memref<128x128xf32, #tpu.memory_space<vmem_shared>>
      %dma_start3A_87 = arith.constant 0 : i32
      %dma_start3A_88 = tpu.memref_slice %arg10[%mul3A_17, %dma_start3A_87] : memref<10240x128xf32, #tpu.memory_space<vmem_shared>> -> memref<128x128xf32, #tpu.memory_space<vmem_shared>>
      tpu.enqueue_dma source(%arg8 : memref<128x128xf32, #tpu.memory_space<vmem>>) target(%dma_start3A_88 : memref<128x128xf32, #tpu.memory_space<vmem_shared>>) target_semaphore(%run_scoped3A_84 : memref<!tpu.dma_semaphore, #tpu.memory_space<semaphore_mem>>)
      %dma_wait3A = arith.constant 0 : i32
      %dma_wait3A_89 = tpu.memref_slice %arg10[%mul3A_17, %dma_wait3A] : memref<10240x128xf32, #tpu.memory_space<vmem_shared>> -> memref<128x128xf32, #tpu.memory_space<vmem_shared>>
      %dma_wait3A_90 = arith.constant 0 : i32
      %dma_wait3A_91 = tpu.memref_slice %arg10[%mul3A_17, %dma_wait3A_90] : memref<10240x128xf32, #tpu.memory_space<vmem_shared>> -> memref<128x128xf32, #tpu.memory_space<vmem_shared>>
      tpu.wait_dma2 semaphore(%run_scoped3A_84 : memref<!tpu.dma_semaphore, #tpu.memory_space<semaphore_mem>>) src(%arg8 : memref<128x128xf32, #tpu.memory_space<vmem>>) dst(%dma_wait3A_91 : memref<128x128xf32, #tpu.memory_space<vmem_shared>>)
      tpu.yield
    }) : () -> ()
    %mul3A_18 = arith.constant 5 : i32
    %mul3A_19 = arith.muli %arg1, %mul3A_18 : i32
    %add3A_20 = arith.constant 2 : i32
    %add3A_21 = arith.addi %mul3A_19, %add3A_20 : i32
    %mul3A_22 = arith.constant 128 : i32
    %mul3A_23 = arith.muli %add3A_21, %mul3A_22 : i32
    "tpu.region"() ({
      %run_scoped3A_84 = tpu.sem_alloc : memref<!tpu.dma_semaphore, #tpu.memory_space<semaphore_mem>>
      %dma_start3A_85 = arith.constant 0 : i32
      %dma_start3A_86 = tpu.memref_slice %arg10[%mul3A_23, %dma_start3A_85] : memref<10240x128xf32, #tpu.memory_space<vmem_shared>> -> memref<128x128xf32, #tpu.memory_space<vmem_shared>>
      %dma_start3A_87 = arith.constant 0 : i32
      %dma_start3A_88 = tpu.memref_slice %arg10[%mul3A_23, %dma_start3A_87] : memref<10240x128xf32, #tpu.memory_space<vmem_shared>> -> memref<128x128xf32, #tpu.memory_space<vmem_shared>>
      tpu.enqueue_dma source(%arg8 : memref<128x128xf32, #tpu.memory_space<vmem>>) target(%dma_start3A_88 : memref<128x128xf32, #tpu.memory_space<vmem_shared>>) target_semaphore(%run_scoped3A_84 : memref<!tpu.dma_semaphore, #tpu.memory_space<semaphore_mem>>)
      %dma_wait3A = arith.constant 0 : i32
      %dma_wait3A_89 = tpu.memref_slice %arg10[%mul3A_23, %dma_wait3A] : memref<10240x128xf32, #tpu.memory_space<vmem_shared>> -> memref<128x128xf32, #tpu.memory_space<vmem_shared>>
      %dma_wait3A_90 = arith.constant 0 : i32
      %dma_wait3A_91 = tpu.memref_slice %arg10[%mul3A_23, %dma_wait3A_90] : memref<10240x128xf32, #tpu.memory_space<vmem_shared>> -> memref<128x128xf32, #tpu.memory_space<vmem_shared>>
      tpu.wait_dma2 semaphore(%run_scoped3A_84 : memref<!tpu.dma_semaphore, #tpu.memory_space<semaphore_mem>>) src(%arg8 : memref<128x128xf32, #tpu.memory_space<vmem>>) dst(%dma_wait3A_91 : memref<128x128xf32, #tpu.memory_space<vmem_shared>>)
      tpu.yield
    }) : () -> ()
    %mul3A_24 = arith.constant 5 : i32
    %mul3A_25 = arith.muli %arg1, %mul3A_24 : i32
    %add3A_26 = arith.constant 3 : i32
    %add3A_27 = arith.addi %mul3A_25, %add3A_26 : i32
    %mul3A_28 = arith.constant 128 : i32
    %mul3A_29 = arith.muli %add3A_27, %mul3A_28 : i32
    "tpu.region"() ({
      %run_scoped3A_84 = tpu.sem_alloc : memref<!tpu.dma_semaphore, #tpu.memory_space<semaphore_mem>>
      %dma_start3A_85 = arith.constant 0 : i32
      %dma_start3A_86 = tpu.memref_slice %arg10[%mul3A_29, %dma_start3A_85] : memref<10240x128xf32, #tpu.memory_space<vmem_shared>> -> memref<128x128xf32, #tpu.memory_space<vmem_shared>>
      %dma_start3A_87 = arith.constant 0 : i32
      %dma_start3A_88 = tpu.memref_slice %arg10[%mul3A_29, %dma_start3A_87] : memref<10240x128xf32, #tpu.memory_space<vmem_shared>> -> memref<128x128xf32, #tpu.memory_space<vmem_shared>>
      tpu.enqueue_dma source(%arg8 : memref<128x128xf32, #tpu.memory_space<vmem>>) target(%dma_start3A_88 : memref<128x128xf32, #tpu.memory_space<vmem_shared>>) target_semaphore(%run_scoped3A_84 : memref<!tpu.dma_semaphore, #tpu.memory_space<semaphore_mem>>)
      %dma_wait3A = arith.constant 0 : i32
      %dma_wait3A_89 = tpu.memref_slice %arg10[%mul3A_29, %dma_wait3A] : memref<10240x128xf32, #tpu.memory_space<vmem_shared>> -> memref<128x128xf32, #tpu.memory_space<vmem_shared>>
      %dma_wait3A_90 = arith.constant 0 : i32
      %dma_wait3A_91 = tpu.memref_slice %arg10[%mul3A_29, %dma_wait3A_90] : memref<10240x128xf32, #tpu.memory_space<vmem_shared>> -> memref<128x128xf32, #tpu.memory_space<vmem_shared>>
      tpu.wait_dma2 semaphore(%run_scoped3A_84 : memref<!tpu.dma_semaphore, #tpu.memory_space<semaphore_mem>>) src(%arg8 : memref<128x128xf32, #tpu.memory_space<vmem>>) dst(%dma_wait3A_91 : memref<128x128xf32, #tpu.memory_space<vmem_shared>>)
      tpu.yield
    }) : () -> ()
    %mul3A_30 = arith.constant 5 : i32
    %mul3A_31 = arith.muli %arg1, %mul3A_30 : i32
    %add3A_32 = arith.constant 4 : i32
    %add3A_33 = arith.addi %mul3A_31, %add3A_32 : i32
    %mul3A_34 = arith.constant 128 : i32
    %mul3A_35 = arith.muli %add3A_33, %mul3A_34 : i32
    "tpu.region"() ({
      %run_scoped3A_84 = tpu.sem_alloc : memref<!tpu.dma_semaphore, #tpu.memory_space<semaphore_mem>>
      %dma_start3A_85 = arith.constant 0 : i32
      %dma_start3A_86 = tpu.memref_slice %arg10[%mul3A_35, %dma_start3A_85] : memref<10240x128xf32, #tpu.memory_space<vmem_shared>> -> memref<128x128xf32, #tpu.memory_space<vmem_shared>>
      %dma_start3A_87 = arith.constant 0 : i32
      %dma_start3A_88 = tpu.memref_slice %arg10[%mul3A_35, %dma_start3A_87] : memref<10240x128xf32, #tpu.memory_space<vmem_shared>> -> memref<128x128xf32, #tpu.memory_space<vmem_shared>>
      tpu.enqueue_dma source(%arg8 : memref<128x128xf32, #tpu.memory_space<vmem>>) target(%dma_start3A_88 : memref<128x128xf32, #tpu.memory_space<vmem_shared>>) target_semaphore(%run_scoped3A_84 : memref<!tpu.dma_semaphore, #tpu.memory_space<semaphore_mem>>)
      %dma_wait3A = arith.constant 0 : i32
      %dma_wait3A_89 = tpu.memref_slice %arg10[%mul3A_35, %dma_wait3A] : memref<10240x128xf32, #tpu.memory_space<vmem_shared>> -> memref<128x128xf32, #tpu.memory_space<vmem_shared>>
      %dma_wait3A_90 = arith.constant 0 : i32
      %dma_wait3A_91 = tpu.memref_slice %arg10[%mul3A_35, %dma_wait3A_90] : memref<10240x128xf32, #tpu.memory_space<vmem_shared>> -> memref<128x128xf32, #tpu.memory_space<vmem_shared>>
      tpu.wait_dma2 semaphore(%run_scoped3A_84 : memref<!tpu.dma_semaphore, #tpu.memory_space<semaphore_mem>>) src(%arg8 : memref<128x128xf32, #tpu.memory_space<vmem>>) dst(%dma_wait3A_91 : memref<128x128xf32, #tpu.memory_space<vmem_shared>>)
      tpu.yield
    }) : () -> ()
    %barrier3A = arith.constant 0 : index
    tpu.barrier barrier_id(%barrier3A)
    %run_scoped3A = arith.constant 0 : i32
    "tpu.region"() ({
      %run_scoped3A_84 = tpu.sem_alloc : memref<!tpu.dma_semaphore, #tpu.memory_space<semaphore_mem>>
      %dma_start3A_85 = arith.constant 0 : i32
      %dma_start3A_86 = arith.constant 0 : i32
      %dma_start3A_87 = tpu.memref_slice %arg3[%run_scoped3A, %dma_start3A_85, %add3A, %dma_start3A_86] : memref<2x80x32x128xi32, #tpu.memory_space<hbm>> -> memref<1x40x1x128xi32, #tpu.memory_space<hbm>>
      %dma_start3A_88 = tpu.memref_squeeze %dma_start3A_87 : memref<1x40x1x128xi32, #tpu.memory_space<hbm>> -> memref<40x128xi32, #tpu.memory_space<hbm>>
      %dma_start3A_89 = arith.constant 0 : i32
      %dma_start3A_90 = arith.constant 0 : i32
      %dma_start3A_91 = tpu.memref_slice %arg3[%run_scoped3A, %dma_start3A_89, %add3A, %dma_start3A_90] : memref<2x80x32x128xi32, #tpu.memory_space<hbm>> -> memref<1x40x1x128xi32, #tpu.memory_space<hbm>>
      %dma_start3A_92 = tpu.memref_squeeze %dma_start3A_91 : memref<1x40x1x128xi32, #tpu.memory_space<hbm>> -> memref<40x128xi32, #tpu.memory_space<hbm>>
      tpu.enqueue_dma source(%dma_start3A_92 : memref<40x128xi32, #tpu.memory_space<hbm>>) target(%arg6 : memref<40x128xi32, #tpu.memory_space<vmem>>) target_semaphore(%run_scoped3A_84 : memref<!tpu.dma_semaphore, #tpu.memory_space<semaphore_mem>>)
      %dma_wait3A = arith.constant 0 : i32
      %dma_wait3A_93 = arith.constant 0 : i32
      %dma_wait3A_94 = tpu.memref_slice %arg3[%run_scoped3A, %dma_wait3A, %add3A, %dma_wait3A_93] : memref<2x80x32x128xi32, #tpu.memory_space<hbm>> -> memref<1x40x1x128xi32, #tpu.memory_space<hbm>>
      %dma_wait3A_95 = tpu.memref_squeeze %dma_wait3A_94 : memref<1x40x1x128xi32, #tpu.memory_space<hbm>> -> memref<40x128xi32, #tpu.memory_space<hbm>>
      %dma_wait3A_96 = arith.constant 0 : i32
      %dma_wait3A_97 = arith.constant 0 : i32
      %dma_wait3A_98 = tpu.memref_slice %arg3[%run_scoped3A, %dma_wait3A_96, %add3A, %dma_wait3A_97] : memref<2x80x32x128xi32, #tpu.memory_space<hbm>> -> memref<1x40x1x128xi32, #tpu.memory_space<hbm>>
      %dma_wait3A_99 = tpu.memref_squeeze %dma_wait3A_98 : memref<1x40x1x128xi32, #tpu.memory_space<hbm>> -> memref<40x128xi32, #tpu.memory_space<hbm>>
      tpu.wait_dma2 semaphore(%run_scoped3A_84 : memref<!tpu.dma_semaphore, #tpu.memory_space<semaphore_mem>>) src(%dma_wait3A_99 : memref<40x128xi32, #tpu.memory_space<hbm>>) dst(%arg6 : memref<40x128xi32, #tpu.memory_space<vmem>>)
      tpu.yield
    }) : () -> ()
    %run_scoped3A_36 = arith.constant 1 : i32
    "tpu.region"() ({
      %run_scoped3A_84 = tpu.sem_alloc : memref<!tpu.dma_semaphore, #tpu.memory_space<semaphore_mem>>
      %dma_start3A_85 = arith.constant 0 : i32
      %dma_start3A_86 = arith.constant 0 : i32
      %dma_start3A_87 = tpu.memref_slice %arg3[%run_scoped3A_36, %dma_start3A_85, %add3A, %dma_start3A_86] : memref<2x80x32x128xi32, #tpu.memory_space<hbm>> -> memref<1x40x1x128xi32, #tpu.memory_space<hbm>>
      %dma_start3A_88 = tpu.memref_squeeze %dma_start3A_87 : memref<1x40x1x128xi32, #tpu.memory_space<hbm>> -> memref<40x128xi32, #tpu.memory_space<hbm>>
      %dma_start3A_89 = arith.constant 0 : i32
      %dma_start3A_90 = arith.constant 0 : i32
      %dma_start3A_91 = tpu.memref_slice %arg3[%run_scoped3A_36, %dma_start3A_89, %add3A, %dma_start3A_90] : memref<2x80x32x128xi32, #tpu.memory_space<hbm>> -> memref<1x40x1x128xi32, #tpu.memory_space<hbm>>
      %dma_start3A_92 = tpu.memref_squeeze %dma_start3A_91 : memref<1x40x1x128xi32, #tpu.memory_space<hbm>> -> memref<40x128xi32, #tpu.memory_space<hbm>>
      tpu.enqueue_dma source(%dma_start3A_92 : memref<40x128xi32, #tpu.memory_space<hbm>>) target(%arg7 : memref<40x128xi32, #tpu.memory_space<vmem>>) target_semaphore(%run_scoped3A_84 : memref<!tpu.dma_semaphore, #tpu.memory_space<semaphore_mem>>)
      %dma_wait3A = arith.constant 0 : i32
      %dma_wait3A_93 = arith.constant 0 : i32
      %dma_wait3A_94 = tpu.memref_slice %arg3[%run_scoped3A_36, %dma_wait3A, %add3A, %dma_wait3A_93] : memref<2x80x32x128xi32, #tpu.memory_space<hbm>> -> memref<1x40x1x128xi32, #tpu.memory_space<hbm>>
      %dma_wait3A_95 = tpu.memref_squeeze %dma_wait3A_94 : memref<1x40x1x128xi32, #tpu.memory_space<hbm>> -> memref<40x128xi32, #tpu.memory_space<hbm>>
      %dma_wait3A_96 = arith.constant 0 : i32
      %dma_wait3A_97 = arith.constant 0 : i32
      %dma_wait3A_98 = tpu.memref_slice %arg3[%run_scoped3A_36, %dma_wait3A_96, %add3A, %dma_wait3A_97] : memref<2x80x32x128xi32, #tpu.memory_space<hbm>> -> memref<1x40x1x128xi32, #tpu.memory_space<hbm>>
      %dma_wait3A_99 = tpu.memref_squeeze %dma_wait3A_98 : memref<1x40x1x128xi32, #tpu.memory_space<hbm>> -> memref<40x128xi32, #tpu.memory_space<hbm>>
      tpu.wait_dma2 semaphore(%run_scoped3A_84 : memref<!tpu.dma_semaphore, #tpu.memory_space<semaphore_mem>>) src(%dma_wait3A_99 : memref<40x128xi32, #tpu.memory_space<hbm>>) dst(%arg7 : memref<40x128xi32, #tpu.memory_space<vmem>>)
      tpu.yield
    }) : () -> ()
    %dma_start3A = arith.constant 0 : i32
    %dma_start3A_37 = arith.constant 0 : i32
    %dma_start3A_38 = tpu.memref_slice %arg6[%dma_start3A, %dma_start3A_37] : memref<40x128xi32, #tpu.memory_space<vmem>> -> memref<1x128xi32, #tpu.memory_space<vmem>>
    %dma_start3A_39 = tpu.memref_squeeze %dma_start3A_38 : memref<1x128xi32, #tpu.memory_space<vmem>> -> memref<128xi32, #tpu.memory_space<vmem>>
    %dma_start3A_40 = arith.constant 0 : i32
    %dma_start3A_41 = arith.constant 0 : i32
    %dma_start3A_42 = tpu.memref_slice %arg2[%dma_start3A_40, %dma_start3A_41] : memref<10000x128xf32, #tpu.memory_space<hbm>> -> memref<10000x128xf32, #tpu.memory_space<hbm>>
    tpu.enqueue_indirect_dma source(%dma_start3A_42 : memref<10000x128xf32, #tpu.memory_space<hbm>>) target(%arg8 : memref<128x128xf32, #tpu.memory_space<vmem>>) offsets(%dma_start3A_39 : memref<128xi32, #tpu.memory_space<vmem>>) semaphore(%arg11 : memref<!tpu.dma_semaphore, #tpu.memory_space<semaphore_mem>>)
    %dma_start3A_43 = arith.constant 1 : i32
    %dma_start3A_44 = arith.constant 0 : i32
    %dma_start3A_45 = tpu.memref_slice %arg6[%dma_start3A_43, %dma_start3A_44] : memref<40x128xi32, #tpu.memory_space<vmem>> -> memref<1x128xi32, #tpu.memory_space<vmem>>
    %dma_start3A_46 = tpu.memref_squeeze %dma_start3A_45 : memref<1x128xi32, #tpu.memory_space<vmem>> -> memref<128xi32, #tpu.memory_space<vmem>>
    %dma_start3A_47 = arith.constant 0 : i32
    %dma_start3A_48 = arith.constant 0 : i32
    %dma_start3A_49 = tpu.memref_slice %arg2[%dma_start3A_47, %dma_start3A_48] : memref<10000x128xf32, #tpu.memory_space<hbm>> -> memref<10000x128xf32, #tpu.memory_space<hbm>>
    tpu.enqueue_indirect_dma source(%dma_start3A_49 : memref<10000x128xf32, #tpu.memory_space<hbm>>) target(%arg9 : memref<128x128xf32, #tpu.memory_space<vmem>>) offsets(%dma_start3A_46 : memref<128xi32, #tpu.memory_space<vmem>>) semaphore(%arg12 : memref<!tpu.dma_semaphore, #tpu.memory_space<semaphore_mem>>)
    %scan3A_50 = arith.constant 0 : i32
    %scan3A_51 = arith.constant 20 : i32
    %scan3A_52 = arith.addi %scan3A_50, %scan3A_51 : i32
    %scan3A_53 = arith.constant 1 : i32
    scf.for %scan3A_84 = %scan3A_50 to %scan3A_52 step %scan3A_53  : i32 {
      %mul3A_85 = arith.constant 1 : i32
      %mul3A_86 = arith.muli %scan3A_84, %mul3A_85 : i32
      %add3A_87 = arith.constant 0 : i32
      %add3A_88 = arith.addi %add3A_87, %mul3A_86 : i32
      %mul3A_89 = arith.constant 2 : i32
      %mul3A_90 = arith.muli %add3A_88, %mul3A_89 : i32
      %add3A_91 = arith.constant 0 : i32
      %add3A_92 = arith.addi %mul3A_90, %add3A_91 : i32
      %dma_wait3A = arith.constant 0 : i32
      %dma_wait3A_93 = tpu.memref_slice %arg6[%add3A_92, %dma_wait3A] : memref<40x128xi32, #tpu.memory_space<vmem>> -> memref<1x128xi32, #tpu.memory_space<vmem>>
      %dma_wait3A_94 = tpu.memref_squeeze %dma_wait3A_93 : memref<1x128xi32, #tpu.memory_space<vmem>> -> memref<128xi32, #tpu.memory_space<vmem>>
      %dma_wait3A_95 = arith.constant 0 : i32
      %dma_wait3A_96 = arith.constant 0 : i32
      %dma_wait3A_97 = tpu.memref_slice %arg2[%dma_wait3A_95, %dma_wait3A_96] : memref<10000x128xf32, #tpu.memory_space<hbm>> -> memref<10000x128xf32, #tpu.memory_space<hbm>>
      tpu.wait_indirect_dma semaphore(%arg11 : memref<!tpu.dma_semaphore, #tpu.memory_space<semaphore_mem>>) src(%dma_wait3A_97 : memref<10000x128xf32, #tpu.memory_space<hbm>>) dst(%arg8 : memref<128x128xf32, #tpu.memory_space<vmem>>)
      "tpu.region"() ({
        %run_scoped3A_119 = tpu.sem_alloc : memref<!tpu.dma_semaphore, #tpu.memory_space<semaphore_mem>>
        %dma_start3A_120 = arith.constant 0 : i32
        %dma_start3A_121 = tpu.memref_slice %arg7[%add3A_92, %dma_start3A_120] : memref<40x128xi32, #tpu.memory_space<vmem>> -> memref<1x128xi32, #tpu.memory_space<vmem>>
        %dma_start3A_122 = tpu.memref_squeeze %dma_start3A_121 : memref<1x128xi32, #tpu.memory_space<vmem>> -> memref<128xi32, #tpu.memory_space<vmem>>
        %dma_start3A_123 = arith.constant 0 : i32
        %dma_start3A_124 = arith.constant 0 : i32
        %dma_start3A_125 = tpu.memref_slice %arg10[%dma_start3A_123, %dma_start3A_124] : memref<10240x128xf32, #tpu.memory_space<vmem_shared>> -> memref<10240x128xf32, #tpu.memory_space<vmem_shared>>
        tpu.enqueue_indirect_dma source(%arg8 : memref<128x128xf32, #tpu.memory_space<vmem>>) target(%dma_start3A_125 : memref<10240x128xf32, #tpu.memory_space<vmem_shared>>) offsets(%dma_start3A_122 : memref<128xi32, #tpu.memory_space<vmem>>) semaphore(%run_scoped3A_119 : memref<!tpu.dma_semaphore, #tpu.memory_space<semaphore_mem>>) {add = true}
        %dma_wait3A_126 = arith.constant 0 : i32
        %dma_wait3A_127 = tpu.memref_slice %arg7[%add3A_92, %dma_wait3A_126] : memref<40x128xi32, #tpu.memory_space<vmem>> -> memref<1x128xi32, #tpu.memory_space<vmem>>
        %dma_wait3A_128 = tpu.memref_squeeze %dma_wait3A_127 : memref<1x128xi32, #tpu.memory_space<vmem>> -> memref<128xi32, #tpu.memory_space<vmem>>
        %dma_wait3A_129 = arith.constant 0 : i32
        %dma_wait3A_130 = arith.constant 0 : i32
        %dma_wait3A_131 = tpu.memref_slice %arg10[%dma_wait3A_129, %dma_wait3A_130] : memref<10240x128xf32, #tpu.memory_space<vmem_shared>> -> memref<10240x128xf32, #tpu.memory_space<vmem_shared>>
        tpu.wait_indirect_dma semaphore(%run_scoped3A_119 : memref<!tpu.dma_semaphore, #tpu.memory_space<semaphore_mem>>) src(%arg8 : memref<128x128xf32, #tpu.memory_space<vmem>>) dst(%dma_wait3A_131 : memref<10240x128xf32, #tpu.memory_space<vmem_shared>>)
        tpu.yield
      }) : () -> ()
      %add3A_98 = arith.constant 2 : i32
      %add3A_99 = arith.addi %add3A_92, %add3A_98 : i32
      %lt3A = arith.constant 40 : i32
      %lt3A_100 = arith.cmpi slt, %add3A_99, %lt3A : i32
      %convert_element_type3A_101 = arith.extui %lt3A_100 : i1 to i32
      %cond3A_102 = arith.constant 0 : i32
      %cond3A_103 = arith.cmpi ne, %convert_element_type3A_101, %cond3A_102 : i32
      scf.if %cond3A_103 {
        %add3A_119 = arith.constant 2 : i32
        %add3A_120 = arith.addi %add3A_92, %add3A_119 : i32
        %dma_start3A_121 = arith.constant 0 : i32
        %dma_start3A_122 = tpu.memref_slice %arg6[%add3A_120, %dma_start3A_121] : memref<40x128xi32, #tpu.memory_space<vmem>> -> memref<1x128xi32, #tpu.memory_space<vmem>>
        %dma_start3A_123 = tpu.memref_squeeze %dma_start3A_122 : memref<1x128xi32, #tpu.memory_space<vmem>> -> memref<128xi32, #tpu.memory_space<vmem>>
        %dma_start3A_124 = arith.constant 0 : i32
        %dma_start3A_125 = arith.constant 0 : i32
        %dma_start3A_126 = tpu.memref_slice %arg2[%dma_start3A_124, %dma_start3A_125] : memref<10000x128xf32, #tpu.memory_space<hbm>> -> memref<10000x128xf32, #tpu.memory_space<hbm>>
        tpu.enqueue_indirect_dma source(%dma_start3A_126 : memref<10000x128xf32, #tpu.memory_space<hbm>>) target(%arg8 : memref<128x128xf32, #tpu.memory_space<vmem>>) offsets(%dma_start3A_123 : memref<128xi32, #tpu.memory_space<vmem>>) semaphore(%arg11 : memref<!tpu.dma_semaphore, #tpu.memory_space<semaphore_mem>>)
      } else {
      }
      %add3A_104 = arith.constant 1 : i32
      %add3A_105 = arith.addi %mul3A_90, %add3A_104 : i32
      %dma_wait3A_106 = arith.constant 0 : i32
      %dma_wait3A_107 = tpu.memref_slice %arg6[%add3A_105, %dma_wait3A_106] : memref<40x128xi32, #tpu.memory_space<vmem>> -> memref<1x128xi32, #tpu.memory_space<vmem>>
      %dma_wait3A_108 = tpu.memref_squeeze %dma_wait3A_107 : memref<1x128xi32, #tpu.memory_space<vmem>> -> memref<128xi32, #tpu.memory_space<vmem>>
      %dma_wait3A_109 = arith.constant 0 : i32
      %dma_wait3A_110 = arith.constant 0 : i32
      %dma_wait3A_111 = tpu.memref_slice %arg2[%dma_wait3A_109, %dma_wait3A_110] : memref<10000x128xf32, #tpu.memory_space<hbm>> -> memref<10000x128xf32, #tpu.memory_space<hbm>>
      tpu.wait_indirect_dma semaphore(%arg12 : memref<!tpu.dma_semaphore, #tpu.memory_space<semaphore_mem>>) src(%dma_wait3A_111 : memref<10000x128xf32, #tpu.memory_space<hbm>>) dst(%arg9 : memref<128x128xf32, #tpu.memory_space<vmem>>)
      "tpu.region"() ({
        %run_scoped3A_119 = tpu.sem_alloc : memref<!tpu.dma_semaphore, #tpu.memory_space<semaphore_mem>>
        %dma_start3A_120 = arith.constant 0 : i32
        %dma_start3A_121 = tpu.memref_slice %arg7[%add3A_105, %dma_start3A_120] : memref<40x128xi32, #tpu.memory_space<vmem>> -> memref<1x128xi32, #tpu.memory_space<vmem>>
        %dma_start3A_122 = tpu.memref_squeeze %dma_start3A_121 : memref<1x128xi32, #tpu.memory_space<vmem>> -> memref<128xi32, #tpu.memory_space<vmem>>
        %dma_start3A_123 = arith.constant 0 : i32
        %dma_start3A_124 = arith.constant 0 : i32
        %dma_start3A_125 = tpu.memref_slice %arg10[%dma_start3A_123, %dma_start3A_124] : memref<10240x128xf32, #tpu.memory_space<vmem_shared>> -> memref<10240x128xf32, #tpu.memory_space<vmem_shared>>
        tpu.enqueue_indirect_dma source(%arg9 : memref<128x128xf32, #tpu.memory_space<vmem>>) target(%dma_start3A_125 : memref<10240x128xf32, #tpu.memory_space<vmem_shared>>) offsets(%dma_start3A_122 : memref<128xi32, #tpu.memory_space<vmem>>) semaphore(%run_scoped3A_119 : memref<!tpu.dma_semaphore, #tpu.memory_space<semaphore_mem>>) {add = true}
        %dma_wait3A_126 = arith.constant 0 : i32
        %dma_wait3A_127 = tpu.memref_slice %arg7[%add3A_105, %dma_wait3A_126] : memref<40x128xi32, #tpu.memory_space<vmem>> -> memref<1x128xi32, #tpu.memory_space<vmem>>
        %dma_wait3A_128 = tpu.memref_squeeze %dma_wait3A_127 : memref<1x128xi32, #tpu.memory_space<vmem>> -> memref<128xi32, #tpu.memory_space<vmem>>
        %dma_wait3A_129 = arith.constant 0 : i32
        %dma_wait3A_130 = arith.constant 0 : i32
        %dma_wait3A_131 = tpu.memref_slice %arg10[%dma_wait3A_129, %dma_wait3A_130] : memref<10240x128xf32, #tpu.memory_space<vmem_shared>> -> memref<10240x128xf32, #tpu.memory_space<vmem_shared>>
        tpu.wait_indirect_dma semaphore(%run_scoped3A_119 : memref<!tpu.dma_semaphore, #tpu.memory_space<semaphore_mem>>) src(%arg9 : memref<128x128xf32, #tpu.memory_space<vmem>>) dst(%dma_wait3A_131 : memref<10240x128xf32, #tpu.memory_space<vmem_shared>>)
        tpu.yield
      }) : () -> ()
      %add3A_112 = arith.constant 2 : i32
      %add3A_113 = arith.addi %add3A_105, %add3A_112 : i32
      %lt3A_114 = arith.constant 40 : i32
      %lt3A_115 = arith.cmpi slt, %add3A_113, %lt3A_114 : i32
      %convert_element_type3A_116 = arith.extui %lt3A_115 : i1 to i32
      %cond3A_117 = arith.constant 0 : i32
      %cond3A_118 = arith.cmpi ne, %convert_element_type3A_116, %cond3A_117 : i32
      scf.if %cond3A_118 {
        %add3A_119 = arith.constant 2 : i32
        %add3A_120 = arith.addi %add3A_105, %add3A_119 : i32
        %dma_start3A_121 = arith.constant 0 : i32
        %dma_start3A_122 = tpu.memref_slice %arg6[%add3A_120, %dma_start3A_121] : memref<40x128xi32, #tpu.memory_space<vmem>> -> memref<1x128xi32, #tpu.memory_space<vmem>>
        %dma_start3A_123 = tpu.memref_squeeze %dma_start3A_122 : memref<1x128xi32, #tpu.memory_space<vmem>> -> memref<128xi32, #tpu.memory_space<vmem>>
        %dma_start3A_124 = arith.constant 0 : i32
        %dma_start3A_125 = arith.constant 0 : i32
        %dma_start3A_126 = tpu.memref_slice %arg2[%dma_start3A_124, %dma_start3A_125] : memref<10000x128xf32, #tpu.memory_space<hbm>> -> memref<10000x128xf32, #tpu.memory_space<hbm>>
        tpu.enqueue_indirect_dma source(%dma_start3A_126 : memref<10000x128xf32, #tpu.memory_space<hbm>>) target(%arg9 : memref<128x128xf32, #tpu.memory_space<vmem>>) offsets(%dma_start3A_123 : memref<128xi32, #tpu.memory_space<vmem>>) semaphore(%arg12 : memref<!tpu.dma_semaphore, #tpu.memory_space<semaphore_mem>>)
      } else {
      }
    }
    %scan3A_54 = arith.constant 20 : i32
    %run_scoped3A_55 = arith.constant 0 : i32
    "tpu.region"() ({
      %run_scoped3A_84 = tpu.sem_alloc : memref<!tpu.dma_semaphore, #tpu.memory_space<semaphore_mem>>
      %dma_start3A_85 = arith.constant 40 : i32
      %dma_start3A_86 = arith.constant 0 : i32
      %dma_start3A_87 = tpu.memref_slice %arg3[%run_scoped3A_55, %dma_start3A_85, %add3A, %dma_start3A_86] : memref<2x80x32x128xi32, #tpu.memory_space<hbm>> -> memref<1x40x1x128xi32, #tpu.memory_space<hbm>>
      %dma_start3A_88 = tpu.memref_squeeze %dma_start3A_87 : memref<1x40x1x128xi32, #tpu.memory_space<hbm>> -> memref<40x128xi32, #tpu.memory_space<hbm>>
      %dma_start3A_89 = arith.constant 40 : i32
      %dma_start3A_90 = arith.constant 0 : i32
      %dma_start3A_91 = tpu.memref_slice %arg3[%run_scoped3A_55, %dma_start3A_89, %add3A, %dma_start3A_90] : memref<2x80x32x128xi32, #tpu.memory_space<hbm>> -> memref<1x40x1x128xi32, #tpu.memory_space<hbm>>
      %dma_start3A_92 = tpu.memref_squeeze %dma_start3A_91 : memref<1x40x1x128xi32, #tpu.memory_space<hbm>> -> memref<40x128xi32, #tpu.memory_space<hbm>>
      tpu.enqueue_dma source(%dma_start3A_92 : memref<40x128xi32, #tpu.memory_space<hbm>>) target(%arg6 : memref<40x128xi32, #tpu.memory_space<vmem>>) target_semaphore(%run_scoped3A_84 : memref<!tpu.dma_semaphore, #tpu.memory_space<semaphore_mem>>)
      %dma_wait3A = arith.constant 40 : i32
      %dma_wait3A_93 = arith.constant 0 : i32
      %dma_wait3A_94 = tpu.memref_slice %arg3[%run_scoped3A_55, %dma_wait3A, %add3A, %dma_wait3A_93] : memref<2x80x32x128xi32, #tpu.memory_space<hbm>> -> memref<1x40x1x128xi32, #tpu.memory_space<hbm>>
      %dma_wait3A_95 = tpu.memref_squeeze %dma_wait3A_94 : memref<1x40x1x128xi32, #tpu.memory_space<hbm>> -> memref<40x128xi32, #tpu.memory_space<hbm>>
      %dma_wait3A_96 = arith.constant 40 : i32
      %dma_wait3A_97 = arith.constant 0 : i32
      %dma_wait3A_98 = tpu.memref_slice %arg3[%run_scoped3A_55, %dma_wait3A_96, %add3A, %dma_wait3A_97] : memref<2x80x32x128xi32, #tpu.memory_space<hbm>> -> memref<1x40x1x128xi32, #tpu.memory_space<hbm>>
      %dma_wait3A_99 = tpu.memref_squeeze %dma_wait3A_98 : memref<1x40x1x128xi32, #tpu.memory_space<hbm>> -> memref<40x128xi32, #tpu.memory_space<hbm>>
      tpu.wait_dma2 semaphore(%run_scoped3A_84 : memref<!tpu.dma_semaphore, #tpu.memory_space<semaphore_mem>>) src(%dma_wait3A_99 : memref<40x128xi32, #tpu.memory_space<hbm>>) dst(%arg6 : memref<40x128xi32, #tpu.memory_space<vmem>>)
      tpu.yield
    }) : () -> ()
    %run_scoped3A_56 = arith.constant 1 : i32
    "tpu.region"() ({
      %run_scoped3A_84 = tpu.sem_alloc : memref<!tpu.dma_semaphore, #tpu.memory_space<semaphore_mem>>
      %dma_start3A_85 = arith.constant 40 : i32
      %dma_start3A_86 = arith.constant 0 : i32
      %dma_start3A_87 = tpu.memref_slice %arg3[%run_scoped3A_56, %dma_start3A_85, %add3A, %dma_start3A_86] : memref<2x80x32x128xi32, #tpu.memory_space<hbm>> -> memref<1x40x1x128xi32, #tpu.memory_space<hbm>>
      %dma_start3A_88 = tpu.memref_squeeze %dma_start3A_87 : memref<1x40x1x128xi32, #tpu.memory_space<hbm>> -> memref<40x128xi32, #tpu.memory_space<hbm>>
      %dma_start3A_89 = arith.constant 40 : i32
      %dma_start3A_90 = arith.constant 0 : i32
      %dma_start3A_91 = tpu.memref_slice %arg3[%run_scoped3A_56, %dma_start3A_89, %add3A, %dma_start3A_90] : memref<2x80x32x128xi32, #tpu.memory_space<hbm>> -> memref<1x40x1x128xi32, #tpu.memory_space<hbm>>
      %dma_start3A_92 = tpu.memref_squeeze %dma_start3A_91 : memref<1x40x1x128xi32, #tpu.memory_space<hbm>> -> memref<40x128xi32, #tpu.memory_space<hbm>>
      tpu.enqueue_dma source(%dma_start3A_92 : memref<40x128xi32, #tpu.memory_space<hbm>>) target(%arg7 : memref<40x128xi32, #tpu.memory_space<vmem>>) target_semaphore(%run_scoped3A_84 : memref<!tpu.dma_semaphore, #tpu.memory_space<semaphore_mem>>)
      %dma_wait3A = arith.constant 40 : i32
      %dma_wait3A_93 = arith.constant 0 : i32
      %dma_wait3A_94 = tpu.memref_slice %arg3[%run_scoped3A_56, %dma_wait3A, %add3A, %dma_wait3A_93] : memref<2x80x32x128xi32, #tpu.memory_space<hbm>> -> memref<1x40x1x128xi32, #tpu.memory_space<hbm>>
      %dma_wait3A_95 = tpu.memref_squeeze %dma_wait3A_94 : memref<1x40x1x128xi32, #tpu.memory_space<hbm>> -> memref<40x128xi32, #tpu.memory_space<hbm>>
      %dma_wait3A_96 = arith.constant 40 : i32
      %dma_wait3A_97 = arith.constant 0 : i32
      %dma_wait3A_98 = tpu.memref_slice %arg3[%run_scoped3A_56, %dma_wait3A_96, %add3A, %dma_wait3A_97] : memref<2x80x32x128xi32, #tpu.memory_space<hbm>> -> memref<1x40x1x128xi32, #tpu.memory_space<hbm>>
      %dma_wait3A_99 = tpu.memref_squeeze %dma_wait3A_98 : memref<1x40x1x128xi32, #tpu.memory_space<hbm>> -> memref<40x128xi32, #tpu.memory_space<hbm>>
      tpu.wait_dma2 semaphore(%run_scoped3A_84 : memref<!tpu.dma_semaphore, #tpu.memory_space<semaphore_mem>>) src(%dma_wait3A_99 : memref<40x128xi32, #tpu.memory_space<hbm>>) dst(%arg7 : memref<40x128xi32, #tpu.memory_space<vmem>>)
      tpu.yield
    }) : () -> ()
    %dma_start3A_57 = arith.constant 0 : i32
    %dma_start3A_58 = arith.constant 0 : i32
    %dma_start3A_59 = tpu.memref_slice %arg6[%dma_start3A_57, %dma_start3A_58] : memref<40x128xi32, #tpu.memory_space<vmem>> -> memref<1x128xi32, #tpu.memory_space<vmem>>
    %dma_start3A_60 = tpu.memref_squeeze %dma_start3A_59 : memref<1x128xi32, #tpu.memory_space<vmem>> -> memref<128xi32, #tpu.memory_space<vmem>>
    %dma_start3A_61 = arith.constant 0 : i32
    %dma_start3A_62 = arith.constant 0 : i32
    %dma_start3A_63 = tpu.memref_slice %arg2[%dma_start3A_61, %dma_start3A_62] : memref<10000x128xf32, #tpu.memory_space<hbm>> -> memref<10000x128xf32, #tpu.memory_space<hbm>>
    tpu.enqueue_indirect_dma source(%dma_start3A_63 : memref<10000x128xf32, #tpu.memory_space<hbm>>) target(%arg8 : memref<128x128xf32, #tpu.memory_space<vmem>>) offsets(%dma_start3A_60 : memref<128xi32, #tpu.memory_space<vmem>>) semaphore(%arg11 : memref<!tpu.dma_semaphore, #tpu.memory_space<semaphore_mem>>)
    %dma_start3A_64 = arith.constant 1 : i32
    %dma_start3A_65 = arith.constant 0 : i32
    %dma_start3A_66 = tpu.memref_slice %arg6[%dma_start3A_64, %dma_start3A_65] : memref<40x128xi32, #tpu.memory_space<vmem>> -> memref<1x128xi32, #tpu.memory_space<vmem>>
    %dma_start3A_67 = tpu.memref_squeeze %dma_start3A_66 : memref<1x128xi32, #tpu.memory_space<vmem>> -> memref<128xi32, #tpu.memory_space<vmem>>
    %dma_start3A_68 = arith.constant 0 : i32
    %dma_start3A_69 = arith.constant 0 : i32
    %dma_start3A_70 = tpu.memref_slice %arg2[%dma_start3A_68, %dma_start3A_69] : memref<10000x128xf32, #tpu.memory_space<hbm>> -> memref<10000x128xf32, #tpu.memory_space<hbm>>
    tpu.enqueue_indirect_dma source(%dma_start3A_70 : memref<10000x128xf32, #tpu.memory_space<hbm>>) target(%arg9 : memref<128x128xf32, #tpu.memory_space<vmem>>) offsets(%dma_start3A_67 : memref<128xi32, #tpu.memory_space<vmem>>) semaphore(%arg12 : memref<!tpu.dma_semaphore, #tpu.memory_space<semaphore_mem>>)
    %scan3A_71 = arith.constant 0 : i32
    %scan3A_72 = arith.constant 20 : i32
    %scan3A_73 = arith.addi %scan3A_71, %scan3A_72 : i32
    %scan3A_74 = arith.constant 1 : i32
    scf.for %scan3A_84 = %scan3A_71 to %scan3A_73 step %scan3A_74  : i32 {
      %mul3A_85 = arith.constant 1 : i32
      %mul3A_86 = arith.muli %scan3A_84, %mul3A_85 : i32
      %add3A_87 = arith.constant 0 : i32
      %add3A_88 = arith.addi %add3A_87, %mul3A_86 : i32
      %mul3A_89 = arith.constant 2 : i32
      %mul3A_90 = arith.muli %add3A_88, %mul3A_89 : i32
      %add3A_91 = arith.constant 0 : i32
      %add3A_92 = arith.addi %mul3A_90, %add3A_91 : i32
      %dma_wait3A = arith.constant 0 : i32
      %dma_wait3A_93 = tpu.memref_slice %arg6[%add3A_92, %dma_wait3A] : memref<40x128xi32, #tpu.memory_space<vmem>> -> memref<1x128xi32, #tpu.memory_space<vmem>>
      %dma_wait3A_94 = tpu.memref_squeeze %dma_wait3A_93 : memref<1x128xi32, #tpu.memory_space<vmem>> -> memref<128xi32, #tpu.memory_space<vmem>>
      %dma_wait3A_95 = arith.constant 0 : i32
      %dma_wait3A_96 = arith.constant 0 : i32
      %dma_wait3A_97 = tpu.memref_slice %arg2[%dma_wait3A_95, %dma_wait3A_96] : memref<10000x128xf32, #tpu.memory_space<hbm>> -> memref<10000x128xf32, #tpu.memory_space<hbm>>
      tpu.wait_indirect_dma semaphore(%arg11 : memref<!tpu.dma_semaphore, #tpu.memory_space<semaphore_mem>>) src(%dma_wait3A_97 : memref<10000x128xf32, #tpu.memory_space<hbm>>) dst(%arg8 : memref<128x128xf32, #tpu.memory_space<vmem>>)
      "tpu.region"() ({
        %run_scoped3A_119 = tpu.sem_alloc : memref<!tpu.dma_semaphore, #tpu.memory_space<semaphore_mem>>
        %dma_start3A_120 = arith.constant 0 : i32
        %dma_start3A_121 = tpu.memref_slice %arg7[%add3A_92, %dma_start3A_120] : memref<40x128xi32, #tpu.memory_space<vmem>> -> memref<1x128xi32, #tpu.memory_space<vmem>>
        %dma_start3A_122 = tpu.memref_squeeze %dma_start3A_121 : memref<1x128xi32, #tpu.memory_space<vmem>> -> memref<128xi32, #tpu.memory_space<vmem>>
        %dma_start3A_123 = arith.constant 0 : i32
        %dma_start3A_124 = arith.constant 0 : i32
        %dma_start3A_125 = tpu.memref_slice %arg10[%dma_start3A_123, %dma_start3A_124] : memref<10240x128xf32, #tpu.memory_space<vmem_shared>> -> memref<10240x128xf32, #tpu.memory_space<vmem_shared>>
        tpu.enqueue_indirect_dma source(%arg8 : memref<128x128xf32, #tpu.memory_space<vmem>>) target(%dma_start3A_125 : memref<10240x128xf32, #tpu.memory_space<vmem_shared>>) offsets(%dma_start3A_122 : memref<128xi32, #tpu.memory_space<vmem>>) semaphore(%run_scoped3A_119 : memref<!tpu.dma_semaphore, #tpu.memory_space<semaphore_mem>>) {add = true}
        %dma_wait3A_126 = arith.constant 0 : i32
        %dma_wait3A_127 = tpu.memref_slice %arg7[%add3A_92, %dma_wait3A_126] : memref<40x128xi32, #tpu.memory_space<vmem>> -> memref<1x128xi32, #tpu.memory_space<vmem>>
        %dma_wait3A_128 = tpu.memref_squeeze %dma_wait3A_127 : memref<1x128xi32, #tpu.memory_space<vmem>> -> memref<128xi32, #tpu.memory_space<vmem>>
        %dma_wait3A_129 = arith.constant 0 : i32
        %dma_wait3A_130 = arith.constant 0 : i32
        %dma_wait3A_131 = tpu.memref_slice %arg10[%dma_wait3A_129, %dma_wait3A_130] : memref<10240x128xf32, #tpu.memory_space<vmem_shared>> -> memref<10240x128xf32, #tpu.memory_space<vmem_shared>>
        tpu.wait_indirect_dma semaphore(%run_scoped3A_119 : memref<!tpu.dma_semaphore, #tpu.memory_space<semaphore_mem>>) src(%arg8 : memref<128x128xf32, #tpu.memory_space<vmem>>) dst(%dma_wait3A_131 : memref<10240x128xf32, #tpu.memory_space<vmem_shared>>)
        tpu.yield
      }) : () -> ()
      %add3A_98 = arith.constant 2 : i32
      %add3A_99 = arith.addi %add3A_92, %add3A_98 : i32
      %lt3A = arith.constant 40 : i32
      %lt3A_100 = arith.cmpi slt, %add3A_99, %lt3A : i32
      %convert_element_type3A_101 = arith.extui %lt3A_100 : i1 to i32
      %cond3A_102 = arith.constant 0 : i32
      %cond3A_103 = arith.cmpi ne, %convert_element_type3A_101, %cond3A_102 : i32
      scf.if %cond3A_103 {
        %add3A_119 = arith.constant 2 : i32
        %add3A_120 = arith.addi %add3A_92, %add3A_119 : i32
        %dma_start3A_121 = arith.constant 0 : i32
        %dma_start3A_122 = tpu.memref_slice %arg6[%add3A_120, %dma_start3A_121] : memref<40x128xi32, #tpu.memory_space<vmem>> -> memref<1x128xi32, #tpu.memory_space<vmem>>
        %dma_start3A_123 = tpu.memref_squeeze %dma_start3A_122 : memref<1x128xi32, #tpu.memory_space<vmem>> -> memref<128xi32, #tpu.memory_space<vmem>>
        %dma_start3A_124 = arith.constant 0 : i32
        %dma_start3A_125 = arith.constant 0 : i32
        %dma_start3A_126 = tpu.memref_slice %arg2[%dma_start3A_124, %dma_start3A_125] : memref<10000x128xf32, #tpu.memory_space<hbm>> -> memref<10000x128xf32, #tpu.memory_space<hbm>>
        tpu.enqueue_indirect_dma source(%dma_start3A_126 : memref<10000x128xf32, #tpu.memory_space<hbm>>) target(%arg8 : memref<128x128xf32, #tpu.memory_space<vmem>>) offsets(%dma_start3A_123 : memref<128xi32, #tpu.memory_space<vmem>>) semaphore(%arg11 : memref<!tpu.dma_semaphore, #tpu.memory_space<semaphore_mem>>)
      } else {
      }
      %add3A_104 = arith.constant 1 : i32
      %add3A_105 = arith.addi %mul3A_90, %add3A_104 : i32
      %dma_wait3A_106 = arith.constant 0 : i32
      %dma_wait3A_107 = tpu.memref_slice %arg6[%add3A_105, %dma_wait3A_106] : memref<40x128xi32, #tpu.memory_space<vmem>> -> memref<1x128xi32, #tpu.memory_space<vmem>>
      %dma_wait3A_108 = tpu.memref_squeeze %dma_wait3A_107 : memref<1x128xi32, #tpu.memory_space<vmem>> -> memref<128xi32, #tpu.memory_space<vmem>>
      %dma_wait3A_109 = arith.constant 0 : i32
      %dma_wait3A_110 = arith.constant 0 : i32
      %dma_wait3A_111 = tpu.memref_slice %arg2[%dma_wait3A_109, %dma_wait3A_110] : memref<10000x128xf32, #tpu.memory_space<hbm>> -> memref<10000x128xf32, #tpu.memory_space<hbm>>
      tpu.wait_indirect_dma semaphore(%arg12 : memref<!tpu.dma_semaphore, #tpu.memory_space<semaphore_mem>>) src(%dma_wait3A_111 : memref<10000x128xf32, #tpu.memory_space<hbm>>) dst(%arg9 : memref<128x128xf32, #tpu.memory_space<vmem>>)
      "tpu.region"() ({
        %run_scoped3A_119 = tpu.sem_alloc : memref<!tpu.dma_semaphore, #tpu.memory_space<semaphore_mem>>
        %dma_start3A_120 = arith.constant 0 : i32
        %dma_start3A_121 = tpu.memref_slice %arg7[%add3A_105, %dma_start3A_120] : memref<40x128xi32, #tpu.memory_space<vmem>> -> memref<1x128xi32, #tpu.memory_space<vmem>>
        %dma_start3A_122 = tpu.memref_squeeze %dma_start3A_121 : memref<1x128xi32, #tpu.memory_space<vmem>> -> memref<128xi32, #tpu.memory_space<vmem>>
        %dma_start3A_123 = arith.constant 0 : i32
        %dma_start3A_124 = arith.constant 0 : i32
        %dma_start3A_125 = tpu.memref_slice %arg10[%dma_start3A_123, %dma_start3A_124] : memref<10240x128xf32, #tpu.memory_space<vmem_shared>> -> memref<10240x128xf32, #tpu.memory_space<vmem_shared>>
        tpu.enqueue_indirect_dma source(%arg9 : memref<128x128xf32, #tpu.memory_space<vmem>>) target(%dma_start3A_125 : memref<10240x128xf32, #tpu.memory_space<vmem_shared>>) offsets(%dma_start3A_122 : memref<128xi32, #tpu.memory_space<vmem>>) semaphore(%run_scoped3A_119 : memref<!tpu.dma_semaphore, #tpu.memory_space<semaphore_mem>>) {add = true}
        %dma_wait3A_126 = arith.constant 0 : i32
        %dma_wait3A_127 = tpu.memref_slice %arg7[%add3A_105, %dma_wait3A_126] : memref<40x128xi32, #tpu.memory_space<vmem>> -> memref<1x128xi32, #tpu.memory_space<vmem>>
        %dma_wait3A_128 = tpu.memref_squeeze %dma_wait3A_127 : memref<1x128xi32, #tpu.memory_space<vmem>> -> memref<128xi32, #tpu.memory_space<vmem>>
        %dma_wait3A_129 = arith.constant 0 : i32
        %dma_wait3A_130 = arith.constant 0 : i32
        %dma_wait3A_131 = tpu.memref_slice %arg10[%dma_wait3A_129, %dma_wait3A_130] : memref<10240x128xf32, #tpu.memory_space<vmem_shared>> -> memref<10240x128xf32, #tpu.memory_space<vmem_shared>>
        tpu.wait_indirect_dma semaphore(%run_scoped3A_119 : memref<!tpu.dma_semaphore, #tpu.memory_space<semaphore_mem>>) src(%arg9 : memref<128x128xf32, #tpu.memory_space<vmem>>) dst(%dma_wait3A_131 : memref<10240x128xf32, #tpu.memory_space<vmem_shared>>)
        tpu.yield
      }) : () -> ()
      %add3A_112 = arith.constant 2 : i32
      %add3A_113 = arith.addi %add3A_105, %add3A_112 : i32
      %lt3A_114 = arith.constant 40 : i32
      %lt3A_115 = arith.cmpi slt, %add3A_113, %lt3A_114 : i32
      %convert_element_type3A_116 = arith.extui %lt3A_115 : i1 to i32
      %cond3A_117 = arith.constant 0 : i32
      %cond3A_118 = arith.cmpi ne, %convert_element_type3A_116, %cond3A_117 : i32
      scf.if %cond3A_118 {
        %add3A_119 = arith.constant 2 : i32
        %add3A_120 = arith.addi %add3A_105, %add3A_119 : i32
        %dma_start3A_121 = arith.constant 0 : i32
        %dma_start3A_122 = tpu.memref_slice %arg6[%add3A_120, %dma_start3A_121] : memref<40x128xi32, #tpu.memory_space<vmem>> -> memref<1x128xi32, #tpu.memory_space<vmem>>
        %dma_start3A_123 = tpu.memref_squeeze %dma_start3A_122 : memref<1x128xi32, #tpu.memory_space<vmem>> -> memref<128xi32, #tpu.memory_space<vmem>>
        %dma_start3A_124 = arith.constant 0 : i32
        %dma_start3A_125 = arith.constant 0 : i32
        %dma_start3A_126 = tpu.memref_slice %arg2[%dma_start3A_124, %dma_start3A_125] : memref<10000x128xf32, #tpu.memory_space<hbm>> -> memref<10000x128xf32, #tpu.memory_space<hbm>>
        tpu.enqueue_indirect_dma source(%dma_start3A_126 : memref<10000x128xf32, #tpu.memory_space<hbm>>) target(%arg9 : memref<128x128xf32, #tpu.memory_space<vmem>>) offsets(%dma_start3A_123 : memref<128xi32, #tpu.memory_space<vmem>>) semaphore(%arg12 : memref<!tpu.dma_semaphore, #tpu.memory_space<semaphore_mem>>)
      } else {
      }
    }
    %scan3A_75 = arith.constant 20 : i32
    %barrier3A_76 = arith.constant 0 : index
    tpu.barrier barrier_id(%barrier3A_76)
    %eq3A = arith.constant 0 : i32
    %eq3A_77 = arith.cmpi eq, %arg0, %eq3A : i32
    %convert_element_type3A = arith.extui %eq3A_77 : i1 to i32
    %cond3A = arith.constant 0 : i32
    %cond3A_78 = arith.cmpi ne, %convert_element_type3A, %cond3A : i32
    scf.if %cond3A_78 {
      %mul3A_84 = arith.constant 640 : i32
      %mul3A_85 = arith.muli %arg1, %mul3A_84 : i32
      %mul3A_86 = arith.constant 640 : i32
      %mul3A_87 = arith.muli %arg1, %mul3A_86 : i32
      "tpu.region"() ({
        %run_scoped3A_88 = tpu.sem_alloc : memref<!tpu.dma_semaphore, #tpu.memory_space<semaphore_mem>>
        %dma_start3A_89 = arith.constant 0 : i32
        %dma_start3A_90 = tpu.memref_slice %arg4[%mul3A_87, %dma_start3A_89] : memref<10240x128xf32, #tpu.memory_space<hbm>> -> memref<640x128xf32, #tpu.memory_space<hbm>>
        %dma_start3A_91 = arith.constant 0 : i32
        %dma_start3A_92 = tpu.memref_slice %arg10[%mul3A_85, %dma_start3A_91] : memref<10240x128xf32, #tpu.memory_space<vmem_shared>> -> memref<640x128xf32, #tpu.memory_space<vmem_shared>>
        tpu.enqueue_dma source(%dma_start3A_92 : memref<640x128xf32, #tpu.memory_space<vmem_shared>>) target(%dma_start3A_90 : memref<640x128xf32, #tpu.memory_space<hbm>>) target_semaphore(%run_scoped3A_88 : memref<!tpu.dma_semaphore, #tpu.memory_space<semaphore_mem>>)
        %dma_wait3A = arith.constant 0 : i32
        %dma_wait3A_93 = tpu.memref_slice %arg4[%mul3A_87, %dma_wait3A] : memref<10240x128xf32, #tpu.memory_space<hbm>> -> memref<640x128xf32, #tpu.memory_space<hbm>>
        %dma_wait3A_94 = arith.constant 0 : i32
        %dma_wait3A_95 = tpu.memref_slice %arg10[%mul3A_85, %dma_wait3A_94] : memref<10240x128xf32, #tpu.memory_space<vmem_shared>> -> memref<640x128xf32, #tpu.memory_space<vmem_shared>>
        tpu.wait_dma2 semaphore(%run_scoped3A_88 : memref<!tpu.dma_semaphore, #tpu.memory_space<semaphore_mem>>) src(%dma_wait3A_95 : memref<640x128xf32, #tpu.memory_space<vmem_shared>>) dst(%dma_wait3A_93 : memref<640x128xf32, #tpu.memory_space<hbm>>)
        tpu.yield
      }) : () -> ()
    } else {
    }
    %eq3A_79 = arith.constant 1 : i32
    %eq3A_80 = arith.cmpi eq, %arg0, %eq3A_79 : i32
    %convert_element_type3A_81 = arith.extui %eq3A_80 : i1 to i32
    %cond3A_82 = arith.constant 0 : i32
    %cond3A_83 = arith.cmpi ne, %convert_element_type3A_81, %cond3A_82 : i32
    scf.if %cond3A_83 {
      %mul3A_84 = arith.constant 640 : i32
      %mul3A_85 = arith.muli %arg1, %mul3A_84 : i32
      %mul3A_86 = arith.constant 640 : i32
      %mul3A_87 = arith.muli %arg1, %mul3A_86 : i32
      "tpu.region"() ({
        %run_scoped3A_88 = tpu.sem_alloc : memref<!tpu.dma_semaphore, #tpu.memory_space<semaphore_mem>>
        %dma_start3A_89 = arith.constant 0 : i32
        %dma_start3A_90 = tpu.memref_slice %arg5[%mul3A_87, %dma_start3A_89] : memref<10240x128xf32, #tpu.memory_space<hbm>> -> memref<640x128xf32, #tpu.memory_space<hbm>>
        %dma_start3A_91 = arith.constant 0 : i32
        %dma_start3A_92 = tpu.memref_slice %arg10[%mul3A_85, %dma_start3A_91] : memref<10240x128xf32, #tpu.memory_space<vmem_shared>> -> memref<640x128xf32, #tpu.memory_space<vmem_shared>>
        tpu.enqueue_dma source(%dma_start3A_92 : memref<640x128xf32, #tpu.memory_space<vmem_shared>>) target(%dma_start3A_90 : memref<640x128xf32, #tpu.memory_space<hbm>>) target_semaphore(%run_scoped3A_88 : memref<!tpu.dma_semaphore, #tpu.memory_space<semaphore_mem>>)
        %dma_wait3A = arith.constant 0 : i32
        %dma_wait3A_93 = tpu.memref_slice %arg5[%mul3A_87, %dma_wait3A] : memref<10240x128xf32, #tpu.memory_space<hbm>> -> memref<640x128xf32, #tpu.memory_space<hbm>>
        %dma_wait3A_94 = arith.constant 0 : i32
        %dma_wait3A_95 = tpu.memref_slice %arg10[%mul3A_85, %dma_wait3A_94] : memref<10240x128xf32, #tpu.memory_space<vmem_shared>> -> memref<640x128xf32, #tpu.memory_space<vmem_shared>>
        tpu.wait_dma2 semaphore(%run_scoped3A_88 : memref<!tpu.dma_semaphore, #tpu.memory_space<semaphore_mem>>) src(%dma_wait3A_95 : memref<640x128xf32, #tpu.memory_space<vmem_shared>>) dst(%dma_wait3A_93 : memref<640x128xf32, #tpu.memory_space<hbm>>)
        tpu.yield
      }) : () -> ()
    } else {
    }
    return
  }
}

#map = affine_map<(d0, d1) -> (0, 0)>
#map1 = affine_map<(d0, d1) -> (0, 0, 0, 0)>
module attributes {stable_mosaic.version = 14 : i64} {
  func.func @_gs_body(%arg0: i32, %arg1: i32, %arg2: memref<10000x128xf32, #tpu.memory_space<hbm>>, %arg3: memref<2x80x32x128xi32, #tpu.memory_space<hbm>>, %arg4: memref<10240x128xf32, #tpu.memory_space<hbm>>, %arg5: memref<10240x128xf32, #tpu.memory_space<hbm>>, %arg6: memref<40x128xi32, #tpu.memory_space<vmem>>, %arg7: memref<40x128xi32, #tpu.memory_space<vmem>>, %arg8: memref<128x128xf32, #tpu.memory_space<vmem>>, %arg9: memref<128x128xf32, #tpu.memory_space<vmem>>, %arg10: memref<10240x128xf32, #tpu.memory_space<vmem_shared>>, %arg11: memref<!tpu.dma_semaphore, #tpu.memory_space<semaphore_mem>>, %arg12: memref<!tpu.dma_semaphore, #tpu.memory_space<semaphore_mem>>) attributes {dimension_semantics = [#tpu.dimension_semantics<core_parallel>, #tpu.dimension_semantics<subcore_parallel>], iteration_bounds = array<i64: 2, 16>, scalar_prefetch = 0 : i64, scratch_operands = 7 : i64, tpu.core_type = #tpu.core_type<sc_vector_subcore>, window_params = [{transform_indices = #map}, {transform_indices = #map1}, {transform_indices = #map}, {transform_indices = #map}]} {
    %mul3A = arith.constant 16 : i32
    %mul3A_0 = arith.muli %arg0, %mul3A : i32
    %add3A = arith.addi %mul3A_0, %arg1 : i32
    %broadcast_in_dim3A = arith.constant 0.000000e+00 : f32
    %broadcast_in_dim3A_1 = vector.broadcast %broadcast_in_dim3A : f32 to vector<16xf32>
    %scan3A = arith.constant 0 : i32
    %scan3A_2 = arith.constant 128 : i32
    %scan3A_3 = arith.addi %scan3A, %scan3A_2 : i32
    %scan3A_4 = arith.constant 1 : i32
    scf.for %scan3A_84 = %scan3A to %scan3A_3 step %scan3A_4  : i32 {
      %mul3A_85 = arith.constant 1 : i32
      %mul3A_86 = arith.muli %scan3A_84, %mul3A_85 : i32
      %add3A_87 = arith.constant 0 : i32
      %add3A_88 = arith.addi %add3A_87, %mul3A_86 : i32
      %swap3A = arith.index_cast %add3A_88 : i32 to index
      %swap3A_89 = arith.constant 0 : index
      %swap3A_90 = tpu.vector_load %arg8[%swap3A, %swap3A_89] {strides = array<i32>} : memref<128x128xf32, #tpu.memory_space<vmem>>, vector<1x16xf32>,
      %swap3A_91 = vector.shape_cast %swap3A_90 : vector<1x16xf32> to vector<16xf32>
      %swap3A_92 = vector.shape_cast %broadcast_in_dim3A_1 : vector<16xf32> to vector<1x16xf32>
      tpu.vector_store %arg8[%swap3A, %swap3A_89], %swap3A_92 {strides = array<i32>} : memref<128x128xf32, #tpu.memory_space<vmem>>, vector<1x16xf32>,
      %swap3A_93 = arith.index_cast %add3A_88 : i32 to index
      %swap3A_94 = arith.constant 16 : index
      %swap3A_95 = tpu.vector_load %arg8[%swap3A_93, %swap3A_94] {strides = array<i32>} : memref<128x128xf32, #tpu.memory_space<vmem>>, vector<1x16xf32>,
      %swap3A_96 = vector.shape_cast %swap3A_95 : vector<1x16xf32> to vector<16xf32>
      %swap3A_97 = vector.shape_cast %broadcast_in_dim3A_1 : vector<16xf32> to vector<1x16xf32>
      tpu.vector_store %arg8[%swap3A_93, %swap3A_94], %swap3A_97 {strides = array<i32>} : memref<128x128xf32, #tpu.memory_space<vmem>>, vector<1x16xf32>,
      %swap3A_98 = arith.index_cast %add3A_88 : i32 to index
      %swap3A_99 = arith.constant 32 : index
      %swap3A_100 = tpu.vector_load %arg8[%swap3A_98, %swap3A_99] {strides = array<i32>} : memref<128x128xf32, #tpu.memory_space<vmem>>, vector<1x16xf32>,
      %swap3A_101 = vector.shape_cast %swap3A_100 : vector<1x16xf32> to vector<16xf32>
      %swap3A_102 = vector.shape_cast %broadcast_in_dim3A_1 : vector<16xf32> to vector<1x16xf32>
      tpu.vector_store %arg8[%swap3A_98, %swap3A_99], %swap3A_102 {strides = array<i32>} : memref<128x128xf32, #tpu.memory_space<vmem>>, vector<1x16xf32>,
      %swap3A_103 = arith.index_cast %add3A_88 : i32 to index
      %swap3A_104 = arith.constant 48 : index
      %swap3A_105 = tpu.vector_load %arg8[%swap3A_103, %swap3A_104] {strides = array<i32>} : memref<128x128xf32, #tpu.memory_space<vmem>>, vector<1x16xf32>,
      %swap3A_106 = vector.shape_cast %swap3A_105 : vector<1x16xf32> to vector<16xf32>
      %swap3A_107 = vector.shape_cast %broadcast_in_dim3A_1 : vector<16xf32> to vector<1x16xf32>
      tpu.vector_store %arg8[%swap3A_103, %swap3A_104], %swap3A_107 {strides = array<i32>} : memref<128x128xf32, #tpu.memory_space<vmem>>, vector<1x16xf32>,
      %swap3A_108 = arith.index_cast %add3A_88 : i32 to index
      %swap3A_109 = arith.constant 64 : index
      %swap3A_110 = tpu.vector_load %arg8[%swap3A_108, %swap3A_109] {strides = array<i32>} : memref<128x128xf32, #tpu.memory_space<vmem>>, vector<1x16xf32>,
      %swap3A_111 = vector.shape_cast %swap3A_110 : vector<1x16xf32> to vector<16xf32>
      %swap3A_112 = vector.shape_cast %broadcast_in_dim3A_1 : vector<16xf32> to vector<1x16xf32>
      tpu.vector_store %arg8[%swap3A_108, %swap3A_109], %swap3A_112 {strides = array<i32>} : memref<128x128xf32, #tpu.memory_space<vmem>>, vector<1x16xf32>,
      %swap3A_113 = arith.index_cast %add3A_88 : i32 to index
      %swap3A_114 = arith.constant 80 : index
      %swap3A_115 = tpu.vector_load %arg8[%swap3A_113, %swap3A_114] {strides = array<i32>} : memref<128x128xf32, #tpu.memory_space<vmem>>, vector<1x16xf32>,
      %swap3A_116 = vector.shape_cast %swap3A_115 : vector<1x16xf32> to vector<16xf32>
      %swap3A_117 = vector.shape_cast %broadcast_in_dim3A_1 : vector<16xf32> to vector<1x16xf32>
      tpu.vector_store %arg8[%swap3A_113, %swap3A_114], %swap3A_117 {strides = array<i32>} : memref<128x128xf32, #tpu.memory_space<vmem>>, vector<1x16xf32>,
      %swap3A_118 = arith.index_cast %add3A_88 : i32 to index
      %swap3A_119 = arith.constant 96 : index
      %swap3A_120 = tpu.vector_load %arg8[%swap3A_118, %swap3A_119] {strides = array<i32>} : memref<128x128xf32, #tpu.memory_space<vmem>>, vector<1x16xf32>,
      %swap3A_121 = vector.shape_cast %swap3A_120 : vector<1x16xf32> to vector<16xf32>
      %swap3A_122 = vector.shape_cast %broadcast_in_dim3A_1 : vector<16xf32> to vector<1x16xf32>
      tpu.vector_store %arg8[%swap3A_118, %swap3A_119], %swap3A_122 {strides = array<i32>} : memref<128x128xf32, #tpu.memory_space<vmem>>, vector<1x16xf32>,
      %swap3A_123 = arith.index_cast %add3A_88 : i32 to index
      %swap3A_124 = arith.constant 112 : index
      %swap3A_125 = tpu.vector_load %arg8[%swap3A_123, %swap3A_124] {strides = array<i32>} : memref<128x128xf32, #tpu.memory_space<vmem>>, vector<1x16xf32>,
      %swap3A_126 = vector.shape_cast %swap3A_125 : vector<1x16xf32> to vector<16xf32>
      %swap3A_127 = vector.shape_cast %broadcast_in_dim3A_1 : vector<16xf32> to vector<1x16xf32>
      tpu.vector_store %arg8[%swap3A_123, %swap3A_124], %swap3A_127 {strides = array<i32>} : memref<128x128xf32, #tpu.memory_space<vmem>>, vector<1x16xf32>,
    }
    %scan3A_5 = arith.constant 128 : i32
    %mul3A_6 = arith.constant 5 : i32
    %mul3A_7 = arith.muli %arg1, %mul3A_6 : i32
    %add3A_8 = arith.constant 0 : i32
    %add3A_9 = arith.addi %mul3A_7, %add3A_8 : i32
    %mul3A_10 = arith.constant 128 : i32
    %mul3A_11 = arith.muli %add3A_9, %mul3A_10 : i32
    "tpu.region"() ({
      %run_scoped3A_84 = tpu.sem_alloc : memref<!tpu.dma_semaphore, #tpu.memory_space<semaphore_mem>>
      %dma_start3A_85 = arith.constant 0 : i32
      %dma_start3A_86 = tpu.memref_slice %arg10[%mul3A_11, %dma_start3A_85] : memref<10240x128xf32, #tpu.memory_space<vmem_shared>> -> memref<128x128xf32, #tpu.memory_space<vmem_shared>>
      %dma_start3A_87 = arith.constant 0 : i32
      %dma_start3A_88 = tpu.memref_slice %arg10[%mul3A_11, %dma_start3A_87] : memref<10240x128xf32, #tpu.memory_space<vmem_shared>> -> memref<128x128xf32, #tpu.memory_space<vmem_shared>>
      tpu.enqueue_dma source(%arg8 : memref<128x128xf32, #tpu.memory_space<vmem>>) target(%dma_start3A_88 : memref<128x128xf32, #tpu.memory_space<vmem_shared>>) target_semaphore(%run_scoped3A_84 : memref<!tpu.dma_semaphore, #tpu.memory_space<semaphore_mem>>)
      %dma_wait3A = arith.constant 0 : i32
      %dma_wait3A_89 = tpu.memref_slice %arg10[%mul3A_11, %dma_wait3A] : memref<10240x128xf32, #tpu.memory_space<vmem_shared>> -> memref<128x128xf32, #tpu.memory_space<vmem_shared>>
      %dma_wait3A_90 = arith.constant 0 : i32
      %dma_wait3A_91 = tpu.memref_slice %arg10[%mul3A_11, %dma_wait3A_90] : memref<10240x128xf32, #tpu.memory_space<vmem_shared>> -> memref<128x128xf32, #tpu.memory_space<vmem_shared>>
      tpu.wait_dma2 semaphore(%run_scoped3A_84 : memref<!tpu.dma_semaphore, #tpu.memory_space<semaphore_mem>>) src(%arg8 : memref<128x128xf32, #tpu.memory_space<vmem>>) dst(%dma_wait3A_91 : memref<128x128xf32, #tpu.memory_space<vmem_shared>>)
      tpu.yield
    }) : () -> ()
    %mul3A_12 = arith.constant 5 : i32
    %mul3A_13 = arith.muli %arg1, %mul3A_12 : i32
    %add3A_14 = arith.constant 1 : i32
    %add3A_15 = arith.addi %mul3A_13, %add3A_14 : i32
    %mul3A_16 = arith.constant 128 : i32
    %mul3A_17 = arith.muli %add3A_15, %mul3A_16 : i32
    "tpu.region"() ({
      %run_scoped3A_84 = tpu.sem_alloc : memref<!tpu.dma_semaphore, #tpu.memory_space<semaphore_mem>>
      %dma_start3A_85 = arith.constant 0 : i32
      %dma_start3A_86 = tpu.memref_slice %arg10[%mul3A_17, %dma_start3A_85] : memref<10240x128xf32, #tpu.memory_space<vmem_shared>> -> memref<128x128xf32, #tpu.memory_space<vmem_shared>>
      %dma_start3A_87 = arith.constant 0 : i32
      %dma_start3A_88 = tpu.memref_slice %arg10[%mul3A_17, %dma_start3A_87] : memref<10240x128xf32, #tpu.memory_space<vmem_shared>> -> memref<128x128xf32, #tpu.memory_space<vmem_shared>>
      tpu.enqueue_dma source(%arg8 : memref<128x128xf32, #tpu.memory_space<vmem>>) target(%dma_start3A_88 : memref<128x128xf32, #tpu.memory_space<vmem_shared>>) target_semaphore(%run_scoped3A_84 : memref<!tpu.dma_semaphore, #tpu.memory_space<semaphore_mem>>)
      %dma_wait3A = arith.constant 0 : i32
      %dma_wait3A_89 = tpu.memref_slice %arg10[%mul3A_17, %dma_wait3A] : memref<10240x128xf32, #tpu.memory_space<vmem_shared>> -> memref<128x128xf32, #tpu.memory_space<vmem_shared>>
      %dma_wait3A_90 = arith.constant 0 : i32
      %dma_wait3A_91 = tpu.memref_slice %arg10[%mul3A_17, %dma_wait3A_90] : memref<10240x128xf32, #tpu.memory_space<vmem_shared>> -> memref<128x128xf32, #tpu.memory_space<vmem_shared>>
      tpu.wait_dma2 semaphore(%run_scoped3A_84 : memref<!tpu.dma_semaphore, #tpu.memory_space<semaphore_mem>>) src(%arg8 : memref<128x128xf32, #tpu.memory_space<vmem>>) dst(%dma_wait3A_91 : memref<128x128xf32, #tpu.memory_space<vmem_shared>>)
      tpu.yield
    }) : () -> ()
    %mul3A_18 = arith.constant 5 : i32
    %mul3A_19 = arith.muli %arg1, %mul3A_18 : i32
    %add3A_20 = arith.constant 2 : i32
    %add3A_21 = arith.addi %mul3A_19, %add3A_20 : i32
    %mul3A_22 = arith.constant 128 : i32
    %mul3A_23 = arith.muli %add3A_21, %mul3A_22 : i32
    "tpu.region"() ({
      %run_scoped3A_84 = tpu.sem_alloc : memref<!tpu.dma_semaphore, #tpu.memory_space<semaphore_mem>>
      %dma_start3A_85 = arith.constant 0 : i32
      %dma_start3A_86 = tpu.memref_slice %arg10[%mul3A_23, %dma_start3A_85] : memref<10240x128xf32, #tpu.memory_space<vmem_shared>> -> memref<128x128xf32, #tpu.memory_space<vmem_shared>>
      %dma_start3A_87 = arith.constant 0 : i32
      %dma_start3A_88 = tpu.memref_slice %arg10[%mul3A_23, %dma_start3A_87] : memref<10240x128xf32, #tpu.memory_space<vmem_shared>> -> memref<128x128xf32, #tpu.memory_space<vmem_shared>>
      tpu.enqueue_dma source(%arg8 : memref<128x128xf32, #tpu.memory_space<vmem>>) target(%dma_start3A_88 : memref<128x128xf32, #tpu.memory_space<vmem_shared>>) target_semaphore(%run_scoped3A_84 : memref<!tpu.dma_semaphore, #tpu.memory_space<semaphore_mem>>)
      %dma_wait3A = arith.constant 0 : i32
      %dma_wait3A_89 = tpu.memref_slice %arg10[%mul3A_23, %dma_wait3A] : memref<10240x128xf32, #tpu.memory_space<vmem_shared>> -> memref<128x128xf32, #tpu.memory_space<vmem_shared>>
      %dma_wait3A_90 = arith.constant 0 : i32
      %dma_wait3A_91 = tpu.memref_slice %arg10[%mul3A_23, %dma_wait3A_90] : memref<10240x128xf32, #tpu.memory_space<vmem_shared>> -> memref<128x128xf32, #tpu.memory_space<vmem_shared>>
      tpu.wait_dma2 semaphore(%run_scoped3A_84 : memref<!tpu.dma_semaphore, #tpu.memory_space<semaphore_mem>>) src(%arg8 : memref<128x128xf32, #tpu.memory_space<vmem>>) dst(%dma_wait3A_91 : memref<128x128xf32, #tpu.memory_space<vmem_shared>>)
      tpu.yield
    }) : () -> ()
    %mul3A_24 = arith.constant 5 : i32
    %mul3A_25 = arith.muli %arg1, %mul3A_24 : i32
    %add3A_26 = arith.constant 3 : i32
    %add3A_27 = arith.addi %mul3A_25, %add3A_26 : i32
    %mul3A_28 = arith.constant 128 : i32
    %mul3A_29 = arith.muli %add3A_27, %mul3A_28 : i32
    "tpu.region"() ({
      %run_scoped3A_84 = tpu.sem_alloc : memref<!tpu.dma_semaphore, #tpu.memory_space<semaphore_mem>>
      %dma_start3A_85 = arith.constant 0 : i32
      %dma_start3A_86 = tpu.memref_slice %arg10[%mul3A_29, %dma_start3A_85] : memref<10240x128xf32, #tpu.memory_space<vmem_shared>> -> memref<128x128xf32, #tpu.memory_space<vmem_shared>>
      %dma_start3A_87 = arith.constant 0 : i32
      %dma_start3A_88 = tpu.memref_slice %arg10[%mul3A_29, %dma_start3A_87] : memref<10240x128xf32, #tpu.memory_space<vmem_shared>> -> memref<128x128xf32, #tpu.memory_space<vmem_shared>>
      tpu.enqueue_dma source(%arg8 : memref<128x128xf32, #tpu.memory_space<vmem>>) target(%dma_start3A_88 : memref<128x128xf32, #tpu.memory_space<vmem_shared>>) target_semaphore(%run_scoped3A_84 : memref<!tpu.dma_semaphore, #tpu.memory_space<semaphore_mem>>)
      %dma_wait3A = arith.constant 0 : i32
      %dma_wait3A_89 = tpu.memref_slice %arg10[%mul3A_29, %dma_wait3A] : memref<10240x128xf32, #tpu.memory_space<vmem_shared>> -> memref<128x128xf32, #tpu.memory_space<vmem_shared>>
      %dma_wait3A_90 = arith.constant 0 : i32
      %dma_wait3A_91 = tpu.memref_slice %arg10[%mul3A_29, %dma_wait3A_90] : memref<10240x128xf32, #tpu.memory_space<vmem_shared>> -> memref<128x128xf32, #tpu.memory_space<vmem_shared>>
      tpu.wait_dma2 semaphore(%run_scoped3A_84 : memref<!tpu.dma_semaphore, #tpu.memory_space<semaphore_mem>>) src(%arg8 : memref<128x128xf32, #tpu.memory_space<vmem>>) dst(%dma_wait3A_91 : memref<128x128xf32, #tpu.memory_space<vmem_shared>>)
      tpu.yield
    }) : () -> ()
    %mul3A_30 = arith.constant 5 : i32
    %mul3A_31 = arith.muli %arg1, %mul3A_30 : i32
    %add3A_32 = arith.constant 4 : i32
    %add3A_33 = arith.addi %mul3A_31, %add3A_32 : i32
    %mul3A_34 = arith.constant 128 : i32
    %mul3A_35 = arith.muli %add3A_33, %mul3A_34 : i32
    "tpu.region"() ({
      %run_scoped3A_84 = tpu.sem_alloc : memref<!tpu.dma_semaphore, #tpu.memory_space<semaphore_mem>>
      %dma_start3A_85 = arith.constant 0 : i32
      %dma_start3A_86 = tpu.memref_slice %arg10[%mul3A_35, %dma_start3A_85] : memref<10240x128xf32, #tpu.memory_space<vmem_shared>> -> memref<128x128xf32, #tpu.memory_space<vmem_shared>>
      %dma_start3A_87 = arith.constant 0 : i32
      %dma_start3A_88 = tpu.memref_slice %arg10[%mul3A_35, %dma_start3A_87] : memref<10240x128xf32, #tpu.memory_space<vmem_shared>> -> memref<128x128xf32, #tpu.memory_space<vmem_shared>>
      tpu.enqueue_dma source(%arg8 : memref<128x128xf32, #tpu.memory_space<vmem>>) target(%dma_start3A_88 : memref<128x128xf32, #tpu.memory_space<vmem_shared>>) target_semaphore(%run_scoped3A_84 : memref<!tpu.dma_semaphore, #tpu.memory_space<semaphore_mem>>)
      %dma_wait3A = arith.constant 0 : i32
      %dma_wait3A_89 = tpu.memref_slice %arg10[%mul3A_35, %dma_wait3A] : memref<10240x128xf32, #tpu.memory_space<vmem_shared>> -> memref<128x128xf32, #tpu.memory_space<vmem_shared>>
      %dma_wait3A_90 = arith.constant 0 : i32
      %dma_wait3A_91 = tpu.memref_slice %arg10[%mul3A_35, %dma_wait3A_90] : memref<10240x128xf32, #tpu.memory_space<vmem_shared>> -> memref<128x128xf32, #tpu.memory_space<vmem_shared>>
      tpu.wait_dma2 semaphore(%run_scoped3A_84 : memref<!tpu.dma_semaphore, #tpu.memory_space<semaphore_mem>>) src(%arg8 : memref<128x128xf32, #tpu.memory_space<vmem>>) dst(%dma_wait3A_91 : memref<128x128xf32, #tpu.memory_space<vmem_shared>>)
      tpu.yield
    }) : () -> ()
    %barrier3A = arith.constant 0 : index
    tpu.barrier barrier_id(%barrier3A)
    %run_scoped3A = arith.constant 0 : i32
    "tpu.region"() ({
      %run_scoped3A_84 = tpu.sem_alloc : memref<!tpu.dma_semaphore, #tpu.memory_space<semaphore_mem>>
      %dma_start3A_85 = arith.constant 0 : i32
      %dma_start3A_86 = arith.constant 0 : i32
      %dma_start3A_87 = tpu.memref_slice %arg3[%run_scoped3A, %dma_start3A_85, %add3A, %dma_start3A_86] : memref<2x80x32x128xi32, #tpu.memory_space<hbm>> -> memref<1x40x1x128xi32, #tpu.memory_space<hbm>>
      %dma_start3A_88 = tpu.memref_squeeze %dma_start3A_87 : memref<1x40x1x128xi32, #tpu.memory_space<hbm>> -> memref<40x128xi32, #tpu.memory_space<hbm>>
      %dma_start3A_89 = arith.constant 0 : i32
      %dma_start3A_90 = arith.constant 0 : i32
      %dma_start3A_91 = tpu.memref_slice %arg3[%run_scoped3A, %dma_start3A_89, %add3A, %dma_start3A_90] : memref<2x80x32x128xi32, #tpu.memory_space<hbm>> -> memref<1x40x1x128xi32, #tpu.memory_space<hbm>>
      %dma_start3A_92 = tpu.memref_squeeze %dma_start3A_91 : memref<1x40x1x128xi32, #tpu.memory_space<hbm>> -> memref<40x128xi32, #tpu.memory_space<hbm>>
      tpu.enqueue_dma source(%dma_start3A_92 : memref<40x128xi32, #tpu.memory_space<hbm>>) target(%arg6 : memref<40x128xi32, #tpu.memory_space<vmem>>) target_semaphore(%run_scoped3A_84 : memref<!tpu.dma_semaphore, #tpu.memory_space<semaphore_mem>>)
      %dma_wait3A = arith.constant 0 : i32
      %dma_wait3A_93 = arith.constant 0 : i32
      %dma_wait3A_94 = tpu.memref_slice %arg3[%run_scoped3A, %dma_wait3A, %add3A, %dma_wait3A_93] : memref<2x80x32x128xi32, #tpu.memory_space<hbm>> -> memref<1x40x1x128xi32, #tpu.memory_space<hbm>>
      %dma_wait3A_95 = tpu.memref_squeeze %dma_wait3A_94 : memref<1x40x1x128xi32, #tpu.memory_space<hbm>> -> memref<40x128xi32, #tpu.memory_space<hbm>>
      %dma_wait3A_96 = arith.constant 0 : i32
      %dma_wait3A_97 = arith.constant 0 : i32
      %dma_wait3A_98 = tpu.memref_slice %arg3[%run_scoped3A, %dma_wait3A_96, %add3A, %dma_wait3A_97] : memref<2x80x32x128xi32, #tpu.memory_space<hbm>> -> memref<1x40x1x128xi32, #tpu.memory_space<hbm>>
      %dma_wait3A_99 = tpu.memref_squeeze %dma_wait3A_98 : memref<1x40x1x128xi32, #tpu.memory_space<hbm>> -> memref<40x128xi32, #tpu.memory_space<hbm>>
      tpu.wait_dma2 semaphore(%run_scoped3A_84 : memref<!tpu.dma_semaphore, #tpu.memory_space<semaphore_mem>>) src(%dma_wait3A_99 : memref<40x128xi32, #tpu.memory_space<hbm>>) dst(%arg6 : memref<40x128xi32, #tpu.memory_space<vmem>>)
      tpu.yield
    }) : () -> ()
    %run_scoped3A_36 = arith.constant 1 : i32
    "tpu.region"() ({
      %run_scoped3A_84 = tpu.sem_alloc : memref<!tpu.dma_semaphore, #tpu.memory_space<semaphore_mem>>
      %dma_start3A_85 = arith.constant 0 : i32
      %dma_start3A_86 = arith.constant 0 : i32
      %dma_start3A_87 = tpu.memref_slice %arg3[%run_scoped3A_36, %dma_start3A_85, %add3A, %dma_start3A_86] : memref<2x80x32x128xi32, #tpu.memory_space<hbm>> -> memref<1x40x1x128xi32, #tpu.memory_space<hbm>>
      %dma_start3A_88 = tpu.memref_squeeze %dma_start3A_87 : memref<1x40x1x128xi32, #tpu.memory_space<hbm>> -> memref<40x128xi32, #tpu.memory_space<hbm>>
      %dma_start3A_89 = arith.constant 0 : i32
      %dma_start3A_90 = arith.constant 0 : i32
      %dma_start3A_91 = tpu.memref_slice %arg3[%run_scoped3A_36, %dma_start3A_89, %add3A, %dma_start3A_90] : memref<2x80x32x128xi32, #tpu.memory_space<hbm>> -> memref<1x40x1x128xi32, #tpu.memory_space<hbm>>
      %dma_start3A_92 = tpu.memref_squeeze %dma_start3A_91 : memref<1x40x1x128xi32, #tpu.memory_space<hbm>> -> memref<40x128xi32, #tpu.memory_space<hbm>>
      tpu.enqueue_dma source(%dma_start3A_92 : memref<40x128xi32, #tpu.memory_space<hbm>>) target(%arg7 : memref<40x128xi32, #tpu.memory_space<vmem>>) target_semaphore(%run_scoped3A_84 : memref<!tpu.dma_semaphore, #tpu.memory_space<semaphore_mem>>)
      %dma_wait3A = arith.constant 0 : i32
      %dma_wait3A_93 = arith.constant 0 : i32
      %dma_wait3A_94 = tpu.memref_slice %arg3[%run_scoped3A_36, %dma_wait3A, %add3A, %dma_wait3A_93] : memref<2x80x32x128xi32, #tpu.memory_space<hbm>> -> memref<1x40x1x128xi32, #tpu.memory_space<hbm>>
      %dma_wait3A_95 = tpu.memref_squeeze %dma_wait3A_94 : memref<1x40x1x128xi32, #tpu.memory_space<hbm>> -> memref<40x128xi32, #tpu.memory_space<hbm>>
      %dma_wait3A_96 = arith.constant 0 : i32
      %dma_wait3A_97 = arith.constant 0 : i32
      %dma_wait3A_98 = tpu.memref_slice %arg3[%run_scoped3A_36, %dma_wait3A_96, %add3A, %dma_wait3A_97] : memref<2x80x32x128xi32, #tpu.memory_space<hbm>> -> memref<1x40x1x128xi32, #tpu.memory_space<hbm>>
      %dma_wait3A_99 = tpu.memref_squeeze %dma_wait3A_98 : memref<1x40x1x128xi32, #tpu.memory_space<hbm>> -> memref<40x128xi32, #tpu.memory_space<hbm>>
      tpu.wait_dma2 semaphore(%run_scoped3A_84 : memref<!tpu.dma_semaphore, #tpu.memory_space<semaphore_mem>>) src(%dma_wait3A_99 : memref<40x128xi32, #tpu.memory_space<hbm>>) dst(%arg7 : memref<40x128xi32, #tpu.memory_space<vmem>>)
      tpu.yield
    }) : () -> ()
    %dma_start3A = arith.constant 0 : i32
    %dma_start3A_37 = arith.constant 0 : i32
    %dma_start3A_38 = tpu.memref_slice %arg6[%dma_start3A, %dma_start3A_37] : memref<40x128xi32, #tpu.memory_space<vmem>> -> memref<1x128xi32, #tpu.memory_space<vmem>>
    %dma_start3A_39 = tpu.memref_squeeze %dma_start3A_38 : memref<1x128xi32, #tpu.memory_space<vmem>> -> memref<128xi32, #tpu.memory_space<vmem>>
    %dma_start3A_40 = arith.constant 0 : i32
    %dma_start3A_41 = arith.constant 0 : i32
    %dma_start3A_42 = tpu.memref_slice %arg2[%dma_start3A_40, %dma_start3A_41] : memref<10000x128xf32, #tpu.memory_space<hbm>> -> memref<10000x128xf32, #tpu.memory_space<hbm>>
    tpu.enqueue_indirect_dma source(%dma_start3A_42 : memref<10000x128xf32, #tpu.memory_space<hbm>>) target(%arg8 : memref<128x128xf32, #tpu.memory_space<vmem>>) offsets(%dma_start3A_39 : memref<128xi32, #tpu.memory_space<vmem>>) semaphore(%arg11 : memref<!tpu.dma_semaphore, #tpu.memory_space<semaphore_mem>>)
    %dma_start3A_43 = arith.constant 1 : i32
    %dma_start3A_44 = arith.constant 0 : i32
    %dma_start3A_45 = tpu.memref_slice %arg6[%dma_start3A_43, %dma_start3A_44] : memref<40x128xi32, #tpu.memory_space<vmem>> -> memref<1x128xi32, #tpu.memory_space<vmem>>
    %dma_start3A_46 = tpu.memref_squeeze %dma_start3A_45 : memref<1x128xi32, #tpu.memory_space<vmem>> -> memref<128xi32, #tpu.memory_space<vmem>>
    %dma_start3A_47 = arith.constant 0 : i32
    %dma_start3A_48 = arith.constant 0 : i32
    %dma_start3A_49 = tpu.memref_slice %arg2[%dma_start3A_47, %dma_start3A_48] : memref<10000x128xf32, #tpu.memory_space<hbm>> -> memref<10000x128xf32, #tpu.memory_space<hbm>>
    tpu.enqueue_indirect_dma source(%dma_start3A_49 : memref<10000x128xf32, #tpu.memory_space<hbm>>) target(%arg9 : memref<128x128xf32, #tpu.memory_space<vmem>>) offsets(%dma_start3A_46 : memref<128xi32, #tpu.memory_space<vmem>>) semaphore(%arg12 : memref<!tpu.dma_semaphore, #tpu.memory_space<semaphore_mem>>)
    %scan3A_50 = arith.constant 0 : i32
    %scan3A_51 = arith.constant 20 : i32
    %scan3A_52 = arith.addi %scan3A_50, %scan3A_51 : i32
    %scan3A_53 = arith.constant 1 : i32
    scf.for %scan3A_84 = %scan3A_50 to %scan3A_52 step %scan3A_53  : i32 {
      %mul3A_85 = arith.constant 1 : i32
      %mul3A_86 = arith.muli %scan3A_84, %mul3A_85 : i32
      %add3A_87 = arith.constant 0 : i32
      %add3A_88 = arith.addi %add3A_87, %mul3A_86 : i32
      %mul3A_89 = arith.constant 2 : i32
      %mul3A_90 = arith.muli %add3A_88, %mul3A_89 : i32
      %add3A_91 = arith.constant 0 : i32
      %add3A_92 = arith.addi %mul3A_90, %add3A_91 : i32
      %dma_wait3A = arith.constant 0 : i32
      %dma_wait3A_93 = tpu.memref_slice %arg6[%add3A_92, %dma_wait3A] : memref<40x128xi32, #tpu.memory_space<vmem>> -> memref<1x128xi32, #tpu.memory_space<vmem>>
      %dma_wait3A_94 = tpu.memref_squeeze %dma_wait3A_93 : memref<1x128xi32, #tpu.memory_space<vmem>> -> memref<128xi32, #tpu.memory_space<vmem>>
      %dma_wait3A_95 = arith.constant 0 : i32
      %dma_wait3A_96 = arith.constant 0 : i32
      %dma_wait3A_97 = tpu.memref_slice %arg2[%dma_wait3A_95, %dma_wait3A_96] : memref<10000x128xf32, #tpu.memory_space<hbm>> -> memref<10000x128xf32, #tpu.memory_space<hbm>>
      tpu.wait_indirect_dma semaphore(%arg11 : memref<!tpu.dma_semaphore, #tpu.memory_space<semaphore_mem>>) src(%dma_wait3A_97 : memref<10000x128xf32, #tpu.memory_space<hbm>>) dst(%arg8 : memref<128x128xf32, #tpu.memory_space<vmem>>)
      "tpu.region"() ({
        %run_scoped3A_119 = tpu.sem_alloc : memref<!tpu.dma_semaphore, #tpu.memory_space<semaphore_mem>>
        %dma_start3A_120 = arith.constant 0 : i32
        %dma_start3A_121 = tpu.memref_slice %arg7[%add3A_92, %dma_start3A_120] : memref<40x128xi32, #tpu.memory_space<vmem>> -> memref<1x128xi32, #tpu.memory_space<vmem>>
        %dma_start3A_122 = tpu.memref_squeeze %dma_start3A_121 : memref<1x128xi32, #tpu.memory_space<vmem>> -> memref<128xi32, #tpu.memory_space<vmem>>
        %dma_start3A_123 = arith.constant 0 : i32
        %dma_start3A_124 = arith.constant 0 : i32
        %dma_start3A_125 = tpu.memref_slice %arg10[%dma_start3A_123, %dma_start3A_124] : memref<10240x128xf32, #tpu.memory_space<vmem_shared>> -> memref<10240x128xf32, #tpu.memory_space<vmem_shared>>
        tpu.enqueue_indirect_dma source(%arg8 : memref<128x128xf32, #tpu.memory_space<vmem>>) target(%dma_start3A_125 : memref<10240x128xf32, #tpu.memory_space<vmem_shared>>) offsets(%dma_start3A_122 : memref<128xi32, #tpu.memory_space<vmem>>) semaphore(%run_scoped3A_119 : memref<!tpu.dma_semaphore, #tpu.memory_space<semaphore_mem>>) {add = true}
        %dma_wait3A_126 = arith.constant 0 : i32
        %dma_wait3A_127 = tpu.memref_slice %arg7[%add3A_92, %dma_wait3A_126] : memref<40x128xi32, #tpu.memory_space<vmem>> -> memref<1x128xi32, #tpu.memory_space<vmem>>
        %dma_wait3A_128 = tpu.memref_squeeze %dma_wait3A_127 : memref<1x128xi32, #tpu.memory_space<vmem>> -> memref<128xi32, #tpu.memory_space<vmem>>
        %dma_wait3A_129 = arith.constant 0 : i32
        %dma_wait3A_130 = arith.constant 0 : i32
        %dma_wait3A_131 = tpu.memref_slice %arg10[%dma_wait3A_129, %dma_wait3A_130] : memref<10240x128xf32, #tpu.memory_space<vmem_shared>> -> memref<10240x128xf32, #tpu.memory_space<vmem_shared>>
        tpu.wait_indirect_dma semaphore(%run_scoped3A_119 : memref<!tpu.dma_semaphore, #tpu.memory_space<semaphore_mem>>) src(%arg8 : memref<128x128xf32, #tpu.memory_space<vmem>>) dst(%dma_wait3A_131 : memref<10240x128xf32, #tpu.memory_space<vmem_shared>>)
        tpu.yield
      }) : () -> ()
      %add3A_98 = arith.constant 2 : i32
      %add3A_99 = arith.addi %add3A_92, %add3A_98 : i32
      %lt3A = arith.constant 40 : i32
      %lt3A_100 = arith.cmpi slt, %add3A_99, %lt3A : i32
      %convert_element_type3A_101 = arith.extui %lt3A_100 : i1 to i32
      %cond3A_102 = arith.constant 0 : i32
      %cond3A_103 = arith.cmpi ne, %convert_element_type3A_101, %cond3A_102 : i32
      scf.if %cond3A_103 {
        %add3A_119 = arith.constant 2 : i32
        %add3A_120 = arith.addi %add3A_92, %add3A_119 : i32
        %dma_start3A_121 = arith.constant 0 : i32
        %dma_start3A_122 = tpu.memref_slice %arg6[%add3A_120, %dma_start3A_121] : memref<40x128xi32, #tpu.memory_space<vmem>> -> memref<1x128xi32, #tpu.memory_space<vmem>>
        %dma_start3A_123 = tpu.memref_squeeze %dma_start3A_122 : memref<1x128xi32, #tpu.memory_space<vmem>> -> memref<128xi32, #tpu.memory_space<vmem>>
        %dma_start3A_124 = arith.constant 0 : i32
        %dma_start3A_125 = arith.constant 0 : i32
        %dma_start3A_126 = tpu.memref_slice %arg2[%dma_start3A_124, %dma_start3A_125] : memref<10000x128xf32, #tpu.memory_space<hbm>> -> memref<10000x128xf32, #tpu.memory_space<hbm>>
        tpu.enqueue_indirect_dma source(%dma_start3A_126 : memref<10000x128xf32, #tpu.memory_space<hbm>>) target(%arg8 : memref<128x128xf32, #tpu.memory_space<vmem>>) offsets(%dma_start3A_123 : memref<128xi32, #tpu.memory_space<vmem>>) semaphore(%arg11 : memref<!tpu.dma_semaphore, #tpu.memory_space<semaphore_mem>>)
      } else {
      }
      %add3A_104 = arith.constant 1 : i32
      %add3A_105 = arith.addi %mul3A_90, %add3A_104 : i32
      %dma_wait3A_106 = arith.constant 0 : i32
      %dma_wait3A_107 = tpu.memref_slice %arg6[%add3A_105, %dma_wait3A_106] : memref<40x128xi32, #tpu.memory_space<vmem>> -> memref<1x128xi32, #tpu.memory_space<vmem>>
      %dma_wait3A_108 = tpu.memref_squeeze %dma_wait3A_107 : memref<1x128xi32, #tpu.memory_space<vmem>> -> memref<128xi32, #tpu.memory_space<vmem>>
      %dma_wait3A_109 = arith.constant 0 : i32
      %dma_wait3A_110 = arith.constant 0 : i32
      %dma_wait3A_111 = tpu.memref_slice %arg2[%dma_wait3A_109, %dma_wait3A_110] : memref<10000x128xf32, #tpu.memory_space<hbm>> -> memref<10000x128xf32, #tpu.memory_space<hbm>>
      tpu.wait_indirect_dma semaphore(%arg12 : memref<!tpu.dma_semaphore, #tpu.memory_space<semaphore_mem>>) src(%dma_wait3A_111 : memref<10000x128xf32, #tpu.memory_space<hbm>>) dst(%arg9 : memref<128x128xf32, #tpu.memory_space<vmem>>)
      "tpu.region"() ({
        %run_scoped3A_119 = tpu.sem_alloc : memref<!tpu.dma_semaphore, #tpu.memory_space<semaphore_mem>>
        %dma_start3A_120 = arith.constant 0 : i32
        %dma_start3A_121 = tpu.memref_slice %arg7[%add3A_105, %dma_start3A_120] : memref<40x128xi32, #tpu.memory_space<vmem>> -> memref<1x128xi32, #tpu.memory_space<vmem>>
        %dma_start3A_122 = tpu.memref_squeeze %dma_start3A_121 : memref<1x128xi32, #tpu.memory_space<vmem>> -> memref<128xi32, #tpu.memory_space<vmem>>
        %dma_start3A_123 = arith.constant 0 : i32
        %dma_start3A_124 = arith.constant 0 : i32
        %dma_start3A_125 = tpu.memref_slice %arg10[%dma_start3A_123, %dma_start3A_124] : memref<10240x128xf32, #tpu.memory_space<vmem_shared>> -> memref<10240x128xf32, #tpu.memory_space<vmem_shared>>
        tpu.enqueue_indirect_dma source(%arg9 : memref<128x128xf32, #tpu.memory_space<vmem>>) target(%dma_start3A_125 : memref<10240x128xf32, #tpu.memory_space<vmem_shared>>) offsets(%dma_start3A_122 : memref<128xi32, #tpu.memory_space<vmem>>) semaphore(%run_scoped3A_119 : memref<!tpu.dma_semaphore, #tpu.memory_space<semaphore_mem>>) {add = true}
        %dma_wait3A_126 = arith.constant 0 : i32
        %dma_wait3A_127 = tpu.memref_slice %arg7[%add3A_105, %dma_wait3A_126] : memref<40x128xi32, #tpu.memory_space<vmem>> -> memref<1x128xi32, #tpu.memory_space<vmem>>
        %dma_wait3A_128 = tpu.memref_squeeze %dma_wait3A_127 : memref<1x128xi32, #tpu.memory_space<vmem>> -> memref<128xi32, #tpu.memory_space<vmem>>
        %dma_wait3A_129 = arith.constant 0 : i32
        %dma_wait3A_130 = arith.constant 0 : i32
        %dma_wait3A_131 = tpu.memref_slice %arg10[%dma_wait3A_129, %dma_wait3A_130] : memref<10240x128xf32, #tpu.memory_space<vmem_shared>> -> memref<10240x128xf32, #tpu.memory_space<vmem_shared>>
        tpu.wait_indirect_dma semaphore(%run_scoped3A_119 : memref<!tpu.dma_semaphore, #tpu.memory_space<semaphore_mem>>) src(%arg9 : memref<128x128xf32, #tpu.memory_space<vmem>>) dst(%dma_wait3A_131 : memref<10240x128xf32, #tpu.memory_space<vmem_shared>>)
        tpu.yield
      }) : () -> ()
      %add3A_112 = arith.constant 2 : i32
      %add3A_113 = arith.addi %add3A_105, %add3A_112 : i32
      %lt3A_114 = arith.constant 40 : i32
      %lt3A_115 = arith.cmpi slt, %add3A_113, %lt3A_114 : i32
      %convert_element_type3A_116 = arith.extui %lt3A_115 : i1 to i32
      %cond3A_117 = arith.constant 0 : i32
      %cond3A_118 = arith.cmpi ne, %convert_element_type3A_116, %cond3A_117 : i32
      scf.if %cond3A_118 {
        %add3A_119 = arith.constant 2 : i32
        %add3A_120 = arith.addi %add3A_105, %add3A_119 : i32
        %dma_start3A_121 = arith.constant 0 : i32
        %dma_start3A_122 = tpu.memref_slice %arg6[%add3A_120, %dma_start3A_121] : memref<40x128xi32, #tpu.memory_space<vmem>> -> memref<1x128xi32, #tpu.memory_space<vmem>>
        %dma_start3A_123 = tpu.memref_squeeze %dma_start3A_122 : memref<1x128xi32, #tpu.memory_space<vmem>> -> memref<128xi32, #tpu.memory_space<vmem>>
        %dma_start3A_124 = arith.constant 0 : i32
        %dma_start3A_125 = arith.constant 0 : i32
        %dma_start3A_126 = tpu.memref_slice %arg2[%dma_start3A_124, %dma_start3A_125] : memref<10000x128xf32, #tpu.memory_space<hbm>> -> memref<10000x128xf32, #tpu.memory_space<hbm>>
        tpu.enqueue_indirect_dma source(%dma_start3A_126 : memref<10000x128xf32, #tpu.memory_space<hbm>>) target(%arg9 : memref<128x128xf32, #tpu.memory_space<vmem>>) offsets(%dma_start3A_123 : memref<128xi32, #tpu.memory_space<vmem>>) semaphore(%arg12 : memref<!tpu.dma_semaphore, #tpu.memory_space<semaphore_mem>>)
      } else {
      }
    }
    %scan3A_54 = arith.constant 20 : i32
    %run_scoped3A_55 = arith.constant 0 : i32
    "tpu.region"() ({
      %run_scoped3A_84 = tpu.sem_alloc : memref<!tpu.dma_semaphore, #tpu.memory_space<semaphore_mem>>
      %dma_start3A_85 = arith.constant 40 : i32
      %dma_start3A_86 = arith.constant 0 : i32
      %dma_start3A_87 = tpu.memref_slice %arg3[%run_scoped3A_55, %dma_start3A_85, %add3A, %dma_start3A_86] : memref<2x80x32x128xi32, #tpu.memory_space<hbm>> -> memref<1x40x1x128xi32, #tpu.memory_space<hbm>>
      %dma_start3A_88 = tpu.memref_squeeze %dma_start3A_87 : memref<1x40x1x128xi32, #tpu.memory_space<hbm>> -> memref<40x128xi32, #tpu.memory_space<hbm>>
      %dma_start3A_89 = arith.constant 40 : i32
      %dma_start3A_90 = arith.constant 0 : i32
      %dma_start3A_91 = tpu.memref_slice %arg3[%run_scoped3A_55, %dma_start3A_89, %add3A, %dma_start3A_90] : memref<2x80x32x128xi32, #tpu.memory_space<hbm>> -> memref<1x40x1x128xi32, #tpu.memory_space<hbm>>
      %dma_start3A_92 = tpu.memref_squeeze %dma_start3A_91 : memref<1x40x1x128xi32, #tpu.memory_space<hbm>> -> memref<40x128xi32, #tpu.memory_space<hbm>>
      tpu.enqueue_dma source(%dma_start3A_92 : memref<40x128xi32, #tpu.memory_space<hbm>>) target(%arg6 : memref<40x128xi32, #tpu.memory_space<vmem>>) target_semaphore(%run_scoped3A_84 : memref<!tpu.dma_semaphore, #tpu.memory_space<semaphore_mem>>)
      %dma_wait3A = arith.constant 40 : i32
      %dma_wait3A_93 = arith.constant 0 : i32
      %dma_wait3A_94 = tpu.memref_slice %arg3[%run_scoped3A_55, %dma_wait3A, %add3A, %dma_wait3A_93] : memref<2x80x32x128xi32, #tpu.memory_space<hbm>> -> memref<1x40x1x128xi32, #tpu.memory_space<hbm>>
      %dma_wait3A_95 = tpu.memref_squeeze %dma_wait3A_94 : memref<1x40x1x128xi32, #tpu.memory_space<hbm>> -> memref<40x128xi32, #tpu.memory_space<hbm>>
      %dma_wait3A_96 = arith.constant 40 : i32
      %dma_wait3A_97 = arith.constant 0 : i32
      %dma_wait3A_98 = tpu.memref_slice %arg3[%run_scoped3A_55, %dma_wait3A_96, %add3A, %dma_wait3A_97] : memref<2x80x32x128xi32, #tpu.memory_space<hbm>> -> memref<1x40x1x128xi32, #tpu.memory_space<hbm>>
      %dma_wait3A_99 = tpu.memref_squeeze %dma_wait3A_98 : memref<1x40x1x128xi32, #tpu.memory_space<hbm>> -> memref<40x128xi32, #tpu.memory_space<hbm>>
      tpu.wait_dma2 semaphore(%run_scoped3A_84 : memref<!tpu.dma_semaphore, #tpu.memory_space<semaphore_mem>>) src(%dma_wait3A_99 : memref<40x128xi32, #tpu.memory_space<hbm>>) dst(%arg6 : memref<40x128xi32, #tpu.memory_space<vmem>>)
      tpu.yield
    }) : () -> ()
    %run_scoped3A_56 = arith.constant 1 : i32
    "tpu.region"() ({
      %run_scoped3A_84 = tpu.sem_alloc : memref<!tpu.dma_semaphore, #tpu.memory_space<semaphore_mem>>
      %dma_start3A_85 = arith.constant 40 : i32
      %dma_start3A_86 = arith.constant 0 : i32
      %dma_start3A_87 = tpu.memref_slice %arg3[%run_scoped3A_56, %dma_start3A_85, %add3A, %dma_start3A_86] : memref<2x80x32x128xi32, #tpu.memory_space<hbm>> -> memref<1x40x1x128xi32, #tpu.memory_space<hbm>>
      %dma_start3A_88 = tpu.memref_squeeze %dma_start3A_87 : memref<1x40x1x128xi32, #tpu.memory_space<hbm>> -> memref<40x128xi32, #tpu.memory_space<hbm>>
      %dma_start3A_89 = arith.constant 40 : i32
      %dma_start3A_90 = arith.constant 0 : i32
      %dma_start3A_91 = tpu.memref_slice %arg3[%run_scoped3A_56, %dma_start3A_89, %add3A, %dma_start3A_90] : memref<2x80x32x128xi32, #tpu.memory_space<hbm>> -> memref<1x40x1x128xi32, #tpu.memory_space<hbm>>
      %dma_start3A_92 = tpu.memref_squeeze %dma_start3A_91 : memref<1x40x1x128xi32, #tpu.memory_space<hbm>> -> memref<40x128xi32, #tpu.memory_space<hbm>>
      tpu.enqueue_dma source(%dma_start3A_92 : memref<40x128xi32, #tpu.memory_space<hbm>>) target(%arg7 : memref<40x128xi32, #tpu.memory_space<vmem>>) target_semaphore(%run_scoped3A_84 : memref<!tpu.dma_semaphore, #tpu.memory_space<semaphore_mem>>)
      %dma_wait3A = arith.constant 40 : i32
      %dma_wait3A_93 = arith.constant 0 : i32
      %dma_wait3A_94 = tpu.memref_slice %arg3[%run_scoped3A_56, %dma_wait3A, %add3A, %dma_wait3A_93] : memref<2x80x32x128xi32, #tpu.memory_space<hbm>> -> memref<1x40x1x128xi32, #tpu.memory_space<hbm>>
      %dma_wait3A_95 = tpu.memref_squeeze %dma_wait3A_94 : memref<1x40x1x128xi32, #tpu.memory_space<hbm>> -> memref<40x128xi32, #tpu.memory_space<hbm>>
      %dma_wait3A_96 = arith.constant 40 : i32
      %dma_wait3A_97 = arith.constant 0 : i32
      %dma_wait3A_98 = tpu.memref_slice %arg3[%run_scoped3A_56, %dma_wait3A_96, %add3A, %dma_wait3A_97] : memref<2x80x32x128xi32, #tpu.memory_space<hbm>> -> memref<1x40x1x128xi32, #tpu.memory_space<hbm>>
      %dma_wait3A_99 = tpu.memref_squeeze %dma_wait3A_98 : memref<1x40x1x128xi32, #tpu.memory_space<hbm>> -> memref<40x128xi32, #tpu.memory_space<hbm>>
      tpu.wait_dma2 semaphore(%run_scoped3A_84 : memref<!tpu.dma_semaphore, #tpu.memory_space<semaphore_mem>>) src(%dma_wait3A_99 : memref<40x128xi32, #tpu.memory_space<hbm>>) dst(%arg7 : memref<40x128xi32, #tpu.memory_space<vmem>>)
      tpu.yield
    }) : () -> ()
    %dma_start3A_57 = arith.constant 0 : i32
    %dma_start3A_58 = arith.constant 0 : i32
    %dma_start3A_59 = tpu.memref_slice %arg6[%dma_start3A_57, %dma_start3A_58] : memref<40x128xi32, #tpu.memory_space<vmem>> -> memref<1x128xi32, #tpu.memory_space<vmem>>
    %dma_start3A_60 = tpu.memref_squeeze %dma_start3A_59 : memref<1x128xi32, #tpu.memory_space<vmem>> -> memref<128xi32, #tpu.memory_space<vmem>>
    %dma_start3A_61 = arith.constant 0 : i32
    %dma_start3A_62 = arith.constant 0 : i32
    %dma_start3A_63 = tpu.memref_slice %arg2[%dma_start3A_61, %dma_start3A_62] : memref<10000x128xf32, #tpu.memory_space<hbm>> -> memref<10000x128xf32, #tpu.memory_space<hbm>>
    tpu.enqueue_indirect_dma source(%dma_start3A_63 : memref<10000x128xf32, #tpu.memory_space<hbm>>) target(%arg8 : memref<128x128xf32, #tpu.memory_space<vmem>>) offsets(%dma_start3A_60 : memref<128xi32, #tpu.memory_space<vmem>>) semaphore(%arg11 : memref<!tpu.dma_semaphore, #tpu.memory_space<semaphore_mem>>)
    %dma_start3A_64 = arith.constant 1 : i32
    %dma_start3A_65 = arith.constant 0 : i32
    %dma_start3A_66 = tpu.memref_slice %arg6[%dma_start3A_64, %dma_start3A_65] : memref<40x128xi32, #tpu.memory_space<vmem>> -> memref<1x128xi32, #tpu.memory_space<vmem>>
    %dma_start3A_67 = tpu.memref_squeeze %dma_start3A_66 : memref<1x128xi32, #tpu.memory_space<vmem>> -> memref<128xi32, #tpu.memory_space<vmem>>
    %dma_start3A_68 = arith.constant 0 : i32
    %dma_start3A_69 = arith.constant 0 : i32
    %dma_start3A_70 = tpu.memref_slice %arg2[%dma_start3A_68, %dma_start3A_69] : memref<10000x128xf32, #tpu.memory_space<hbm>> -> memref<10000x128xf32, #tpu.memory_space<hbm>>
    tpu.enqueue_indirect_dma source(%dma_start3A_70 : memref<10000x128xf32, #tpu.memory_space<hbm>>) target(%arg9 : memref<128x128xf32, #tpu.memory_space<vmem>>) offsets(%dma_start3A_67 : memref<128xi32, #tpu.memory_space<vmem>>) semaphore(%arg12 : memref<!tpu.dma_semaphore, #tpu.memory_space<semaphore_mem>>)
    %scan3A_71 = arith.constant 0 : i32
    %scan3A_72 = arith.constant 20 : i32
    %scan3A_73 = arith.addi %scan3A_71, %scan3A_72 : i32
    %scan3A_74 = arith.constant 1 : i32
    scf.for %scan3A_84 = %scan3A_71 to %scan3A_73 step %scan3A_74  : i32 {
      %mul3A_85 = arith.constant 1 : i32
      %mul3A_86 = arith.muli %scan3A_84, %mul3A_85 : i32
      %add3A_87 = arith.constant 0 : i32
      %add3A_88 = arith.addi %add3A_87, %mul3A_86 : i32
      %mul3A_89 = arith.constant 2 : i32
      %mul3A_90 = arith.muli %add3A_88, %mul3A_89 : i32
      %add3A_91 = arith.constant 0 : i32
      %add3A_92 = arith.addi %mul3A_90, %add3A_91 : i32
      %dma_wait3A = arith.constant 0 : i32
      %dma_wait3A_93 = tpu.memref_slice %arg6[%add3A_92, %dma_wait3A] : memref<40x128xi32, #tpu.memory_space<vmem>> -> memref<1x128xi32, #tpu.memory_space<vmem>>
      %dma_wait3A_94 = tpu.memref_squeeze %dma_wait3A_93 : memref<1x128xi32, #tpu.memory_space<vmem>> -> memref<128xi32, #tpu.memory_space<vmem>>
      %dma_wait3A_95 = arith.constant 0 : i32
      %dma_wait3A_96 = arith.constant 0 : i32
      %dma_wait3A_97 = tpu.memref_slice %arg2[%dma_wait3A_95, %dma_wait3A_96] : memref<10000x128xf32, #tpu.memory_space<hbm>> -> memref<10000x128xf32, #tpu.memory_space<hbm>>
      tpu.wait_indirect_dma semaphore(%arg11 : memref<!tpu.dma_semaphore, #tpu.memory_space<semaphore_mem>>) src(%dma_wait3A_97 : memref<10000x128xf32, #tpu.memory_space<hbm>>) dst(%arg8 : memref<128x128xf32, #tpu.memory_space<vmem>>)
      "tpu.region"() ({
        %run_scoped3A_119 = tpu.sem_alloc : memref<!tpu.dma_semaphore, #tpu.memory_space<semaphore_mem>>
        %dma_start3A_120 = arith.constant 0 : i32
        %dma_start3A_121 = tpu.memref_slice %arg7[%add3A_92, %dma_start3A_120] : memref<40x128xi32, #tpu.memory_space<vmem>> -> memref<1x128xi32, #tpu.memory_space<vmem>>
        %dma_start3A_122 = tpu.memref_squeeze %dma_start3A_121 : memref<1x128xi32, #tpu.memory_space<vmem>> -> memref<128xi32, #tpu.memory_space<vmem>>
        %dma_start3A_123 = arith.constant 0 : i32
        %dma_start3A_124 = arith.constant 0 : i32
        %dma_start3A_125 = tpu.memref_slice %arg10[%dma_start3A_123, %dma_start3A_124] : memref<10240x128xf32, #tpu.memory_space<vmem_shared>> -> memref<10240x128xf32, #tpu.memory_space<vmem_shared>>
        tpu.enqueue_indirect_dma source(%arg8 : memref<128x128xf32, #tpu.memory_space<vmem>>) target(%dma_start3A_125 : memref<10240x128xf32, #tpu.memory_space<vmem_shared>>) offsets(%dma_start3A_122 : memref<128xi32, #tpu.memory_space<vmem>>) semaphore(%run_scoped3A_119 : memref<!tpu.dma_semaphore, #tpu.memory_space<semaphore_mem>>) {add = true}
        %dma_wait3A_126 = arith.constant 0 : i32
        %dma_wait3A_127 = tpu.memref_slice %arg7[%add3A_92, %dma_wait3A_126] : memref<40x128xi32, #tpu.memory_space<vmem>> -> memref<1x128xi32, #tpu.memory_space<vmem>>
        %dma_wait3A_128 = tpu.memref_squeeze %dma_wait3A_127 : memref<1x128xi32, #tpu.memory_space<vmem>> -> memref<128xi32, #tpu.memory_space<vmem>>
        %dma_wait3A_129 = arith.constant 0 : i32
        %dma_wait3A_130 = arith.constant 0 : i32
        %dma_wait3A_131 = tpu.memref_slice %arg10[%dma_wait3A_129, %dma_wait3A_130] : memref<10240x128xf32, #tpu.memory_space<vmem_shared>> -> memref<10240x128xf32, #tpu.memory_space<vmem_shared>>
        tpu.wait_indirect_dma semaphore(%run_scoped3A_119 : memref<!tpu.dma_semaphore, #tpu.memory_space<semaphore_mem>>) src(%arg8 : memref<128x128xf32, #tpu.memory_space<vmem>>) dst(%dma_wait3A_131 : memref<10240x128xf32, #tpu.memory_space<vmem_shared>>)
        tpu.yield
      }) : () -> ()
      %add3A_98 = arith.constant 2 : i32
      %add3A_99 = arith.addi %add3A_92, %add3A_98 : i32
      %lt3A = arith.constant 40 : i32
      %lt3A_100 = arith.cmpi slt, %add3A_99, %lt3A : i32
      %convert_element_type3A_101 = arith.extui %lt3A_100 : i1 to i32
      %cond3A_102 = arith.constant 0 : i32
      %cond3A_103 = arith.cmpi ne, %convert_element_type3A_101, %cond3A_102 : i32
      scf.if %cond3A_103 {
        %add3A_119 = arith.constant 2 : i32
        %add3A_120 = arith.addi %add3A_92, %add3A_119 : i32
        %dma_start3A_121 = arith.constant 0 : i32
        %dma_start3A_122 = tpu.memref_slice %arg6[%add3A_120, %dma_start3A_121] : memref<40x128xi32, #tpu.memory_space<vmem>> -> memref<1x128xi32, #tpu.memory_space<vmem>>
        %dma_start3A_123 = tpu.memref_squeeze %dma_start3A_122 : memref<1x128xi32, #tpu.memory_space<vmem>> -> memref<128xi32, #tpu.memory_space<vmem>>
        %dma_start3A_124 = arith.constant 0 : i32
        %dma_start3A_125 = arith.constant 0 : i32
        %dma_start3A_126 = tpu.memref_slice %arg2[%dma_start3A_124, %dma_start3A_125] : memref<10000x128xf32, #tpu.memory_space<hbm>> -> memref<10000x128xf32, #tpu.memory_space<hbm>>
        tpu.enqueue_indirect_dma source(%dma_start3A_126 : memref<10000x128xf32, #tpu.memory_space<hbm>>) target(%arg8 : memref<128x128xf32, #tpu.memory_space<vmem>>) offsets(%dma_start3A_123 : memref<128xi32, #tpu.memory_space<vmem>>) semaphore(%arg11 : memref<!tpu.dma_semaphore, #tpu.memory_space<semaphore_mem>>)
      } else {
      }
      %add3A_104 = arith.constant 1 : i32
      %add3A_105 = arith.addi %mul3A_90, %add3A_104 : i32
      %dma_wait3A_106 = arith.constant 0 : i32
      %dma_wait3A_107 = tpu.memref_slice %arg6[%add3A_105, %dma_wait3A_106] : memref<40x128xi32, #tpu.memory_space<vmem>> -> memref<1x128xi32, #tpu.memory_space<vmem>>
      %dma_wait3A_108 = tpu.memref_squeeze %dma_wait3A_107 : memref<1x128xi32, #tpu.memory_space<vmem>> -> memref<128xi32, #tpu.memory_space<vmem>>
      %dma_wait3A_109 = arith.constant 0 : i32
      %dma_wait3A_110 = arith.constant 0 : i32
      %dma_wait3A_111 = tpu.memref_slice %arg2[%dma_wait3A_109, %dma_wait3A_110] : memref<10000x128xf32, #tpu.memory_space<hbm>> -> memref<10000x128xf32, #tpu.memory_space<hbm>>
      tpu.wait_indirect_dma semaphore(%arg12 : memref<!tpu.dma_semaphore, #tpu.memory_space<semaphore_mem>>) src(%dma_wait3A_111 : memref<10000x128xf32, #tpu.memory_space<hbm>>) dst(%arg9 : memref<128x128xf32, #tpu.memory_space<vmem>>)
      "tpu.region"() ({
        %run_scoped3A_119 = tpu.sem_alloc : memref<!tpu.dma_semaphore, #tpu.memory_space<semaphore_mem>>
        %dma_start3A_120 = arith.constant 0 : i32
        %dma_start3A_121 = tpu.memref_slice %arg7[%add3A_105, %dma_start3A_120] : memref<40x128xi32, #tpu.memory_space<vmem>> -> memref<1x128xi32, #tpu.memory_space<vmem>>
        %dma_start3A_122 = tpu.memref_squeeze %dma_start3A_121 : memref<1x128xi32, #tpu.memory_space<vmem>> -> memref<128xi32, #tpu.memory_space<vmem>>
        %dma_start3A_123 = arith.constant 0 : i32
        %dma_start3A_124 = arith.constant 0 : i32
        %dma_start3A_125 = tpu.memref_slice %arg10[%dma_start3A_123, %dma_start3A_124] : memref<10240x128xf32, #tpu.memory_space<vmem_shared>> -> memref<10240x128xf32, #tpu.memory_space<vmem_shared>>
        tpu.enqueue_indirect_dma source(%arg9 : memref<128x128xf32, #tpu.memory_space<vmem>>) target(%dma_start3A_125 : memref<10240x128xf32, #tpu.memory_space<vmem_shared>>) offsets(%dma_start3A_122 : memref<128xi32, #tpu.memory_space<vmem>>) semaphore(%run_scoped3A_119 : memref<!tpu.dma_semaphore, #tpu.memory_space<semaphore_mem>>) {add = true}
        %dma_wait3A_126 = arith.constant 0 : i32
        %dma_wait3A_127 = tpu.memref_slice %arg7[%add3A_105, %dma_wait3A_126] : memref<40x128xi32, #tpu.memory_space<vmem>> -> memref<1x128xi32, #tpu.memory_space<vmem>>
        %dma_wait3A_128 = tpu.memref_squeeze %dma_wait3A_127 : memref<1x128xi32, #tpu.memory_space<vmem>> -> memref<128xi32, #tpu.memory_space<vmem>>
        %dma_wait3A_129 = arith.constant 0 : i32
        %dma_wait3A_130 = arith.constant 0 : i32
        %dma_wait3A_131 = tpu.memref_slice %arg10[%dma_wait3A_129, %dma_wait3A_130] : memref<10240x128xf32, #tpu.memory_space<vmem_shared>> -> memref<10240x128xf32, #tpu.memory_space<vmem_shared>>
        tpu.wait_indirect_dma semaphore(%run_scoped3A_119 : memref<!tpu.dma_semaphore, #tpu.memory_space<semaphore_mem>>) src(%arg9 : memref<128x128xf32, #tpu.memory_space<vmem>>) dst(%dma_wait3A_131 : memref<10240x128xf32, #tpu.memory_space<vmem_shared>>)
        tpu.yield
      }) : () -> ()
      %add3A_112 = arith.constant 2 : i32
      %add3A_113 = arith.addi %add3A_105, %add3A_112 : i32
      %lt3A_114 = arith.constant 40 : i32
      %lt3A_115 = arith.cmpi slt, %add3A_113, %lt3A_114 : i32
      %convert_element_type3A_116 = arith.extui %lt3A_115 : i1 to i32
      %cond3A_117 = arith.constant 0 : i32
      %cond3A_118 = arith.cmpi ne, %convert_element_type3A_116, %cond3A_117 : i32
      scf.if %cond3A_118 {
        %add3A_119 = arith.constant 2 : i32
        %add3A_120 = arith.addi %add3A_105, %add3A_119 : i32
        %dma_start3A_121 = arith.constant 0 : i32
        %dma_start3A_122 = tpu.memref_slice %arg6[%add3A_120, %dma_start3A_121] : memref<40x128xi32, #tpu.memory_space<vmem>> -> memref<1x128xi32, #tpu.memory_space<vmem>>
        %dma_start3A_123 = tpu.memref_squeeze %dma_start3A_122 : memref<1x128xi32, #tpu.memory_space<vmem>> -> memref<128xi32, #tpu.memory_space<vmem>>
        %dma_start3A_124 = arith.constant 0 : i32
        %dma_start3A_125 = arith.constant 0 : i32
        %dma_start3A_126 = tpu.memref_slice %arg2[%dma_start3A_124, %dma_start3A_125] : memref<10000x128xf32, #tpu.memory_space<hbm>> -> memref<10000x128xf32, #tpu.memory_space<hbm>>
        tpu.enqueue_indirect_dma source(%dma_start3A_126 : memref<10000x128xf32, #tpu.memory_space<hbm>>) target(%arg9 : memref<128x128xf32, #tpu.memory_space<vmem>>) offsets(%dma_start3A_123 : memref<128xi32, #tpu.memory_space<vmem>>) semaphore(%arg12 : memref<!tpu.dma_semaphore, #tpu.memory_space<semaphore_mem>>)
      } else {
      }
    }
    %scan3A_75 = arith.constant 20 : i32
    %barrier3A_76 = arith.constant 0 : index
    tpu.barrier barrier_id(%barrier3A_76)
    %eq3A = arith.constant 0 : i32
    %eq3A_77 = arith.cmpi eq, %arg0, %eq3A : i32
    %convert_element_type3A = arith.extui %eq3A_77 : i1 to i32
    %cond3A = arith.constant 0 : i32
    %cond3A_78 = arith.cmpi ne, %convert_element_type3A, %cond3A : i32
    scf.if %cond3A_78 {
      %mul3A_84 = arith.constant 640 : i32
      %mul3A_85 = arith.muli %arg1, %mul3A_84 : i32
      %mul3A_86 = arith.constant 640 : i32
      %mul3A_87 = arith.muli %arg1, %mul3A_86 : i32
      "tpu.region"() ({
        %run_scoped3A_88 = tpu.sem_alloc : memref<!tpu.dma_semaphore, #tpu.memory_space<semaphore_mem>>
        %dma_start3A_89 = arith.constant 0 : i32
        %dma_start3A_90 = tpu.memref_slice %arg4[%mul3A_87, %dma_start3A_89] : memref<10240x128xf32, #tpu.memory_space<hbm>> -> memref<640x128xf32, #tpu.memory_space<hbm>>
        %dma_start3A_91 = arith.constant 0 : i32
        %dma_start3A_92 = tpu.memref_slice %arg10[%mul3A_85, %dma_start3A_91] : memref<10240x128xf32, #tpu.memory_space<vmem_shared>> -> memref<640x128xf32, #tpu.memory_space<vmem_shared>>
        tpu.enqueue_dma source(%dma_start3A_92 : memref<640x128xf32, #tpu.memory_space<vmem_shared>>) target(%dma_start3A_90 : memref<640x128xf32, #tpu.memory_space<hbm>>) target_semaphore(%run_scoped3A_88 : memref<!tpu.dma_semaphore, #tpu.memory_space<semaphore_mem>>)
        %dma_wait3A = arith.constant 0 : i32
        %dma_wait3A_93 = tpu.memref_slice %arg4[%mul3A_87, %dma_wait3A] : memref<10240x128xf32, #tpu.memory_space<hbm>> -> memref<640x128xf32, #tpu.memory_space<hbm>>
        %dma_wait3A_94 = arith.constant 0 : i32
        %dma_wait3A_95 = tpu.memref_slice %arg10[%mul3A_85, %dma_wait3A_94] : memref<10240x128xf32, #tpu.memory_space<vmem_shared>> -> memref<640x128xf32, #tpu.memory_space<vmem_shared>>
        tpu.wait_dma2 semaphore(%run_scoped3A_88 : memref<!tpu.dma_semaphore, #tpu.memory_space<semaphore_mem>>) src(%dma_wait3A_95 : memref<640x128xf32, #tpu.memory_space<vmem_shared>>) dst(%dma_wait3A_93 : memref<640x128xf32, #tpu.memory_space<hbm>>)
        tpu.yield
      }) : () -> ()
    } else {
    }
    %eq3A_79 = arith.constant 1 : i32
    %eq3A_80 = arith.cmpi eq, %arg0, %eq3A_79 : i32
    %convert_element_type3A_81 = arith.extui %eq3A_80 : i1 to i32
    %cond3A_82 = arith.constant 0 : i32
    %cond3A_83 = arith.cmpi ne, %convert_element_type3A_81, %cond3A_82 : i32
    scf.if %cond3A_83 {
      %mul3A_84 = arith.constant 640 : i32
      %mul3A_85 = arith.muli %arg1, %mul3A_84 : i32
      %mul3A_86 = arith.constant 640 : i32
      %mul3A_87 = arith.muli %arg1, %mul3A_86 : i32
      "tpu.region"() ({
        %run_scoped3A_88 = tpu.sem_alloc : memref<!tpu.dma_semaphore, #tpu.memory_space<semaphore_mem>>
        %dma_start3A_89 = arith.constant 0 : i32
        %dma_start3A_90 = tpu.memref_slice %arg5[%mul3A_87, %dma_start3A_89] : memref<10240x128xf32, #tpu.memory_space<hbm>> -> memref<640x128xf32, #tpu.memory_space<hbm>>
        %dma_start3A_91 = arith.constant 0 : i32
        %dma_start3A_92 = tpu.memref_slice %arg10[%mul3A_85, %dma_start3A_91] : memref<10240x128xf32, #tpu.memory_space<vmem_shared>> -> memref<640x128xf32, #tpu.memory_space<vmem_shared>>
        tpu.enqueue_dma source(%dma_start3A_92 : memref<640x128xf32, #tpu.memory_space<vmem_shared>>) target(%dma_start3A_90 : memref<640x128xf32, #tpu.memory_space<hbm>>) target_semaphore(%run_scoped3A_88 : memref<!tpu.dma_semaphore, #tpu.memory_space<semaphore_mem>>)
        %dma_wait3A = arith.constant 0 : i32
        %dma_wait3A_93 = tpu.memref_slice %arg5[%mul3A_87, %dma_wait3A] : memref<10240x128xf32, #tpu.memory_space<hbm>> -> memref<640x128xf32, #tpu.memory_space<hbm>>
        %dma_wait3A_94 = arith.constant 0 : i32
        %dma_wait3A_95 = tpu.memref_slice %arg10[%mul3A_85, %dma_wait3A_94] : memref<10240x128xf32, #tpu.memory_space<vmem_shared>> -> memref<640x128xf32, #tpu.memory_space<vmem_shared>>
        tpu.wait_dma2 semaphore(%run_scoped3A_88 : memref<!tpu.dma_semaphore, #tpu.memory_space<semaphore_mem>>) src(%dma_wait3A_95 : memref<640x128xf32, #tpu.memory_space<vmem_shared>>) dst(%dma_wait3A_93 : memref<640x128xf32, #tpu.memory_space<hbm>>)
        tpu.yield
      }) : () -> ()
    } else {
    }
    return
  }
}

module attributes {stable_mosaic.version = 14 : i64} {
  func.func @_tc1_body(%arg0: i32, %arg1: memref<2000x128xf32, #tpu.memory_space<vmem>>, %arg2: memref<128x128xf32, #tpu.memory_space<vmem>>, %arg3: memref<2000x1xf32, #tpu.memory_space<vmem>>, %arg4: memref<2000x1xf32, #tpu.memory_space<vmem>>, %arg5: memref<2000x128xf32, #tpu.memory_space<vmem>>) attributes {dimension_semantics = [#tpu.dimension_semantics<arbitrary>], iteration_bounds = array<i64: 5>, scalar_prefetch = 0 : i64, scratch_operands = 0 : i64, tpu.core_type = #tpu.core_type<tc>, window_params = [{transform_indices = @transform_0, window_bounds = array<i64: 2000, 128>}, {pipeline_mode = #tpu.pipeline_mode<synchronous>, transform_indices = @transform_1, window_bounds = array<i64: 128, 128>}, {transform_indices = @transform_2, window_bounds = array<i64: 2000, 1>}, {transform_indices = @transform_3, window_bounds = array<i64: 2000, 1>}, {transform_indices = @transform_4, window_bounds = array<i64: 2000, 128>}]} {
    %get3A = arith.constant 0 : index
    %get3A_0 = arith.constant 0 : index
    %get3A_1 = vector.load %arg3[%get3A, %get3A_0] : memref<2000x1xf32, #tpu.memory_space<vmem>>, vector<2000x1xf32>
    %add3A = arith.constant 1.000000e+00 : f32
    %add3A_2 = vector.broadcast %add3A : f32 to vector<2000x1xf32>
    %add3A_3 = arith.addf %add3A_2, %get3A_1 : vector<2000x1xf32>
    %get3A_4 = arith.constant 0 : index
    %get3A_5 = arith.constant 0 : index
    %get3A_6 = vector.load %arg4[%get3A_4, %get3A_5] : memref<2000x1xf32, #tpu.memory_space<vmem>>, vector<2000x1xf32>
    %add3A_7 = arith.addf %add3A_3, %get3A_6 : vector<2000x1xf32>
    %rsqrt3A = math.rsqrt %add3A_7 : vector<2000x1xf32>
    %get3A_8 = arith.constant 0 : index
    %get3A_9 = arith.constant 0 : index
    %get3A_10 = vector.load %arg1[%get3A_8, %get3A_9] : memref<2000x128xf32, #tpu.memory_space<vmem>>, vector<2000x128xf32>
    %get3A_11 = arith.constant 0 : index
    %get3A_12 = arith.constant 0 : index
    %get3A_13 = vector.load %arg2[%get3A_11, %get3A_12] : memref<128x128xf32, #tpu.memory_space<vmem>>, vector<128x128xf32>
    %dot_general3A = arith.constant dense<0.000000e+00> : vector<2000x128xf32>
    %dot_general3A_14 = tpu.matmul %get3A_10, %get3A_13, %dot_general3A {dimension_numbers = #tpu.dot_dimension_numbers<[1], [0], [0], [1], [0, 0, 1, 1], [], []>, transpose_lhs_hint = false} : vector<2000x128xf32>, vector<128x128xf32>, vector<2000x128xf32> -> vector<2000x128xf32>
    %mul3A = vector.broadcast %rsqrt3A : vector<2000x1xf32> to vector<2000x128xf32>
    %mul3A_15 = arith.mulf %dot_general3A_14, %mul3A : vector<2000x128xf32>
    %swap3A = arith.constant 0 : index
    %swap3A_16 = arith.constant 0 : index
    %swap3A_17 = vector.load %arg5[%swap3A, %swap3A_16] : memref<2000x128xf32, #tpu.memory_space<vmem>>, vector<2000x128xf32>
    tpu.vector_store %arg5[%swap3A, %swap3A_16], %mul3A_15 {strides = array<i32>} : memref<2000x128xf32, #tpu.memory_space<vmem>>, vector<2000x128xf32>,
    return
  }
  func.func @transform_0(%arg0: i32) -> (i32, i32) {
    %c0_i32 = arith.constant 0 : i32
    %c0_i32_0 = arith.constant 0 : i32
    return %arg0, %c0_i32 : i32, i32
  }
  func.func @transform_1(%arg0: i32) -> (i32, i32) {
    %c0_i32 = arith.constant 0 : i32
    %c0_i32_0 = arith.constant 0 : i32
    %c0_i32_1 = arith.constant 0 : i32
    return %c0_i32, %c0_i32_0 : i32, i32
  }
  func.func @transform_2(%arg0: i32) -> (i32, i32) {
    %c0_i32 = arith.constant 0 : i32
    %c0_i32_0 = arith.constant 0 : i32
    return %arg0, %c0_i32 : i32, i32
  }
  func.func @transform_3(%arg0: i32) -> (i32, i32) {
    %c0_i32 = arith.constant 0 : i32
    %c0_i32_0 = arith.constant 0 : i32
    return %arg0, %c0_i32 : i32, i32
  }
  func.func @transform_4(%arg0: i32) -> (i32, i32) {
    %c0_i32 = arith.constant 0 : i32
    %c0_i32_0 = arith.constant 0 : i32
    return %arg0, %c0_i32 : i32, i32
  }
}

module attributes {stable_mosaic.version = 14 : i64} {
  func.func @_tc2_body(%arg0: i32, %arg1: memref<2000x128xf32, #tpu.memory_space<vmem>>, %arg2: memref<2000x128xf32, #tpu.memory_space<vmem>>, %arg3: memref<2000x128xf32, #tpu.memory_space<vmem>>, %arg4: memref<2000x1xf32, #tpu.memory_space<vmem>>, %arg5: memref<2000x1xf32, #tpu.memory_space<vmem>>, %arg6: memref<128x128xf32, #tpu.memory_space<vmem>>, %arg7: memref<1x128xf32, #tpu.memory_space<vmem>>, %arg8: memref<2000x128xf32, #tpu.memory_space<vmem>>) attributes {dimension_semantics = [#tpu.dimension_semantics<arbitrary>], iteration_bounds = array<i64: 5>, scalar_prefetch = 0 : i64, scratch_operands = 0 : i64, tpu.core_type = #tpu.core_type<tc>, window_params = [{transform_indices = @transform_0, window_bounds = array<i64: 2000, 128>}, {transform_indices = @transform_1, window_bounds = array<i64: 2000, 128>}, {transform_indices = @transform_2, window_bounds = array<i64: 2000, 128>}, {transform_indices = @transform_3, window_bounds = array<i64: 2000, 1>}, {transform_indices = @transform_4, window_bounds = array<i64: 2000, 1>}, {pipeline_mode = #tpu.pipeline_mode<synchronous>, transform_indices = @transform_5, window_bounds = array<i64: 128, 128>}, {pipeline_mode = #tpu.pipeline_mode<synchronous>, transform_indices = @transform_6, window_bounds = array<i64: 1, 128>}, {transform_indices = @transform_7, window_bounds = array<i64: 2000, 128>}]} {
    %get3A = arith.constant 0 : index
    %get3A_0 = arith.constant 0 : index
    %get3A_1 = vector.load %arg4[%get3A, %get3A_0] : memref<2000x1xf32, #tpu.memory_space<vmem>>, vector<2000x1xf32>
    %add3A = arith.constant 1.000000e+00 : f32
    %add3A_2 = vector.broadcast %add3A : f32 to vector<2000x1xf32>
    %add3A_3 = arith.addf %add3A_2, %get3A_1 : vector<2000x1xf32>
    %get3A_4 = arith.constant 0 : index
    %get3A_5 = arith.constant 0 : index
    %get3A_6 = vector.load %arg5[%get3A_4, %get3A_5] : memref<2000x1xf32, #tpu.memory_space<vmem>>, vector<2000x1xf32>
    %add3A_7 = arith.addf %add3A_3, %get3A_6 : vector<2000x1xf32>
    %rsqrt3A = math.rsqrt %add3A_7 : vector<2000x1xf32>
    %get3A_8 = arith.constant 0 : index
    %get3A_9 = arith.constant 0 : index
    %get3A_10 = vector.load %arg1[%get3A_8, %get3A_9] : memref<2000x128xf32, #tpu.memory_space<vmem>>, vector<2000x128xf32>
    %get3A_11 = arith.constant 0 : index
    %get3A_12 = arith.constant 0 : index
    %get3A_13 = vector.load %arg2[%get3A_11, %get3A_12] : memref<2000x128xf32, #tpu.memory_space<vmem>>, vector<2000x128xf32>
    %add3A_14 = arith.addf %get3A_10, %get3A_13 : vector<2000x128xf32>
    %get3A_15 = arith.constant 0 : index
    %get3A_16 = arith.constant 0 : index
    %get3A_17 = vector.load %arg3[%get3A_15, %get3A_16] : memref<2000x128xf32, #tpu.memory_space<vmem>>, vector<2000x128xf32>
    %add3A_18 = arith.addf %add3A_14, %get3A_17 : vector<2000x128xf32>
    %mul3A = vector.broadcast %rsqrt3A : vector<2000x1xf32> to vector<2000x128xf32>
    %mul3A_19 = arith.mulf %mul3A, %add3A_18 : vector<2000x128xf32>
    %get3A_20 = arith.constant 0 : index
    %get3A_21 = arith.constant 0 : index
    %get3A_22 = vector.load %arg7[%get3A_20, %get3A_21] : memref<1x128xf32, #tpu.memory_space<vmem>>, vector<1x128xf32>
    %add3A_23 = vector.broadcast %get3A_22 : vector<1x128xf32> to vector<2000x128xf32>
    %add3A_24 = arith.addf %mul3A_19, %add3A_23 : vector<2000x128xf32>
    %max3A = arith.constant 0.000000e+00 : f32
    %max3A_25 = vector.broadcast %max3A : f32 to vector<2000x128xf32>
    %max3A_26 = arith.maximumf %add3A_24, %max3A_25 : vector<2000x128xf32>
    %get3A_27 = arith.constant 0 : index
    %get3A_28 = arith.constant 0 : index
    %get3A_29 = vector.load %arg6[%get3A_27, %get3A_28] : memref<128x128xf32, #tpu.memory_space<vmem>>, vector<128x128xf32>
    %dot_general3A = arith.constant dense<0.000000e+00> : vector<2000x128xf32>
    %dot_general3A_30 = tpu.matmul %max3A_26, %get3A_29, %dot_general3A {dimension_numbers = #tpu.dot_dimension_numbers<[1], [0], [0], [1], [0, 0, 1, 1], [], []>, transpose_lhs_hint = false} : vector<2000x128xf32>, vector<128x128xf32>, vector<2000x128xf32> -> vector<2000x128xf32>
    %mul3A_31 = vector.broadcast %rsqrt3A : vector<2000x1xf32> to vector<2000x128xf32>
    %mul3A_32 = arith.mulf %dot_general3A_30, %mul3A_31 : vector<2000x128xf32>
    %swap3A = arith.constant 0 : index
    %swap3A_33 = arith.constant 0 : index
    %swap3A_34 = vector.load %arg8[%swap3A, %swap3A_33] : memref<2000x128xf32, #tpu.memory_space<vmem>>, vector<2000x128xf32>
    tpu.vector_store %arg8[%swap3A, %swap3A_33], %mul3A_32 {strides = array<i32>} : memref<2000x128xf32, #tpu.memory_space<vmem>>, vector<2000x128xf32>,
    return
  }
  func.func @transform_0(%arg0: i32) -> (i32, i32) {
    %c0_i32 = arith.constant 0 : i32
    %c0_i32_0 = arith.constant 0 : i32
    return %arg0, %c0_i32 : i32, i32
  }
  func.func @transform_1(%arg0: i32) -> (i32, i32) {
    %c0_i32 = arith.constant 0 : i32
    %c0_i32_0 = arith.constant 0 : i32
    return %arg0, %c0_i32 : i32, i32
  }
  func.func @transform_2(%arg0: i32) -> (i32, i32) {
    %c0_i32 = arith.constant 0 : i32
    %c0_i32_0 = arith.constant 0 : i32
    return %arg0, %c0_i32 : i32, i32
  }
  func.func @transform_3(%arg0: i32) -> (i32, i32) {
    %c0_i32 = arith.constant 0 : i32
    %c0_i32_0 = arith.constant 0 : i32
    return %arg0, %c0_i32 : i32, i32
  }
  func.func @transform_4(%arg0: i32) -> (i32, i32) {
    %c0_i32 = arith.constant 0 : i32
    %c0_i32_0 = arith.constant 0 : i32
    return %arg0, %c0_i32 : i32, i32
  }
  func.func @transform_5(%arg0: i32) -> (i32, i32) {
    %c0_i32 = arith.constant 0 : i32
    %c0_i32_0 = arith.constant 0 : i32
    %c0_i32_1 = arith.constant 0 : i32
    return %c0_i32, %c0_i32_0 : i32, i32
  }
  func.func @transform_6(%arg0: i32) -> (i32, i32) {
    %c0_i32 = arith.constant 0 : i32
    %c0_i32_0 = arith.constant 0 : i32
    %c0_i32_1 = arith.constant 0 : i32
    return %c0_i32, %c0_i32_0 : i32, i32
  }
  func.func @transform_7(%arg0: i32) -> (i32, i32) {
    %c0_i32 = arith.constant 0 : i32
    %c0_i32_0 = arith.constant 0 : i32
    return %arg0, %c0_i32 : i32, i32
  }
}

module attributes {stable_mosaic.version = 14 : i64} {
  func.func @_tc3_body(%arg0: i32, %arg1: memref<2000x128xf32, #tpu.memory_space<vmem>>, %arg2: memref<2000x128xf32, #tpu.memory_space<vmem>>, %arg3: memref<2000x128xf32, #tpu.memory_space<vmem>>, %arg4: memref<2000x1xf32, #tpu.memory_space<vmem>>, %arg5: memref<2000x1xf32, #tpu.memory_space<vmem>>, %arg6: memref<1x128xf32, #tpu.memory_space<vmem>>, %arg7: memref<2000x128xf32, #tpu.memory_space<vmem>>) attributes {dimension_semantics = [#tpu.dimension_semantics<arbitrary>], iteration_bounds = array<i64: 5>, scalar_prefetch = 0 : i64, scratch_operands = 0 : i64, tpu.core_type = #tpu.core_type<tc>, window_params = [{transform_indices = @transform_0, window_bounds = array<i64: 2000, 128>}, {transform_indices = @transform_1, window_bounds = array<i64: 2000, 128>}, {transform_indices = @transform_2, window_bounds = array<i64: 2000, 128>}, {transform_indices = @transform_3, window_bounds = array<i64: 2000, 1>}, {transform_indices = @transform_4, window_bounds = array<i64: 2000, 1>}, {pipeline_mode = #tpu.pipeline_mode<synchronous>, transform_indices = @transform_5, window_bounds = array<i64: 1, 128>}, {transform_indices = @transform_6, window_bounds = array<i64: 2000, 128>}]} {
    %get3A = arith.constant 0 : index
    %get3A_0 = arith.constant 0 : index
    %get3A_1 = vector.load %arg4[%get3A, %get3A_0] : memref<2000x1xf32, #tpu.memory_space<vmem>>, vector<2000x1xf32>
    %add3A = arith.constant 1.000000e+00 : f32
    %add3A_2 = vector.broadcast %add3A : f32 to vector<2000x1xf32>
    %add3A_3 = arith.addf %add3A_2, %get3A_1 : vector<2000x1xf32>
    %get3A_4 = arith.constant 0 : index
    %get3A_5 = arith.constant 0 : index
    %get3A_6 = vector.load %arg5[%get3A_4, %get3A_5] : memref<2000x1xf32, #tpu.memory_space<vmem>>, vector<2000x1xf32>
    %add3A_7 = arith.addf %add3A_3, %get3A_6 : vector<2000x1xf32>
    %rsqrt3A = math.rsqrt %add3A_7 : vector<2000x1xf32>
    %get3A_8 = arith.constant 0 : index
    %get3A_9 = arith.constant 0 : index
    %get3A_10 = vector.load %arg1[%get3A_8, %get3A_9] : memref<2000x128xf32, #tpu.memory_space<vmem>>, vector<2000x128xf32>
    %get3A_11 = arith.constant 0 : index
    %get3A_12 = arith.constant 0 : index
    %get3A_13 = vector.load %arg2[%get3A_11, %get3A_12] : memref<2000x128xf32, #tpu.memory_space<vmem>>, vector<2000x128xf32>
    %add3A_14 = arith.addf %get3A_10, %get3A_13 : vector<2000x128xf32>
    %get3A_15 = arith.constant 0 : index
    %get3A_16 = arith.constant 0 : index
    %get3A_17 = vector.load %arg3[%get3A_15, %get3A_16] : memref<2000x128xf32, #tpu.memory_space<vmem>>, vector<2000x128xf32>
    %add3A_18 = arith.addf %add3A_14, %get3A_17 : vector<2000x128xf32>
    %mul3A = vector.broadcast %rsqrt3A : vector<2000x1xf32> to vector<2000x128xf32>
    %mul3A_19 = arith.mulf %mul3A, %add3A_18 : vector<2000x128xf32>
    %get3A_20 = arith.constant 0 : index
    %get3A_21 = arith.constant 0 : index
    %get3A_22 = vector.load %arg6[%get3A_20, %get3A_21] : memref<1x128xf32, #tpu.memory_space<vmem>>, vector<1x128xf32>
    %add3A_23 = vector.broadcast %get3A_22 : vector<1x128xf32> to vector<2000x128xf32>
    %add3A_24 = arith.addf %mul3A_19, %add3A_23 : vector<2000x128xf32>
    %swap3A = arith.constant 0 : index
    %swap3A_25 = arith.constant 0 : index
    %swap3A_26 = vector.load %arg7[%swap3A, %swap3A_25] : memref<2000x128xf32, #tpu.memory_space<vmem>>, vector<2000x128xf32>
    tpu.vector_store %arg7[%swap3A, %swap3A_25], %add3A_24 {strides = array<i32>} : memref<2000x128xf32, #tpu.memory_space<vmem>>, vector<2000x128xf32>,
    return
  }
  func.func @transform_0(%arg0: i32) -> (i32, i32) {
    %c0_i32 = arith.constant 0 : i32
    %c0_i32_0 = arith.constant 0 : i32
    return %arg0, %c0_i32 : i32, i32
  }
  func.func @transform_1(%arg0: i32) -> (i32, i32) {
    %c0_i32 = arith.constant 0 : i32
    %c0_i32_0 = arith.constant 0 : i32
    return %arg0, %c0_i32 : i32, i32
  }
  func.func @transform_2(%arg0: i32) -> (i32, i32) {
    %c0_i32 = arith.constant 0 : i32
    %c0_i32_0 = arith.constant 0 : i32
    return %arg0, %c0_i32 : i32, i32
  }
  func.func @transform_3(%arg0: i32) -> (i32, i32) {
    %c0_i32 = arith.constant 0 : i32
    %c0_i32_0 = arith.constant 0 : i32
    return %arg0, %c0_i32 : i32, i32
  }
  func.func @transform_4(%arg0: i32) -> (i32, i32) {
    %c0_i32 = arith.constant 0 : i32
    %c0_i32_0 = arith.constant 0 : i32
    return %arg0, %c0_i32 : i32, i32
  }
  func.func @transform_5(%arg0: i32) -> (i32, i32) {
    %c0_i32 = arith.constant 0 : i32
    %c0_i32_0 = arith.constant 0 : i32
    %c0_i32_1 = arith.constant 0 : i32
    return %c0_i32, %c0_i32_0 : i32, i32
  }
  func.func @transform_6(%arg0: i32) -> (i32, i32) {
    %c0_i32 = arith.constant 0 : i32
    %c0_i32_0 = arith.constant 0 : i32
    return %arg0, %c0_i32 : i32, i32
  }
}

</mosaic_0001>

<sc_bundles>
// kernel: kernel.11.cloned.1.call-start
scs
__scs_entry_jumppad:
0x0: {  	(pc) =	sbr.rel $0x88, $3  }
0x1: {  	(tag) =	ssettag $0x0;
	lr =	simm.s32 $0x1  }
0x2: {  	[smem:$0x3F9B] =	sst lr;
	_ =	strace $0xD0000000  }
0x3: {  	_ = 	snop  }
0x4: {  	_ = 	snop  }
0x5: {  	_ = 	snop  }
0x6: {  	_ = 	snop  }
0x7: {  	_ = 	snop  }
__scs_overlays_trampoline_lowered:
0x8: {  	[smem:$0x3FAA] =	sst s0  }
0x9: {  	[smem:$0x3FAB] =	sst s1  }
0xa: {  	[smem:$0x3FAC] =	sst s2  }
0xb: {  	[smem:$0x3FAD] =	sst s3  }
0xc: {  	[smem:$0x3FAE] =	sst s4  }
0xd: {  	[smem:$0x3FAF] =	sst s5  }
0xe: {  	[smem:$0x3FB0] =	sst s6  }
0xf: {  	[smem:$0x3FB1] =	sst s7  }
0x10: {  	[smem:$0x3FB2] =	sst s8  }
0x11: {  	[smem:$0x3FB3] =	sst s9;
	s0 =	simm.s32 @!p0 $0x0  }
0x12: {  	s1 =	sld [smem:$0x3F99];
	s0 =	simm.s32 @p0 $0x1  }
0x13: {  	[smem:$0x3FB4] =	sst s0;
	s0 =	simm.s32 @!p1 $0x0  }
0x14: {  	s2 =	sld [smem:$0x3F98];
	s0 =	simm.s32 @p1 $0x1  }
0x15: {  	[smem:$0x3FB5] =	sst s0;
	s0 =	simm.s32 @!p2 $0x0  }
0x16: {  	s3 =	sld [smem:$0x3FDB];
	s0 =	simm.s32 @p2 $0x1  }
0x17: {  	s4 =	simm.s32 $0x1BF5;
	[smem:$0x3FB7] =	sst s0  }
0x18: {  	s0 =	sld [smem:$0x3F9A];
	_ =	swait.ge [sflag:s4], $0x0  }
0x19: {  	s7 =	sld [smem:$0x3F9B]  }
0x1a: {  	s8 =	sadd.s32 $0xFFFFE003, lr  }
0x1b: {  	s9 =	sadd.s32 $0xFFFFFEF7, lr;
	s5 =	simm.s32 $0xFFFFFFFF;
	p2 =	slt.u32 s8, $0xFFFFF086  }
0x1c: {  	p1 =	slt.u32 s9, $0xF7A;
	s5 =	simm.s32 @!p2 $0x0  }
0x1d: {  	s5 =	simm.s32 @p1 $0x1;
	p0 =	seq.s32 s7, s2  }
0x1e: {  	s7 =	smul.u32 @!p0 $0xF7A, s2;
	p2 =	seq.s32 @!p0 s5, $0x0  }
0x1f: {  	s9 =	smul.u32 $0xF7A, s1;
	s8 =	simm.s32 @!p0 $0x1BF5;
	p2 =	por !p2, p0  }
0x20: {  	[sflag:s8] =	ssyncset.s32 @!p0 $0xFFFFF086;
	s6 =	sadd.s32 @!p0 s3, s7;
	s7 =	simm.s32 @!p0 $0x108  }
0x21: {  	s3 =	sadd.s32 s3, s9;
	s6 =	sadd.s32 @!p0 $0x88, s6;
	s7 =	simm.s32 @p2 $0x1082  }
0x22: {  	[simem:s7], [sflag:s8] =	dma.local @!p0 [hbm:s6], $0xF7A  }
0x23: {  	s9 =	sor.u32 $0xD0000000, s2;
	s6 =	simm.s32 $0x108;
	_ =	swait.ge @!p0 [sflag:s8], $0x0  }
0x24: {  	s3 =	sadd.s32 $0x88, s3;
	s6 =	simm.s32 @!p1 $0x1082;
	[sflag:s4] =	ssyncset.s32 $0xFFFFF086  }
0x25: {  	[simem:s6], [sflag:s4] =	dma.local [hbm:s3], $0xF7A  }
0x26: {  	[smem:$0x3F9B] =	sst s1;
	(tag) =	ssettag s2;
	_ =	strace s9  }
0x27: {  	s1 =	sld [smem:$0x3FAB]  }
0x28: {  	s2 =	sld [smem:$0x3FAC]  }
0x29: {  	s4 =	sld [smem:$0x3FAE]  }
0x2a: {  	p0 =	seq.s32 s5, $0x0;
	s5 =	sld [smem:$0x3FAF]  }
0x2b: {  	s6 =	sld [smem:$0x3FB0]  }
0x2c: {  	s7 =	sld [smem:$0x3FB1]  }
0x2d: {  	s3 =	simm.s32 $0x108;
	s8 =	sld [smem:$0x3FB2]  }
0x2e: {  	s3 =	simm.s32 @!p0 $0x1082;
	s9 =	sld [smem:$0x3FB3]  }
0x2f: {  	lr =	sadd.s32 s0, s3;
	s0 =	sld [smem:$0x3FAA]  }
0x30: {  	s3 =	sld [smem:$0x3FAD]  }
0x31: {  	[smem:$0x3FB6] =	sst s10  }
0x32: {  	s10 =	sld [smem:$0x3FB4];
	_ =	sdelay $0x3  }
0x33: {  	p0 =	seq.s32 s10, $0x1;
	s10 =	sld [smem:$0x3FB6];
	_ =	sdelay $0x3  }
0x34: {  	[smem:$0x3FB6] =	sst s10  }
0x35: {  	s10 =	sld [smem:$0x3FB5];
	_ =	sdelay $0x3  }
0x36: {  	p1 =	seq.s32 s10, $0x1;
	s10 =	sld [smem:$0x3FB6];
	_ =	sdelay $0x3  }
0x37: {  	[smem:$0x3FB6] =	sst s10  }
0x38: {  	s10 =	sld [smem:$0x3FB7]  }
0x39: {  	_ = 	snop;
	(pc) =	sbr.ind lr, $3  }
0x3a: {  	_ = 	snop  }
0x3b: {  	_ = 	snop  }
0x3c: {  	p2 =	seq.s32 s10, $0x1;
	s10 =	sld [smem:$0x3FB6]  }
0x3d: {  	_ =	shalt  }
0x3e: {  	_ =	shalt  }
0x3f: {  	_ =	shalt  }
0x40: {  	_ =	shalt  }
0x41: {  	_ =	shalt  }
0x42: {  	_ =	shalt  }
0x43: {  	_ =	shalt  }
0x44: {  	_ =	shalt  }
0x45: {  	_ =	shalt  }
0x46: {  	_ =	shalt  }
0x47: {  	_ =	shalt  }
0x48: {  	_ =	shalt  }
0x49: {  	_ =	shalt  }
0x4a: {  	_ =	shalt  }
0x4b: {  	_ =	shalt  }
0x4c: {  	_ =	shalt  }
0x4d: {  	_ =	shalt  }
0x4e: {  	_ =	shalt  }
0x4f: {  	_ =	shalt  }
0x50: {  	_ =	shalt  }
0x51: {  	_ =	shalt  }
0x52: {  	_ =	shalt  }
0x53: {  	_ =	shalt  }
0x54: {  	_ =	shalt  }
0x55: {  	_ =	shalt  }
0x56: {  	_ =	shalt  }
0x57: {  	_ =	shalt  }
0x58: {  	_ =	shalt  }
0x59: {  	_ =	shalt  }
0x5a: {  	_ =	shalt  }
0x5b: {  	_ =	shalt  }
0x5c: {  	_ =	shalt  }
0x5d: {  	_ =	shalt  }
0x5e: {  	_ =	shalt  }
0x5f: {  	_ =	shalt  }
0x60: {  	_ =	shalt  }
0x61: {  	_ =	shalt  }
0x62: {  	_ =	shalt  }
0x63: {  	_ =	shalt  }
0x64: {  	_ =	shalt  }
0x65: {  	_ =	shalt  }
0x66: {  	_ =	shalt  }
0x67: {  	_ =	shalt  }
0x68: {  	_ =	shalt  }
0x69: {  	_ =	shalt  }
0x6a: {  	_ =	shalt  }
0x6b: {  	_ =	shalt  }
0x6c: {  	_ =	shalt  }
0x6d: {  	_ =	shalt  }
0x6e: {  	_ =	shalt  }
0x6f: {  	_ =	shalt  }
0x70: {  	_ =	shalt  }
0x71: {  	_ =	shalt  }
0x72: {  	_ =	shalt  }
0x73: {  	_ =	shalt  }
0x74: {  	_ =	shalt  }
0x75: {  	_ =	shalt  }
0x76: {  	_ =	shalt  }
0x77: {  	_ =	shalt  }
0x78: {  	_ =	shalt  }
0x79: {  	_ =	shalt  }
0x7a: {  	_ =	shalt  }
0x7b: {  	_ =	shalt  }
0x7c: {  	_ =	shalt  }
0x7d: {  	_ =	shalt  }
0x7e: {  	_ =	shalt  }
0x7f: {  	_ =	shalt  }
0x80: {  	_ =	shalt  }
0x81: {  	_ =	shalt  }
0x82: {  	_ =	shalt  }
0x83: {  	_ =	shalt  }
0x84: {  	_ =	shalt  }
0x85: {  	_ =	shalt  }
0x86: {  	_ =	shalt  }
0x87: {  	_ =	shalt  }
.Lfunc_end0:
.L_simem_size_0:
called_computation.1_lowered:
.L_overlay_start_0:
0x88: {  	s2 =	sld [smem:$0x3FD9]  }
0x89: {  	s3 =	sld [smem:$0x3FFE];
	_ =	sdelay $0x1  }
0x8a: {  	s1 =	srdreg.scid  }
0x8b: {  	s0 =	sand.u32 $0x1, s1  }
0x8c: {  	s17 =	sshll.u32 s0, $0xA;
	s2 =	sadd.s32 s3, s2  }
0x8d: {  	s2 =	sadd.s32 s2, s17  }
0x8e: {  	[smem:$0x3FC2] =	sst s2  }
0x8f: {  	_ = 	snop  }
0x90: {  	s2 =	sld [smem:$0x3FD0];
	(tm) =	ssettm $0x1  }
0x91: {  	s18 =	sld [smem:$0x3FFB];
	_ =	sdelay $0x3  }
0x92: {  	_ =	strace s18  }
0x93: {  	s3 =	sld [smem:$0x3FFC];
	_ =	sdelay $0x3  }
0x94: {  	_ =	strace s3  }
0x95: {  	s3 =	sld [smem:$0x3FFD];
	_ =	sdelay $0x3  }
0x96: {  	_ =	strace s3  }
0x97: {  	_ =	strace $0x8FFFFFFF  }
0x98: {  	s19 =	sld [smem:$0x3FDB];
	_ =	sdelay $0x1  }
0x99: {  	s4 =	simm.s32 $_scs_section_size  }
0x9a: {  	s5 =	simm.s32 $_size__tile_overlayer_lowered;
	s6 =	simm.s32 $_tile_overlayer_lowered  }
0x9b: {  	s22 =	simm.s32 $0x1BFF;
	s21 =	sshll.u32 s6, $0x1;
	s3 =	sadd.s32 s4, s19  }
0x9c: {  	s7 =	simm.s32 $0x0;
	s20 =	sshll.u32 s5, $0x1;
	s5 =	sadd.s32 s21, s3  }
0x9d: {  	[timem:s7], [sflag:s22] =	dma.local [hbm:s5], s20  }
0x9e: {  	_ =	swait.ge [sflag:s22], s20  }
0x9f: {  	s4 =	ssub.s32 $0x0, s20;
	[sflag:s22] =	ssyncset.done $0x0  }
0xa0: {  	[sflag:s22] =	ssyncadd.s32 s4;
	_ =	sdelay $0x1  }
0xa1: {  	s23 =	simm.s32 $0x1B8B  }
0xa2: {  	_ =	swait.ge [sflag:s23], $0x1  }
0xa3: {  	[sflag:s23] =	ssyncset.done $0x0  }
0xa4: {  	s25 =	simm.s32 $0x1B8E;
	s24 =	sld [smem:$0x3FFE];
	[sflag:s23] =	ssyncadd.s32 $0xFFFFFFFF  }
0xa5: {  	s26 =	simm.s32 $execute0_lowered;
	[smem:$0x3FD2] =	sst s25  }
0xa6: {  	s5 =	sshll.u32 s26, $0x1;
	_ =	strace $0x80000049;
	[dreg:$0x1] =	wrdreg $0xFFFFFFFF  }
0xa7: {  	s28 =	simm.s32 $_size_execute0_lowered;
	s3 =	sadd.s32 s3, s5;
	[dreg:$0x0] =	wrdreg $0x0  }
0xa8: {  	s5 =	sshll.u32 s28, $0x1;
	[dreg:$0x2] =	wrdreg s3  }
0xa9: {  	[dreg:$0x3] =	wrdreg s5  }
0xaa: {  	[dreg:$0x4] =	wrdreg $0xC0  }
0xab: {  	_ =	task [dreg:s7], $0x5FFFF  }
0xac: {  	[dreg:$0x1] =	wrdreg $0xFFFFFFFF  }
0xad: {  	[dreg:$0x0] =	wrdreg $0x60  }
0xae: {  	[dreg:$0x2] =	wrdreg s2  }
0xaf: {  	[dreg:$0x3] =	wrdreg s24  }
0xb0: {  	[dreg:$0x4] =	wrdreg $0xA8000  }
0xb1: {  	[dreg:$0x5] =	wrdreg $0x9  }
0xb2: {  	_ =	task.clear_ibuf [dreg:s7], $0x6FFFF;
	_ =	strace $0x90000049  }
0xb3: {  	s29 =	simm.s32 $0x9;
	_ =	strace $0x8000004B  }
0xb4: {  	_ =	swait.ge [sflag:s29], $0x1  }
0xb5: {  	[sflag:s29] =	ssyncadd.s32 $0xFFFFFFFF  }
0xb6: {  	_ =	strace $0x9000004B  }
0xb7: {  	_ =	sfence  }
0xb8: {  	s30 =	sld [smem:$0x0];
	_ =	sdelay $0x2  }
0xb9: {  	s31 =	sshll.u32 s1, $0xD;
	s1 =	sshrl.u32 s1, $0x2  }
0xba: {  	s3 =	sand.u32 $0x4000, s31;
	s1 =	sadd.s32 s1, s30  }
0xbb: {  	s0 =	sor.u32 s3, s0;
	s1 =	sshll.u32 s1, $0x11  }
0xbc: {  	s0 =	sor.u32 s1, s0  }
0xbd: {  	s0 =	sadd.s32 $0x8F2B, s0  }
0xbe: {  	[sflag:s0] =	ssyncadd.remote.s32 $0x1  }
0xbf: {  	_ =	sfence.sel $0xFFFF  }
0xc0: {  	[dreg:$0x0] =	wrdreg $0xFFFFFFFF;
	(pc) =	sbr.abs _section_cstart, $3  }
0xc1: {  	[dreg:$0x1] =	wrdreg $0xFFFFFFFF  }
0xc2: {  	_ =	task.clear_ibuf [dreg:s7], $0x2FFFF;
	_ =	strace $0x9FFFFFFF  }
0xc3: {  	(tm) =	ssettm $0x7FFFFFFF  }
tec
execute0_lowered:
.L_overlay_start_1:
0x0: {  	(tag) =	ssettag $0x1  }
0x1: {  	s1 =	rddreg [dreg:$0x0]  }
0x2: {  	s14 =	rddreg [dreg:$0x1]  }
0x3: {  	s3 =	rddreg [dreg:$0x2]  }
0x4: {  	s0 =	rddreg [dreg:$0x3];
	s4 =	simm.s32 $0x0;
	s5 =	srdreg.scid  }
0x5: {  	s2 =	stileid.u32;
	s16 =	simm.s32 $0x90600;
	s18 =	simm.s32 $0x80  }
0x6: {  	s19 =	simm.s32 $0x1000;
	s20 =	simm.s32 $0x1400;
	s21 =	simm.s32 $0x6800  }
0x7: {  	s22 =	simm.s32 $0x1;
	s23 =	simm.s32 $0x2;
	s24 =	simm.s32 $0x2700  }
0x8: {  	s25 =	simm.s32 $0x2780;
	[smem:$0x7FF] =	sst s4;
	s30 =	smul.u32 $0x50000, s2  }
0x9: {  	s11 =	sand.u32 $0x1, s5;
	s7 =	sshll.u32 s2, $0x4;
	s17 =	smul.u32 $0x2800, s2  }
0xa: {  	_ =	strace $0x8000004A;
	s6 =	sshll.u32 s11, $0x8;
	s8 =	ssub.s32 $0x2, s11  }
0xb: {  	p0 =	seq.s32 s11, $0x1;
	s5 =	sshrl.u32 s30, $0x2;
	s6 =	sor.u32 s6, s7  }
0xc: {  	s31 =	sshrl.u32 s8, $0x1;
	s16 =	simm.s32 @!p0 $0x68600;
	s5 =	sadd.s32 s5, s3  }
0xd: {  	s13 =	sadd.s32 s6, s14;
	s15 =	ssub.s32 s8, s31;
	s16 =	sadd.s32 s16, s14  }
0xe: {  	s6 =	sadd.s32 $0x4000, s5;
	s7 =	sadd.s32 $0x8000, s5;
	s8 =	sadd.s32 $0xC000, s5  }
0xf: {  	s9 =	sadd.s32 $0x10000, s5;
	s10 =	sadd.s32 $0x4600, s13;
	s11 =	sadd.s32 $0xE600, s13  }
0x10: {  	s12 =	sadd.s32 $0x9600, s13;
	s13 =	sadd.s32 $0x13600, s13;
	s14 =	smax.u32 s15, $0x1  }
0x11: {  	v0 =	vimm.f32 $0.0e+00;
	s15 =	sadd.s32 s16, s17;
	s16 =	simm.s32 $0x2800;
	s17 =	simm.s32 $0x3  }
.LBB2_1:
0x12: {  	s26 =	simm.s32 $0x0;
	s28 =	simm.s32 $0x200  }
.LBB2_2:
0x13: {  	p0 =	sne.s32 s28, $0xFE00;
	[tilespmem:s26+$0x2870] =	vst v0  }
0x14: {  	[tilespmem:s26+$0x2800] =	vst v0  }
0x15: {  	[tilespmem:s26+$0x2810] =	vst v0  }
.Ltmp0:
0x16: {  	[tilespmem:s26+$0x2820] =	vst v0;
	(pc) =	sbr.rel @p0 .LBB2_2-.Ltmp0, $4  }
0x17: {  	[tilespmem:s26+$0x2830] =	vst v0  }
0x18: {  	[tilespmem:s26+$0x2840] =	vst v0  }
0x19: {  	[tilespmem:s26+$0x2850] =	vst v0  }
0x1a: {  	[tilespmem:s26+$0x2860] =	vst v0;
	s26 =	sshra.s32 s28, $0x2;
	s28 =	sadd.s32 $0x200, s28  }
0x1b: {  	[tilespmem:s26+$0x2870] =	vst v0  }
0x1c: {  	[tilespmem:s26+$0x2800] =	vst v0  }
0x1d: {  	[tilespmem:s26+$0x2810] =	vst v0  }
0x1e: {  	[tilespmem:s26+$0x2820] =	vst v0  }
0x1f: {  	[tilespmem:s26+$0x2830] =	vst v0  }
0x20: {  	[tilespmem:s26+$0x2840] =	vst v0  }
0x21: {  	[tilespmem:s26+$0x2850] =	vst v0  }
0x22: {  	[tilespmem:s26+$0x2860] =	vst v0  }
0x23: {  	[spmem:s5] =	stream.linear.scatter [tilespmem:s16], [sflag:$0x3], $0x4000, $0x38;
	[tilespmem:$0x1E800] =	vst v63  }
0x24: {  	_ =	swait.ge [sflag:s17], $0x4000  }
0x25: {  	[sflag:s17] =	ssyncset.done $0x0  }
0x26: {  	[sflag:s17] =	ssyncadd.s32 $0xFFFFC000  }
0x27: {  	[spmem:s6] =	stream.linear.scatter [tilespmem:s16], [sflag:$0x3], $0x4000, $0x38;
	[tilespmem:$0x1E800] =	vst v63  }
0x28: {  	_ =	swait.ge [sflag:s17], $0x4000  }
0x29: {  	[sflag:s17] =	ssyncset.done $0x0  }
0x2a: {  	[sflag:s17] =	ssyncadd.s32 $0xFFFFC000  }
0x2b: {  	[spmem:s7] =	stream.linear.scatter [tilespmem:s16], [sflag:$0x3], $0x4000, $0x38;
	[tilespmem:$0x1E800] =	vst v63  }
0x2c: {  	_ =	swait.ge [sflag:s17], $0x4000  }
0x2d: {  	[sflag:s17] =	ssyncset.done $0x0  }
0x2e: {  	[sflag:s17] =	ssyncadd.s32 $0xFFFFC000  }
0x2f: {  	[spmem:s8] =	stream.linear.scatter [tilespmem:s16], [sflag:$0x3], $0x4000, $0x38;
	[tilespmem:$0x1E800] =	vst v63  }
0x30: {  	_ =	swait.ge [sflag:s17], $0x4000  }
0x31: {  	[sflag:s17] =	ssyncset.done $0x0  }
0x32: {  	[sflag:s17] =	ssyncadd.s32 $0xFFFFC000  }
0x33: {  	[spmem:s9] =	stream.linear.scatter [tilespmem:s16], [sflag:$0x3], $0x4000, $0x38;
	[tilespmem:$0x1E800] =	vst v63  }
0x34: {  	_ =	swait.ge [sflag:s17], $0x4000  }
0x35: {  	[sflag:s17] =	ssyncset.done $0x0  }
0x36: {  	[sflag:s17] =	ssyncadd.s32 $0xFFFFC000  }
0x37: {  	s31 =	simm.s32 $0x0;
	[bflag:$0x0] =	sbarrier.arrive $0xFFFF  }
0x38: {  	[tilespmem:s31], [sflag:$0x3] =	stream.strided.gather [hbm4b:s10+s18], $0x1400, s19, s18, $0x38;
	[tilespmem:$0x1E800] =	vst v63  }
0x39: {  	_ =	swait.ge [sflag:s17], $0x1400  }
0x3a: {  	[sflag:s17] =	ssyncset.done $0x0  }
0x3b: {  	[sflag:s17] =	ssyncadd.s32 $0xFFFFEC00  }
0x3c: {  	[tilespmem:s20], [sflag:$0x3] =	stream.strided.gather [hbm4b:s11+s18], $0x1400, s19, s18, $0x38;
	[tilespmem:$0x1E800] =	vst v63  }
0x3d: {  	_ =	swait.ge [sflag:s17], $0x1400  }
0x3e: {  	[sflag:s17] =	ssyncset.done $0x0  }
0x3f: {  	[sflag:s17] =	ssyncadd.s32 $0xFFFFEC00  }
0x40: {  	[tilespmem:s16], [sflag:$0x1] =	stream.indirect.gather [hbm4b:s1+s18], $0x80, s31, s18, $0xb8;
	[tilespmem:$0x1E800] =	vst v63  }
0x41: {  	_ = 	snop  }
0x42: {  	[tilespmem:s21], [sflag:$0x2] =	stream.indirect.gather [hbm4b:s1+s18], $0x80, s18, s18, $0xb8;
	[tilespmem:$0x1E800] =	vst v63  }
0x43: {  	_ =	swait.ge [sflag:s22], $0x4000  }
0x44: {  	[sflag:s22] =	ssyncset.done $0x0  }
0x45: {  	s29 =	simm.s32 $0x1400;
	[sflag:s22] =	ssyncadd.s32 $0xFFFFC000  }
0x46: {  	[spmem:s3] =	stream.indirect.scatter.add.f32 [tilespmem:s16], [sflag:$0x3], $0x80, s29, s18, $0xb8;
	[tilespmem:$0x1E800] =	vst v63  }
0x47: {  	_ =	swait.ge [sflag:s17], $0x4000  }
0x48: {  	[sflag:s17] =	ssyncset.done $0x0  }
0x49: {  	s30 =	simm.s32 $0x100;
	[sflag:s17] =	ssyncadd.s32 $0xFFFFC000  }
0x4a: {  	[tilespmem:s16], [sflag:$0x1] =	stream.indirect.gather [hbm4b:s1+s18], $0x80, s30, s18, $0xb8;
	[tilespmem:$0x1E800] =	vst v63  }
0x4b: {  	_ =	swait.ge [sflag:s23], $0x4000  }
0x4c: {  	[sflag:s23] =	ssyncset.done $0x0  }
0x4d: {  	s31 =	simm.s32 $0x1480;
	[sflag:s23] =	ssyncadd.s32 $0xFFFFC000  }
0x4e: {  	[spmem:s3] =	stream.indirect.scatter.add.f32 [tilespmem:s21], [sflag:$0x3], $0x80, s31, s18, $0xb8;
	[tilespmem:$0x1E800] =	vst v63  }
0x4f: {  	_ =	swait.ge [sflag:s17], $0x4000  }
0x50: {  	[sflag:s17] =	ssyncset.done $0x0  }
0x51: {  	s26 =	simm.s32 $0x400;
	s28 =	simm.s32 $0x180;
	[sflag:s17] =	ssyncadd.s32 $0xFFFFC000  }
.LBB2_4:
0x52: {  	[tilespmem:s21], [sflag:$0x2] =	stream.indirect.gather [hbm4b:s1+s18], $0x80, s28, s18, $0xb8;
	[tilespmem:$0x1E800] =	vst v63  }
0x53: {  	s28 =	smov.u32 s26  }
0x54: {  	p0 =	sne.s32 s26, $0x4800;
	s26 =	sadd.s32 $0x400, s26;
	_ =	swait.ge [sflag:s22], $0x4000  }
0x55: {  	s28 =	sshra.s32 s28, $0x2;
	[sflag:s22] =	ssyncset.done $0x0  }
0x56: {  	s29 =	sadd.s32 $0x1400, s28;
	[sflag:s22] =	ssyncadd.s32 $0xFFFFC000  }
0x57: {  	[spmem:s3] =	stream.indirect.scatter.add.f32 [tilespmem:s16], [sflag:$0x3], $0x80, s29, s18, $0xb8;
	[tilespmem:$0x1E800] =	vst v63  }
0x58: {  	_ =	swait.ge [sflag:s17], $0x4000  }
0x59: {  	[sflag:s17] =	ssyncset.done $0x0  }
0x5a: {  	s29 =	sadd.s32 $0x100, s28;
	[sflag:s17] =	ssyncadd.s32 $0xFFFFC000  }
0x5b: {  	[tilespmem:s16], [sflag:$0x1] =	stream.indirect.gather [hbm4b:s1+s18], $0x80, s29, s18, $0xb8;
	[tilespmem:$0x1E800] =	vst v63  }
0x5c: {  	_ =	swait.ge [sflag:s23], $0x4000  }
0x5d: {  	[sflag:s23] =	ssyncset.done $0x0  }
.Ltmp1:
0x5e: {  	s29 =	sadd.s32 $0x1480, s28;
	[sflag:s23] =	ssyncadd.s32 $0xFFFFC000;
	(pc) =	sbr.rel @p0 .LBB2_4-.Ltmp1, $4  }
0x5f: {  	[spmem:s3] =	stream.indirect.scatter.add.f32 [tilespmem:s21], [sflag:$0x3], $0x80, s29, s18, $0xb8;
	[tilespmem:$0x1E800] =	vst v63  }
0x60: {  	_ =	swait.ge [sflag:s17], $0x4000  }
0x61: {  	[sflag:s17] =	ssyncset.done $0x0  }
0x62: {  	s28 =	sadd.s32 $0x180, s28;
	[sflag:s17] =	ssyncadd.s32 $0xFFFFC000  }
0x63: {  	[tilespmem:s21], [sflag:$0x2] =	stream.indirect.gather [hbm4b:s1+s18], $0x80, s28, s18, $0xb8;
	[tilespmem:$0x1E800] =	vst v63  }
0x64: {  	_ =	swait.ge [sflag:s22], $0x4000  }
0x65: {  	[sflag:s22] =	ssyncset.done $0x0  }
0x66: {  	[sflag:s22] =	ssyncadd.s32 $0xFFFFC000  }
0x67: {  	[spmem:s3] =	stream.indirect.scatter.add.f32 [tilespmem:s16], [sflag:$0x3], $0x80, s24, s18, $0xb8;
	[tilespmem:$0x1E800] =	vst v63  }
0x68: {  	_ =	swait.ge [sflag:s17], $0x4000  }
0x69: {  	[sflag:s17] =	ssyncset.done $0x0  }
0x6a: {  	[sflag:s17] =	ssyncadd.s32 $0xFFFFC000  }
0x6b: {  	_ =	swait.ge [sflag:s23], $0x4000  }
0x6c: {  	[sflag:s23] =	ssyncset.done $0x0  }
0x6d: {  	[sflag:s23] =	ssyncadd.s32 $0xFFFFC000  }
0x6e: {  	[spmem:s3] =	stream.indirect.scatter.add.f32 [tilespmem:s21], [sflag:$0x3], $0x80, s25, s18, $0xb8;
	[tilespmem:$0x1E800] =	vst v63  }
0x6f: {  	_ =	swait.ge [sflag:s17], $0x4000  }
0x70: {  	[sflag:s17] =	ssyncset.done $0x0  }
0x71: {  	s26 =	simm.s32 $0x0;
	[sflag:s17] =	ssyncadd.s32 $0xFFFFC000  }
0x72: {  	[tilespmem:s26], [sflag:$0x3] =	stream.strided.gather [hbm4b:s12+s18], $0x1400, s19, s18, $0x38;
	[tilespmem:$0x1E800] =	vst v63  }
0x73: {  	_ =	swait.ge [sflag:s17], $0x1400  }
0x74: {  	[sflag:s17] =	ssyncset.done $0x0  }
0x75: {  	[sflag:s17] =	ssyncadd.s32 $0xFFFFEC00  }
0x76: {  	[tilespmem:s20], [sflag:$0x3] =	stream.strided.gather [hbm4b:s13+s18], $0x1400, s19, s18, $0x38;
	[tilespmem:$0x1E800] =	vst v63  }
0x77: {  	_ =	swait.ge [sflag:s17], $0x1400  }
0x78: {  	[sflag:s17] =	ssyncset.done $0x0  }
0x79: {  	[sflag:s17] =	ssyncadd.s32 $0xFFFFEC00  }
0x7a: {  	[tilespmem:s16], [sflag:$0x1] =	stream.indirect.gather [hbm4b:s1+s18], $0x80, s26, s18, $0xb8;
	[tilespmem:$0x1E800] =	vst v63  }
0x7b: {  	_ = 	snop  }
0x7c: {  	[tilespmem:s21], [sflag:$0x2] =	stream.indirect.gather [hbm4b:s1+s18], $0x80, s18, s18, $0xb8;
	[tilespmem:$0x1E800] =	vst v63  }
0x7d: {  	_ =	swait.ge [sflag:s22], $0x4000  }
0x7e: {  	[sflag:s22] =	ssyncset.done $0x0  }
0x7f: {  	s29 =	simm.s32 $0x1400;
	[sflag:s22] =	ssyncadd.s32 $0xFFFFC000  }
0x80: {  	[spmem:s3] =	stream.indirect.scatter.add.f32 [tilespmem:s16], [sflag:$0x3], $0x80, s29, s18, $0xb8;
	[tilespmem:$0x1E800] =	vst v63  }
0x81: {  	_ =	swait.ge [sflag:s17], $0x4000  }
0x82: {  	[sflag:s17] =	ssyncset.done $0x0  }
0x83: {  	s30 =	simm.s32 $0x100;
	[sflag:s17] =	ssyncadd.s32 $0xFFFFC000  }
0x84: {  	[tilespmem:s16], [sflag:$0x1] =	stream.indirect.gather [hbm4b:s1+s18], $0x80, s30, s18, $0xb8;
	[tilespmem:$0x1E800] =	vst v63  }
0x85: {  	_ =	swait.ge [sflag:s23], $0x4000  }
0x86: {  	[sflag:s23] =	ssyncset.done $0x0  }
0x87: {  	s31 =	simm.s32 $0x1480;
	[sflag:s23] =	ssyncadd.s32 $0xFFFFC000  }
0x88: {  	[spmem:s3] =	stream.indirect.scatter.add.f32 [tilespmem:s21], [sflag:$0x3], $0x80, s31, s18, $0xb8;
	[tilespmem:$0x1E800] =	vst v63  }
0x89: {  	_ =	swait.ge [sflag:s17], $0x4000  }
0x8a: {  	[sflag:s17] =	ssyncset.done $0x0  }
0x8b: {  	s28 =	simm.s32 $0x180;
	s26 =	simm.s32 $0x400;
	[sflag:s17] =	ssyncadd.s32 $0xFFFFC000  }
.LBB2_6:
0x8c: {  	[tilespmem:s21], [sflag:$0x2] =	stream.indirect.gather [hbm4b:s1+s18], $0x80, s28, s18, $0xb8;
	[tilespmem:$0x1E800] =	vst v63  }
0x8d: {  	s28 =	smov.u32 s26  }
0x8e: {  	p0 =	sne.s32 s26, $0x4800;
	s26 =	sadd.s32 $0x400, s26;
	_ =	swait.ge [sflag:s22], $0x4000  }
0x8f: {  	s28 =	sshra.s32 s28, $0x2;
	[sflag:s22] =	ssyncset.done $0x0  }
0x90: {  	s29 =	sadd.s32 $0x1400, s28;
	[sflag:s22] =	ssyncadd.s32 $0xFFFFC000  }
0x91: {  	[spmem:s3] =	stream.indirect.scatter.add.f32 [tilespmem:s16], [sflag:$0x3], $0x80, s29, s18, $0xb8;
	[tilespmem:$0x1E800] =	vst v63  }
0x92: {  	_ =	swait.ge [sflag:s17], $0x4000  }
0x93: {  	[sflag:s17] =	ssyncset.done $0x0  }
0x94: {  	s29 =	sadd.s32 $0x100, s28;
	[sflag:s17] =	ssyncadd.s32 $0xFFFFC000  }
0x95: {  	[tilespmem:s16], [sflag:$0x1] =	stream.indirect.gather [hbm4b:s1+s18], $0x80, s29, s18, $0xb8;
	[tilespmem:$0x1E800] =	vst v63  }
0x96: {  	_ =	swait.ge [sflag:s23], $0x4000  }
0x97: {  	[sflag:s23] =	ssyncset.done $0x0  }
.Ltmp2:
0x98: {  	s29 =	sadd.s32 $0x1480, s28;
	[sflag:s23] =	ssyncadd.s32 $0xFFFFC000;
	(pc) =	sbr.rel @p0 .LBB2_6-.Ltmp2, $4  }
0x99: {  	[spmem:s3] =	stream.indirect.scatter.add.f32 [tilespmem:s21], [sflag:$0x3], $0x80, s29, s18, $0xb8;
	[tilespmem:$0x1E800] =	vst v63  }
0x9a: {  	_ =	swait.ge [sflag:s17], $0x4000  }
0x9b: {  	[sflag:s17] =	ssyncset.done $0x0  }
0x9c: {  	s28 =	sadd.s32 $0x180, s28;
	[sflag:s17] =	ssyncadd.s32 $0xFFFFC000  }
0x9d: {  	[tilespmem:s21], [sflag:$0x2] =	stream.indirect.gather [hbm4b:s1+s18], $0x80, s28, s18, $0xb8;
	[tilespmem:$0x1E800] =	vst v63  }
0x9e: {  	_ =	swait.ge [sflag:s22], $0x4000  }
0x9f: {  	[sflag:s22] =	ssyncset.done $0x0  }
0xa0: {  	[sflag:s22] =	ssyncadd.s32 $0xFFFFC000  }
0xa1: {  	[spmem:s3] =	stream.indirect.scatter.add.f32 [tilespmem:s16], [sflag:$0x3], $0x80, s24, s18, $0xb8;
	[tilespmem:$0x1E800] =	vst v63  }
0xa2: {  	_ =	swait.ge [sflag:s17], $0x4000  }
0xa3: {  	[sflag:s17] =	ssyncset.done $0x0  }
0xa4: {  	[sflag:s17] =	ssyncadd.s32 $0xFFFFC000  }
0xa5: {  	_ =	swait.ge [sflag:s23], $0x4000  }
0xa6: {  	[sflag:s23] =	ssyncset.done $0x0  }
0xa7: {  	[sflag:s23] =	ssyncadd.s32 $0xFFFFC000  }
0xa8: {  	[spmem:s3] =	stream.indirect.scatter.add.f32 [tilespmem:s21], [sflag:$0x3], $0x80, s25, s18, $0xb8;
	[tilespmem:$0x1E800] =	vst v63  }
0xa9: {  	_ =	swait.ge [sflag:s17], $0x4000  }
0xaa: {  	s26 =	sshll.u32 s2, $0x6;
	s4 =	sadd.s32 $0x1, s4;
	[sflag:s17] =	ssyncset.done $0x0  }
0xab: {  	s31 =	sshrl.u32 s5, $0x3;
	p0 =	sne.s32 s4, s14;
	[sflag:s17] =	ssyncadd.s32 $0xFFFFC000  }
.Ltmp3:
0xac: {  	s26 =	sor.u32 $0x1C03, s26;
	[bflag:$0x0] =	sbarrier.arrive $0xFFFF;
	(pc) =	sbr.rel @p0 .LBB2_1-.Ltmp3, $4  }
0xad: {  	[hbm:s15], [sflag:s26] =	dma.local [spmem:s31], $0x2800  }
0xae: {  	_ =	swait.ge [sflag:s17], $0x2800  }
0xaf: {  	[sflag:s17] =	ssyncset.done $0x0  }
0xb0: {  	[sflag:s17] =	ssyncadd.s32 $0xFFFFD800  }
0xb1: {  	_ =	sfence.sel $0x180000  }
0xb2: {  	[bflag:$0x0] =	sbarrier.arrive $0xFFFF  }
0xb3: {  	p0 =	sne.s32 s2, $0x0;
	_ =	strace $0x9000004A  }
0xb4: {  	s0 =	sadd.s32 @!p0 $0x100000, s0;
	[bflag:$0x2] =	sbarrier.arrive $0xFFFF  }
0xb5: {  	[sflag:s0] =	ssyncadd.tile.s32 @!p0 $0x1;
	_ =	shalt  }
.Lfunc_end2:
_tile_overlayer_lowered:
.L_overlay_start_2:
0xb6: {  	(tag) =	ssettag $0x2  }
0xb7: {  	s0 =	rddreg [dreg:$0x0];
	s2 =	stileid.u32  }
0xb8: {  	s1 =	rddreg [dreg:$0x1];
	p0 =	sne.s32 s2, $0x0  }
0xb9: {  	s3 =	rddreg [dreg:$0x2];
	[bflag:$0x3] =	sbarrier.arrive $0xFFFF;
	s2 =	simm.s32 @!p0 $0x1C03  }
0xba: {  	[timem:s3], [sflag:s2] =	dma.local @!p0 [hbm:s0], s1  }
0xbb: {  	s0 =	simm.s32 @!p0 $0x3  }
0xbc: {  	_ =	swait.ge @!p0 [sflag:s0], s1  }
0xbd: {  	s1 =	ssub.s32 @!p0 $0x0, s1;
	[sflag:s0] =	ssyncset.done @!p0 $0x0  }
0xbe: {  	[sflag:s0] =	ssyncadd.s32 @!p0 s1  }
0xbf: {  	[bflag:$0x3] =	sbarrier.arrive $0xFFFF  }
0xc0: {  	_ =	shalt  }

// kernel: kernel.14.cloned.1.call-start
scs
__scs_entry_jumppad:
0x0: {  	(pc) =	sbr.rel $0x88, $3  }
0x1: {  	(tag) =	ssettag $0x0;
	lr =	simm.s32 $0x1  }
0x2: {  	[smem:$0x3F9B] =	sst lr;
	_ =	strace $0xD0000000  }
0x3: {  	_ = 	snop  }
0x4: {  	_ = 	snop  }
0x5: {  	_ = 	snop  }
0x6: {  	_ = 	snop  }
0x7: {  	_ = 	snop  }
__scs_overlays_trampoline_lowered:
0x8: {  	[smem:$0x3FAA] =	sst s0  }
0x9: {  	[smem:$0x3FAB] =	sst s1  }
0xa: {  	[smem:$0x3FAC] =	sst s2  }
0xb: {  	[smem:$0x3FAD] =	sst s3  }
0xc: {  	[smem:$0x3FAE] =	sst s4  }
0xd: {  	[smem:$0x3FAF] =	sst s5  }
0xe: {  	[smem:$0x3FB0] =	sst s6  }
0xf: {  	[smem:$0x3FB1] =	sst s7  }
0x10: {  	[smem:$0x3FB2] =	sst s8  }
0x11: {  	[smem:$0x3FB3] =	sst s9;
	s0 =	simm.s32 @!p0 $0x0  }
0x12: {  	s1 =	sld [smem:$0x3F99];
	s0 =	simm.s32 @p0 $0x1  }
0x13: {  	[smem:$0x3FB4] =	sst s0;
	s0 =	simm.s32 @!p1 $0x0  }
0x14: {  	s2 =	sld [smem:$0x3F98];
	s0 =	simm.s32 @p1 $0x1  }
0x15: {  	[smem:$0x3FB5] =	sst s0;
	s0 =	simm.s32 @!p2 $0x0  }
0x16: {  	s3 =	sld [smem:$0x3FDB];
	s0 =	simm.s32 @p2 $0x1  }
0x17: {  	s4 =	simm.s32 $0x1BF5;
	[smem:$0x3FB7] =	sst s0  }
0x18: {  	s0 =	sld [smem:$0x3F9A];
	_ =	swait.ge [sflag:s4], $0x0  }
0x19: {  	s7 =	sld [smem:$0x3F9B]  }
0x1a: {  	s8 =	sadd.s32 $0xFFFFE003, lr  }
0x1b: {  	s9 =	sadd.s32 $0xFFFFFEF7, lr;
	s5 =	simm.s32 $0xFFFFFFFF;
	p2 =	slt.u32 s8, $0xFFFFF086  }
0x1c: {  	p1 =	slt.u32 s9, $0xF7A;
	s5 =	simm.s32 @!p2 $0x0  }
0x1d: {  	s5 =	simm.s32 @p1 $0x1;
	p0 =	seq.s32 s7, s2  }
0x1e: {  	s7 =	smul.u32 @!p0 $0xF7A, s2;
	p2 =	seq.s32 @!p0 s5, $0x0  }
0x1f: {  	s9 =	smul.u32 $0xF7A, s1;
	s8 =	simm.s32 @!p0 $0x1BF5;
	p2 =	por !p2, p0  }
0x20: {  	[sflag:s8] =	ssyncset.s32 @!p0 $0xFFFFF086;
	s6 =	sadd.s32 @!p0 s3, s7;
	s7 =	simm.s32 @!p0 $0x108  }
0x21: {  	s3 =	sadd.s32 s3, s9;
	s6 =	sadd.s32 @!p0 $0x88, s6;
	s7 =	simm.s32 @p2 $0x1082  }
0x22: {  	[simem:s7], [sflag:s8] =	dma.local @!p0 [hbm:s6], $0xF7A  }
0x23: {  	s9 =	sor.u32 $0xD0000000, s2;
	s6 =	simm.s32 $0x108;
	_ =	swait.ge @!p0 [sflag:s8], $0x0  }
0x24: {  	s3 =	sadd.s32 $0x88, s3;
	s6 =	simm.s32 @!p1 $0x1082;
	[sflag:s4] =	ssyncset.s32 $0xFFFFF086  }
0x25: {  	[simem:s6], [sflag:s4] =	dma.local [hbm:s3], $0xF7A  }
0x26: {  	[smem:$0x3F9B] =	sst s1;
	(tag) =	ssettag s2;
	_ =	strace s9  }
0x27: {  	s1 =	sld [smem:$0x3FAB]  }
0x28: {  	s2 =	sld [smem:$0x3FAC]  }
0x29: {  	s4 =	sld [smem:$0x3FAE]  }
0x2a: {  	p0 =	seq.s32 s5, $0x0;
	s5 =	sld [smem:$0x3FAF]  }
0x2b: {  	s6 =	sld [smem:$0x3FB0]  }
0x2c: {  	s7 =	sld [smem:$0x3FB1]  }
0x2d: {  	s3 =	simm.s32 $0x108;
	s8 =	sld [smem:$0x3FB2]  }
0x2e: {  	s3 =	simm.s32 @!p0 $0x1082;
	s9 =	sld [smem:$0x3FB3]  }
0x2f: {  	lr =	sadd.s32 s0, s3;
	s0 =	sld [smem:$0x3FAA]  }
0x30: {  	s3 =	sld [smem:$0x3FAD]  }
0x31: {  	[smem:$0x3FB6] =	sst s10  }
0x32: {  	s10 =	sld [smem:$0x3FB4];
	_ =	sdelay $0x3  }
0x33: {  	p0 =	seq.s32 s10, $0x1;
	s10 =	sld [smem:$0x3FB6];
	_ =	sdelay $0x3  }
0x34: {  	[smem:$0x3FB6] =	sst s10  }
0x35: {  	s10 =	sld [smem:$0x3FB5];
	_ =	sdelay $0x3  }
0x36: {  	p1 =	seq.s32 s10, $0x1;
	s10 =	sld [smem:$0x3FB6];
	_ =	sdelay $0x3  }
0x37: {  	[smem:$0x3FB6] =	sst s10  }
0x38: {  	s10 =	sld [smem:$0x3FB7]  }
0x39: {  	_ = 	snop;
	(pc) =	sbr.ind lr, $3  }
0x3a: {  	_ = 	snop  }
0x3b: {  	_ = 	snop  }
0x3c: {  	p2 =	seq.s32 s10, $0x1;
	s10 =	sld [smem:$0x3FB6]  }
0x3d: {  	_ =	shalt  }
0x3e: {  	_ =	shalt  }
0x3f: {  	_ =	shalt  }
0x40: {  	_ =	shalt  }
0x41: {  	_ =	shalt  }
0x42: {  	_ =	shalt  }
0x43: {  	_ =	shalt  }
0x44: {  	_ =	shalt  }
0x45: {  	_ =	shalt  }
0x46: {  	_ =	shalt  }
0x47: {  	_ =	shalt  }
0x48: {  	_ =	shalt  }
0x49: {  	_ =	shalt  }
0x4a: {  	_ =	shalt  }
0x4b: {  	_ =	shalt  }
0x4c: {  	_ =	shalt  }
0x4d: {  	_ =	shalt  }
0x4e: {  	_ =	shalt  }
0x4f: {  	_ =	shalt  }
0x50: {  	_ =	shalt  }
0x51: {  	_ =	shalt  }
0x52: {  	_ =	shalt  }
0x53: {  	_ =	shalt  }
0x54: {  	_ =	shalt  }
0x55: {  	_ =	shalt  }
0x56: {  	_ =	shalt  }
0x57: {  	_ =	shalt  }
0x58: {  	_ =	shalt  }
0x59: {  	_ =	shalt  }
0x5a: {  	_ =	shalt  }
0x5b: {  	_ =	shalt  }
0x5c: {  	_ =	shalt  }
0x5d: {  	_ =	shalt  }
0x5e: {  	_ =	shalt  }
0x5f: {  	_ =	shalt  }
0x60: {  	_ =	shalt  }
0x61: {  	_ =	shalt  }
0x62: {  	_ =	shalt  }
0x63: {  	_ =	shalt  }
0x64: {  	_ =	shalt  }
0x65: {  	_ =	shalt  }
0x66: {  	_ =	shalt  }
0x67: {  	_ =	shalt  }
0x68: {  	_ =	shalt  }
0x69: {  	_ =	shalt  }
0x6a: {  	_ =	shalt  }
0x6b: {  	_ =	shalt  }
0x6c: {  	_ =	shalt  }
0x6d: {  	_ =	shalt  }
0x6e: {  	_ =	shalt  }
0x6f: {  	_ =	shalt  }
0x70: {  	_ =	shalt  }
0x71: {  	_ =	shalt  }
0x72: {  	_ =	shalt  }
0x73: {  	_ =	shalt  }
0x74: {  	_ =	shalt  }
0x75: {  	_ =	shalt  }
0x76: {  	_ =	shalt  }
0x77: {  	_ =	shalt  }
0x78: {  	_ =	shalt  }
0x79: {  	_ =	shalt  }
0x7a: {  	_ =	shalt  }
0x7b: {  	_ =	shalt  }
0x7c: {  	_ =	shalt  }
0x7d: {  	_ =	shalt  }
0x7e: {  	_ =	shalt  }
0x7f: {  	_ =	shalt  }
0x80: {  	_ =	shalt  }
0x81: {  	_ =	shalt  }
0x82: {  	_ =	shalt  }
0x83: {  	_ =	shalt  }
0x84: {  	_ =	shalt  }
0x85: {  	_ =	shalt  }
0x86: {  	_ =	shalt  }
0x87: {  	_ =	shalt  }
.Lfunc_end0:
.L_simem_size_0:
called_computation.2_lowered:
.L_overlay_start_0:
0x88: {  	s2 =	sld [smem:$0x3FD9]  }
0x89: {  	s3 =	sld [smem:$0x3FFE];
	_ =	sdelay $0x1  }
0x8a: {  	s1 =	srdreg.scid  }
0x8b: {  	s0 =	sand.u32 $0x1, s1  }
0x8c: {  	s17 =	sshll.u32 s0, $0xA;
	s2 =	sadd.s32 s3, s2  }
0x8d: {  	s2 =	sadd.s32 s2, s17  }
0x8e: {  	[smem:$0x3FC2] =	sst s2  }
0x8f: {  	_ = 	snop  }
0x90: {  	s2 =	sld [smem:$0x3FD0];
	(tm) =	ssettm $0x1  }
0x91: {  	s18 =	sld [smem:$0x3FFB];
	_ =	sdelay $0x3  }
0x92: {  	_ =	strace s18  }
0x93: {  	s3 =	sld [smem:$0x3FFC];
	_ =	sdelay $0x3  }
0x94: {  	_ =	strace s3  }
0x95: {  	s3 =	sld [smem:$0x3FFD];
	_ =	sdelay $0x3  }
0x96: {  	_ =	strace s3  }
0x97: {  	_ =	strace $0x8FFFFFFF  }
0x98: {  	s19 =	sld [smem:$0x3FDB];
	_ =	sdelay $0x1  }
0x99: {  	s4 =	simm.s32 $_scs_section_size  }
0x9a: {  	s5 =	simm.s32 $_size__tile_overlayer_lowered;
	s6 =	simm.s32 $_tile_overlayer_lowered  }
0x9b: {  	s22 =	simm.s32 $0x1BFF;
	s21 =	sshll.u32 s6, $0x1;
	s3 =	sadd.s32 s4, s19  }
0x9c: {  	s7 =	simm.s32 $0x0;
	s20 =	sshll.u32 s5, $0x1;
	s5 =	sadd.s32 s21, s3  }
0x9d: {  	[timem:s7], [sflag:s22] =	dma.local [hbm:s5], s20  }
0x9e: {  	_ =	swait.ge [sflag:s22], s20  }
0x9f: {  	s4 =	ssub.s32 $0x0, s20;
	[sflag:s22] =	ssyncset.done $0x0  }
0xa0: {  	[sflag:s22] =	ssyncadd.s32 s4;
	_ =	sdelay $0x1  }
0xa1: {  	s23 =	simm.s32 $0x1B8B  }
0xa2: {  	_ =	swait.ge [sflag:s23], $0x1  }
0xa3: {  	[sflag:s23] =	ssyncset.done $0x0  }
0xa4: {  	s25 =	simm.s32 $0x1B8E;
	s24 =	sld [smem:$0x3FFE];
	[sflag:s23] =	ssyncadd.s32 $0xFFFFFFFF  }
0xa5: {  	s26 =	simm.s32 $execute0_lowered;
	[smem:$0x3FD2] =	sst s25  }
0xa6: {  	s5 =	sshll.u32 s26, $0x1;
	_ =	strace $0x8000004C;
	[dreg:$0x1] =	wrdreg $0xFFFFFFFF  }
0xa7: {  	s28 =	simm.s32 $_size_execute0_lowered;
	s3 =	sadd.s32 s3, s5;
	[dreg:$0x0] =	wrdreg $0x0  }
0xa8: {  	s5 =	sshll.u32 s28, $0x1;
	[dreg:$0x2] =	wrdreg s3  }
0xa9: {  	[dreg:$0x3] =	wrdreg s5  }
0xaa: {  	[dreg:$0x4] =	wrdreg $0xC0  }
0xab: {  	_ =	task [dreg:s7], $0x5FFFF  }
0xac: {  	[dreg:$0x1] =	wrdreg $0xFFFFFFFF  }
0xad: {  	[dreg:$0x0] =	wrdreg $0x60  }
0xae: {  	[dreg:$0x2] =	wrdreg s2  }
0xaf: {  	[dreg:$0x3] =	wrdreg s24  }
0xb0: {  	[dreg:$0x4] =	wrdreg $0xA8000  }
0xb1: {  	[dreg:$0x5] =	wrdreg $0x9  }
0xb2: {  	_ =	task.clear_ibuf [dreg:s7], $0x6FFFF;
	_ =	strace $0x9000004C  }
0xb3: {  	s29 =	simm.s32 $0x9;
	_ =	strace $0x8000004E  }
0xb4: {  	_ =	swait.ge [sflag:s29], $0x1  }
0xb5: {  	[sflag:s29] =	ssyncadd.s32 $0xFFFFFFFF  }
0xb6: {  	_ =	strace $0x9000004E  }
0xb7: {  	_ =	sfence  }
0xb8: {  	s30 =	sld [smem:$0x0];
	_ =	sdelay $0x2  }
0xb9: {  	s31 =	sshll.u32 s1, $0xD;
	s1 =	sshrl.u32 s1, $0x2  }
0xba: {  	s3 =	sand.u32 $0x4000, s31;
	s1 =	sadd.s32 s1, s30  }
0xbb: {  	s0 =	sor.u32 s3, s0;
	s1 =	sshll.u32 s1, $0x11  }
0xbc: {  	s0 =	sor.u32 s1, s0  }
0xbd: {  	s0 =	sadd.s32 $0x8F2B, s0  }
0xbe: {  	[sflag:s0] =	ssyncadd.remote.s32 $0x1  }
0xbf: {  	_ =	sfence.sel $0xFFFF  }
0xc0: {  	[dreg:$0x0] =	wrdreg $0xFFFFFFFF;
	(pc) =	sbr.abs _section_cstart, $3  }
0xc1: {  	[dreg:$0x1] =	wrdreg $0xFFFFFFFF  }
0xc2: {  	_ =	task.clear_ibuf [dreg:s7], $0x2FFFF;
	_ =	strace $0x9FFFFFFF  }
0xc3: {  	(tm) =	ssettm $0x7FFFFFFF  }
tec
execute0_lowered:
.L_overlay_start_1:
0x0: {  	(tag) =	ssettag $0x1  }
0x1: {  	s1 =	rddreg [dreg:$0x0]  }
0x2: {  	s14 =	rddreg [dreg:$0x1]  }
0x3: {  	s3 =	rddreg [dreg:$0x2]  }
0x4: {  	s0 =	rddreg [dreg:$0x3];
	s4 =	simm.s32 $0x0;
	s5 =	srdreg.scid  }
0x5: {  	s2 =	stileid.u32;
	s16 =	simm.s32 $0x90600;
	s18 =	simm.s32 $0x80  }
0x6: {  	s19 =	simm.s32 $0x1000;
	s20 =	simm.s32 $0x1400;
	s21 =	simm.s32 $0x6800  }
0x7: {  	s22 =	simm.s32 $0x1;
	s23 =	simm.s32 $0x2;
	s24 =	simm.s32 $0x2700  }
0x8: {  	s25 =	simm.s32 $0x2780;
	[smem:$0x7FF] =	sst s4;
	s30 =	smul.u32 $0x50000, s2  }
0x9: {  	s11 =	sand.u32 $0x1, s5;
	s7 =	sshll.u32 s2, $0x4;
	s17 =	smul.u32 $0x2800, s2  }
0xa: {  	_ =	strace $0x8000004D;
	s6 =	sshll.u32 s11, $0x8;
	s8 =	ssub.s32 $0x2, s11  }
0xb: {  	p0 =	seq.s32 s11, $0x1;
	s5 =	sshrl.u32 s30, $0x2;
	s6 =	sor.u32 s6, s7  }
0xc: {  	s31 =	sshrl.u32 s8, $0x1;
	s16 =	simm.s32 @!p0 $0x68600;
	s5 =	sadd.s32 s5, s3  }
0xd: {  	s13 =	sadd.s32 s6, s14;
	s15 =	ssub.s32 s8, s31;
	s16 =	sadd.s32 s16, s14  }
0xe: {  	s6 =	sadd.s32 $0x4000, s5;
	s7 =	sadd.s32 $0x8000, s5;
	s8 =	sadd.s32 $0xC000, s5  }
0xf: {  	s9 =	sadd.s32 $0x10000, s5;
	s10 =	sadd.s32 $0x4600, s13;
	s11 =	sadd.s32 $0xE600, s13  }
0x10: {  	s12 =	sadd.s32 $0x9600, s13;
	s13 =	sadd.s32 $0x13600, s13;
	s14 =	smax.u32 s15, $0x1  }
0x11: {  	v0 =	vimm.f32 $0.0e+00;
	s15 =	sadd.s32 s16, s17;
	s16 =	simm.s32 $0x2800;
	s17 =	simm.s32 $0x3  }
.LBB2_1:
0x12: {  	s26 =	simm.s32 $0x0;
	s28 =	simm.s32 $0x200  }
.LBB2_2:
0x13: {  	p0 =	sne.s32 s28, $0xFE00;
	[tilespmem:s26+$0x2870] =	vst v0  }
0x14: {  	[tilespmem:s26+$0x2800] =	vst v0  }
0x15: {  	[tilespmem:s26+$0x2810] =	vst v0  }
.Ltmp0:
0x16: {  	[tilespmem:s26+$0x2820] =	vst v0;
	(pc) =	sbr.rel @p0 .LBB2_2-.Ltmp0, $4  }
0x17: {  	[tilespmem:s26+$0x2830] =	vst v0  }
0x18: {  	[tilespmem:s26+$0x2840] =	vst v0  }
0x19: {  	[tilespmem:s26+$0x2850] =	vst v0  }
0x1a: {  	[tilespmem:s26+$0x2860] =	vst v0;
	s26 =	sshra.s32 s28, $0x2;
	s28 =	sadd.s32 $0x200, s28  }
0x1b: {  	[tilespmem:s26+$0x2870] =	vst v0  }
0x1c: {  	[tilespmem:s26+$0x2800] =	vst v0  }
0x1d: {  	[tilespmem:s26+$0x2810] =	vst v0  }
0x1e: {  	[tilespmem:s26+$0x2820] =	vst v0  }
0x1f: {  	[tilespmem:s26+$0x2830] =	vst v0  }
0x20: {  	[tilespmem:s26+$0x2840] =	vst v0  }
0x21: {  	[tilespmem:s26+$0x2850] =	vst v0  }
0x22: {  	[tilespmem:s26+$0x2860] =	vst v0  }
0x23: {  	[spmem:s5] =	stream.linear.scatter [tilespmem:s16], [sflag:$0x3], $0x4000, $0x38;
	[tilespmem:$0x1E800] =	vst v63  }
0x24: {  	_ =	swait.ge [sflag:s17], $0x4000  }
0x25: {  	[sflag:s17] =	ssyncset.done $0x0  }
0x26: {  	[sflag:s17] =	ssyncadd.s32 $0xFFFFC000  }
0x27: {  	[spmem:s6] =	stream.linear.scatter [tilespmem:s16], [sflag:$0x3], $0x4000, $0x38;
	[tilespmem:$0x1E800] =	vst v63  }
0x28: {  	_ =	swait.ge [sflag:s17], $0x4000  }
0x29: {  	[sflag:s17] =	ssyncset.done $0x0  }
0x2a: {  	[sflag:s17] =	ssyncadd.s32 $0xFFFFC000  }
0x2b: {  	[spmem:s7] =	stream.linear.scatter [tilespmem:s16], [sflag:$0x3], $0x4000, $0x38;
	[tilespmem:$0x1E800] =	vst v63  }
0x2c: {  	_ =	swait.ge [sflag:s17], $0x4000  }
0x2d: {  	[sflag:s17] =	ssyncset.done $0x0  }
0x2e: {  	[sflag:s17] =	ssyncadd.s32 $0xFFFFC000  }
0x2f: {  	[spmem:s8] =	stream.linear.scatter [tilespmem:s16], [sflag:$0x3], $0x4000, $0x38;
	[tilespmem:$0x1E800] =	vst v63  }
0x30: {  	_ =	swait.ge [sflag:s17], $0x4000  }
0x31: {  	[sflag:s17] =	ssyncset.done $0x0  }
0x32: {  	[sflag:s17] =	ssyncadd.s32 $0xFFFFC000  }
0x33: {  	[spmem:s9] =	stream.linear.scatter [tilespmem:s16], [sflag:$0x3], $0x4000, $0x38;
	[tilespmem:$0x1E800] =	vst v63  }
0x34: {  	_ =	swait.ge [sflag:s17], $0x4000  }
0x35: {  	[sflag:s17] =	ssyncset.done $0x0  }
0x36: {  	[sflag:s17] =	ssyncadd.s32 $0xFFFFC000  }
0x37: {  	s31 =	simm.s32 $0x0;
	[bflag:$0x0] =	sbarrier.arrive $0xFFFF  }
0x38: {  	[tilespmem:s31], [sflag:$0x3] =	stream.strided.gather [hbm4b:s10+s18], $0x1400, s19, s18, $0x38;
	[tilespmem:$0x1E800] =	vst v63  }
0x39: {  	_ =	swait.ge [sflag:s17], $0x1400  }
0x3a: {  	[sflag:s17] =	ssyncset.done $0x0  }
0x3b: {  	[sflag:s17] =	ssyncadd.s32 $0xFFFFEC00  }
0x3c: {  	[tilespmem:s20], [sflag:$0x3] =	stream.strided.gather [hbm4b:s11+s18], $0x1400, s19, s18, $0x38;
	[tilespmem:$0x1E800] =	vst v63  }
0x3d: {  	_ =	swait.ge [sflag:s17], $0x1400  }
0x3e: {  	[sflag:s17] =	ssyncset.done $0x0  }
0x3f: {  	[sflag:s17] =	ssyncadd.s32 $0xFFFFEC00  }
0x40: {  	[tilespmem:s16], [sflag:$0x1] =	stream.indirect.gather [hbm4b:s1+s18], $0x80, s31, s18, $0xb8;
	[tilespmem:$0x1E800] =	vst v63  }
0x41: {  	_ = 	snop  }
0x42: {  	[tilespmem:s21], [sflag:$0x2] =	stream.indirect.gather [hbm4b:s1+s18], $0x80, s18, s18, $0xb8;
	[tilespmem:$0x1E800] =	vst v63  }
0x43: {  	_ =	swait.ge [sflag:s22], $0x4000  }
0x44: {  	[sflag:s22] =	ssyncset.done $0x0  }
0x45: {  	s29 =	simm.s32 $0x1400;
	[sflag:s22] =	ssyncadd.s32 $0xFFFFC000  }
0x46: {  	[spmem:s3] =	stream.indirect.scatter.add.f32 [tilespmem:s16], [sflag:$0x3], $0x80, s29, s18, $0xb8;
	[tilespmem:$0x1E800] =	vst v63  }
0x47: {  	_ =	swait.ge [sflag:s17], $0x4000  }
0x48: {  	[sflag:s17] =	ssyncset.done $0x0  }
0x49: {  	s30 =	simm.s32 $0x100;
	[sflag:s17] =	ssyncadd.s32 $0xFFFFC000  }
0x4a: {  	[tilespmem:s16], [sflag:$0x1] =	stream.indirect.gather [hbm4b:s1+s18], $0x80, s30, s18, $0xb8;
	[tilespmem:$0x1E800] =	vst v63  }
0x4b: {  	_ =	swait.ge [sflag:s23], $0x4000  }
0x4c: {  	[sflag:s23] =	ssyncset.done $0x0  }
0x4d: {  	s31 =	simm.s32 $0x1480;
	[sflag:s23] =	ssyncadd.s32 $0xFFFFC000  }
0x4e: {  	[spmem:s3] =	stream.indirect.scatter.add.f32 [tilespmem:s21], [sflag:$0x3], $0x80, s31, s18, $0xb8;
	[tilespmem:$0x1E800] =	vst v63  }
0x4f: {  	_ =	swait.ge [sflag:s17], $0x4000  }
0x50: {  	[sflag:s17] =	ssyncset.done $0x0  }
0x51: {  	s26 =	simm.s32 $0x400;
	s28 =	simm.s32 $0x180;
	[sflag:s17] =	ssyncadd.s32 $0xFFFFC000  }
.LBB2_4:
0x52: {  	[tilespmem:s21], [sflag:$0x2] =	stream.indirect.gather [hbm4b:s1+s18], $0x80, s28, s18, $0xb8;
	[tilespmem:$0x1E800] =	vst v63  }
0x53: {  	s28 =	smov.u32 s26  }
0x54: {  	p0 =	sne.s32 s26, $0x4800;
	s26 =	sadd.s32 $0x400, s26;
	_ =	swait.ge [sflag:s22], $0x4000  }
0x55: {  	s28 =	sshra.s32 s28, $0x2;
	[sflag:s22] =	ssyncset.done $0x0  }
0x56: {  	s29 =	sadd.s32 $0x1400, s28;
	[sflag:s22] =	ssyncadd.s32 $0xFFFFC000  }
0x57: {  	[spmem:s3] =	stream.indirect.scatter.add.f32 [tilespmem:s16], [sflag:$0x3], $0x80, s29, s18, $0xb8;
	[tilespmem:$0x1E800] =	vst v63  }
0x58: {  	_ =	swait.ge [sflag:s17], $0x4000  }
0x59: {  	[sflag:s17] =	ssyncset.done $0x0  }
0x5a: {  	s29 =	sadd.s32 $0x100, s28;
	[sflag:s17] =	ssyncadd.s32 $0xFFFFC000  }
0x5b: {  	[tilespmem:s16], [sflag:$0x1] =	stream.indirect.gather [hbm4b:s1+s18], $0x80, s29, s18, $0xb8;
	[tilespmem:$0x1E800] =	vst v63  }
0x5c: {  	_ =	swait.ge [sflag:s23], $0x4000  }
0x5d: {  	[sflag:s23] =	ssyncset.done $0x0  }
.Ltmp1:
0x5e: {  	s29 =	sadd.s32 $0x1480, s28;
	[sflag:s23] =	ssyncadd.s32 $0xFFFFC000;
	(pc) =	sbr.rel @p0 .LBB2_4-.Ltmp1, $4  }
0x5f: {  	[spmem:s3] =	stream.indirect.scatter.add.f32 [tilespmem:s21], [sflag:$0x3], $0x80, s29, s18, $0xb8;
	[tilespmem:$0x1E800] =	vst v63  }
0x60: {  	_ =	swait.ge [sflag:s17], $0x4000  }
0x61: {  	[sflag:s17] =	ssyncset.done $0x0  }
0x62: {  	s28 =	sadd.s32 $0x180, s28;
	[sflag:s17] =	ssyncadd.s32 $0xFFFFC000  }
0x63: {  	[tilespmem:s21], [sflag:$0x2] =	stream.indirect.gather [hbm4b:s1+s18], $0x80, s28, s18, $0xb8;
	[tilespmem:$0x1E800] =	vst v63  }
0x64: {  	_ =	swait.ge [sflag:s22], $0x4000  }
0x65: {  	[sflag:s22] =	ssyncset.done $0x0  }
0x66: {  	[sflag:s22] =	ssyncadd.s32 $0xFFFFC000  }
0x67: {  	[spmem:s3] =	stream.indirect.scatter.add.f32 [tilespmem:s16], [sflag:$0x3], $0x80, s24, s18, $0xb8;
	[tilespmem:$0x1E800] =	vst v63  }
0x68: {  	_ =	swait.ge [sflag:s17], $0x4000  }
0x69: {  	[sflag:s17] =	ssyncset.done $0x0  }
0x6a: {  	[sflag:s17] =	ssyncadd.s32 $0xFFFFC000  }
0x6b: {  	_ =	swait.ge [sflag:s23], $0x4000  }
0x6c: {  	[sflag:s23] =	ssyncset.done $0x0  }
0x6d: {  	[sflag:s23] =	ssyncadd.s32 $0xFFFFC000  }
0x6e: {  	[spmem:s3] =	stream.indirect.scatter.add.f32 [tilespmem:s21], [sflag:$0x3], $0x80, s25, s18, $0xb8;
	[tilespmem:$0x1E800] =	vst v63  }
0x6f: {  	_ =	swait.ge [sflag:s17], $0x4000  }
0x70: {  	[sflag:s17] =	ssyncset.done $0x0  }
0x71: {  	s26 =	simm.s32 $0x0;
	[sflag:s17] =	ssyncadd.s32 $0xFFFFC000  }
0x72: {  	[tilespmem:s26], [sflag:$0x3] =	stream.strided.gather [hbm4b:s12+s18], $0x1400, s19, s18, $0x38;
	[tilespmem:$0x1E800] =	vst v63  }
0x73: {  	_ =	swait.ge [sflag:s17], $0x1400  }
0x74: {  	[sflag:s17] =	ssyncset.done $0x0  }
0x75: {  	[sflag:s17] =	ssyncadd.s32 $0xFFFFEC00  }
0x76: {  	[tilespmem:s20], [sflag:$0x3] =	stream.strided.gather [hbm4b:s13+s18], $0x1400, s19, s18, $0x38;
	[tilespmem:$0x1E800] =	vst v63  }
0x77: {  	_ =	swait.ge [sflag:s17], $0x1400  }
0x78: {  	[sflag:s17] =	ssyncset.done $0x0  }
0x79: {  	[sflag:s17] =	ssyncadd.s32 $0xFFFFEC00  }
0x7a: {  	[tilespmem:s16], [sflag:$0x1] =	stream.indirect.gather [hbm4b:s1+s18], $0x80, s26, s18, $0xb8;
	[tilespmem:$0x1E800] =	vst v63  }
0x7b: {  	_ = 	snop  }
0x7c: {  	[tilespmem:s21], [sflag:$0x2] =	stream.indirect.gather [hbm4b:s1+s18], $0x80, s18, s18, $0xb8;
	[tilespmem:$0x1E800] =	vst v63  }
0x7d: {  	_ =	swait.ge [sflag:s22], $0x4000  }
0x7e: {  	[sflag:s22] =	ssyncset.done $0x0  }
0x7f: {  	s29 =	simm.s32 $0x1400;
	[sflag:s22] =	ssyncadd.s32 $0xFFFFC000  }
0x80: {  	[spmem:s3] =	stream.indirect.scatter.add.f32 [tilespmem:s16], [sflag:$0x3], $0x80, s29, s18, $0xb8;
	[tilespmem:$0x1E800] =	vst v63  }
0x81: {  	_ =	swait.ge [sflag:s17], $0x4000  }
0x82: {  	[sflag:s17] =	ssyncset.done $0x0  }
0x83: {  	s30 =	simm.s32 $0x100;
	[sflag:s17] =	ssyncadd.s32 $0xFFFFC000  }
0x84: {  	[tilespmem:s16], [sflag:$0x1] =	stream.indirect.gather [hbm4b:s1+s18], $0x80, s30, s18, $0xb8;
	[tilespmem:$0x1E800] =	vst v63  }
0x85: {  	_ =	swait.ge [sflag:s23], $0x4000  }
0x86: {  	[sflag:s23] =	ssyncset.done $0x0  }
0x87: {  	s31 =	simm.s32 $0x1480;
	[sflag:s23] =	ssyncadd.s32 $0xFFFFC000  }
0x88: {  	[spmem:s3] =	stream.indirect.scatter.add.f32 [tilespmem:s21], [sflag:$0x3], $0x80, s31, s18, $0xb8;
	[tilespmem:$0x1E800] =	vst v63  }
0x89: {  	_ =	swait.ge [sflag:s17], $0x4000  }
0x8a: {  	[sflag:s17] =	ssyncset.done $0x0  }
0x8b: {  	s28 =	simm.s32 $0x180;
	s26 =	simm.s32 $0x400;
	[sflag:s17] =	ssyncadd.s32 $0xFFFFC000  }
.LBB2_6:
0x8c: {  	[tilespmem:s21], [sflag:$0x2] =	stream.indirect.gather [hbm4b:s1+s18], $0x80, s28, s18, $0xb8;
	[tilespmem:$0x1E800] =	vst v63  }
0x8d: {  	s28 =	smov.u32 s26  }
0x8e: {  	p0 =	sne.s32 s26, $0x4800;
	s26 =	sadd.s32 $0x400, s26;
	_ =	swait.ge [sflag:s22], $0x4000  }
0x8f: {  	s28 =	sshra.s32 s28, $0x2;
	[sflag:s22] =	ssyncset.done $0x0  }
0x90: {  	s29 =	sadd.s32 $0x1400, s28;
	[sflag:s22] =	ssyncadd.s32 $0xFFFFC000  }
0x91: {  	[spmem:s3] =	stream.indirect.scatter.add.f32 [tilespmem:s16], [sflag:$0x3], $0x80, s29, s18, $0xb8;
	[tilespmem:$0x1E800] =	vst v63  }
0x92: {  	_ =	swait.ge [sflag:s17], $0x4000  }
0x93: {  	[sflag:s17] =	ssyncset.done $0x0  }
0x94: {  	s29 =	sadd.s32 $0x100, s28;
	[sflag:s17] =	ssyncadd.s32 $0xFFFFC000  }
0x95: {  	[tilespmem:s16], [sflag:$0x1] =	stream.indirect.gather [hbm4b:s1+s18], $0x80, s29, s18, $0xb8;
	[tilespmem:$0x1E800] =	vst v63  }
0x96: {  	_ =	swait.ge [sflag:s23], $0x4000  }
0x97: {  	[sflag:s23] =	ssyncset.done $0x0  }
.Ltmp2:
0x98: {  	s29 =	sadd.s32 $0x1480, s28;
	[sflag:s23] =	ssyncadd.s32 $0xFFFFC000;
	(pc) =	sbr.rel @p0 .LBB2_6-.Ltmp2, $4  }
0x99: {  	[spmem:s3] =	stream.indirect.scatter.add.f32 [tilespmem:s21], [sflag:$0x3], $0x80, s29, s18, $0xb8;
	[tilespmem:$0x1E800] =	vst v63  }
0x9a: {  	_ =	swait.ge [sflag:s17], $0x4000  }
0x9b: {  	[sflag:s17] =	ssyncset.done $0x0  }
0x9c: {  	s28 =	sadd.s32 $0x180, s28;
	[sflag:s17] =	ssyncadd.s32 $0xFFFFC000  }
0x9d: {  	[tilespmem:s21], [sflag:$0x2] =	stream.indirect.gather [hbm4b:s1+s18], $0x80, s28, s18, $0xb8;
	[tilespmem:$0x1E800] =	vst v63  }
0x9e: {  	_ =	swait.ge [sflag:s22], $0x4000  }
0x9f: {  	[sflag:s22] =	ssyncset.done $0x0  }
0xa0: {  	[sflag:s22] =	ssyncadd.s32 $0xFFFFC000  }
0xa1: {  	[spmem:s3] =	stream.indirect.scatter.add.f32 [tilespmem:s16], [sflag:$0x3], $0x80, s24, s18, $0xb8;
	[tilespmem:$0x1E800] =	vst v63  }
0xa2: {  	_ =	swait.ge [sflag:s17], $0x4000  }
0xa3: {  	[sflag:s17] =	ssyncset.done $0x0  }
0xa4: {  	[sflag:s17] =	ssyncadd.s32 $0xFFFFC000  }
0xa5: {  	_ =	swait.ge [sflag:s23], $0x4000  }
0xa6: {  	[sflag:s23] =	ssyncset.done $0x0  }
0xa7: {  	[sflag:s23] =	ssyncadd.s32 $0xFFFFC000  }
0xa8: {  	[spmem:s3] =	stream.indirect.scatter.add.f32 [tilespmem:s21], [sflag:$0x3], $0x80, s25, s18, $0xb8;
	[tilespmem:$0x1E800] =	vst v63  }
0xa9: {  	_ =	swait.ge [sflag:s17], $0x4000  }
0xaa: {  	s26 =	sshll.u32 s2, $0x6;
	s4 =	sadd.s32 $0x1, s4;
	[sflag:s17] =	ssyncset.done $0x0  }
0xab: {  	s31 =	sshrl.u32 s5, $0x3;
	p0 =	sne.s32 s4, s14;
	[sflag:s17] =	ssyncadd.s32 $0xFFFFC000  }
.Ltmp3:
0xac: {  	s26 =	sor.u32 $0x1C03, s26;
	[bflag:$0x0] =	sbarrier.arrive $0xFFFF;
	(pc) =	sbr.rel @p0 .LBB2_1-.Ltmp3, $4  }
0xad: {  	[hbm:s15], [sflag:s26] =	dma.local [spmem:s31], $0x2800  }
0xae: {  	_ =	swait.ge [sflag:s17], $0x2800  }
0xaf: {  	[sflag:s17] =	ssyncset.done $0x0  }
0xb0: {  	[sflag:s17] =	ssyncadd.s32 $0xFFFFD800  }
0xb1: {  	_ =	sfence.sel $0x180000  }
0xb2: {  	[bflag:$0x0] =	sbarrier.arrive $0xFFFF  }
0xb3: {  	p0 =	sne.s32 s2, $0x0;
	_ =	strace $0x9000004D  }
0xb4: {  	s0 =	sadd.s32 @!p0 $0x100000, s0;
	[bflag:$0x2] =	sbarrier.arrive $0xFFFF  }
0xb5: {  	[sflag:s0] =	ssyncadd.tile.s32 @!p0 $0x1;
	_ =	shalt  }
.Lfunc_end2:
_tile_overlayer_lowered:
.L_overlay_start_2:
0xb6: {  	(tag) =	ssettag $0x2  }
0xb7: {  	s0 =	rddreg [dreg:$0x0];
	s2 =	stileid.u32  }
0xb8: {  	s1 =	rddreg [dreg:$0x1];
	p0 =	sne.s32 s2, $0x0  }
0xb9: {  	s3 =	rddreg [dreg:$0x2];
	[bflag:$0x3] =	sbarrier.arrive $0xFFFF;
	s2 =	simm.s32 @!p0 $0x1C03  }
0xba: {  	[timem:s3], [sflag:s2] =	dma.local @!p0 [hbm:s0], s1  }
0xbb: {  	s0 =	simm.s32 @!p0 $0x3  }
0xbc: {  	_ =	swait.ge @!p0 [sflag:s0], s1  }
0xbd: {  	s1 =	ssub.s32 @!p0 $0x0, s1;
	[sflag:s0] =	ssyncset.done @!p0 $0x0  }
0xbe: {  	[sflag:s0] =	ssyncadd.s32 @!p0 s1  }
0xbf: {  	[bflag:$0x3] =	sbarrier.arrive $0xFFFF  }
0xc0: {  	_ =	shalt  }

// kernel: kernel.8.cloned.1.call-start
scs
__scs_entry_jumppad:
0x0: {  	(pc) =	sbr.rel $0x88, $3  }
0x1: {  	(tag) =	ssettag $0x0;
	lr =	simm.s32 $0x1  }
0x2: {  	[smem:$0x3F9B] =	sst lr;
	_ =	strace $0xD0000000  }
0x3: {  	_ = 	snop  }
0x4: {  	_ = 	snop  }
0x5: {  	_ = 	snop  }
0x6: {  	_ = 	snop  }
0x7: {  	_ = 	snop  }
__scs_overlays_trampoline_lowered:
0x8: {  	[smem:$0x3FAA] =	sst s0  }
0x9: {  	[smem:$0x3FAB] =	sst s1  }
0xa: {  	[smem:$0x3FAC] =	sst s2  }
0xb: {  	[smem:$0x3FAD] =	sst s3  }
0xc: {  	[smem:$0x3FAE] =	sst s4  }
0xd: {  	[smem:$0x3FAF] =	sst s5  }
0xe: {  	[smem:$0x3FB0] =	sst s6  }
0xf: {  	[smem:$0x3FB1] =	sst s7  }
0x10: {  	[smem:$0x3FB2] =	sst s8  }
0x11: {  	[smem:$0x3FB3] =	sst s9;
	s0 =	simm.s32 @!p0 $0x0  }
0x12: {  	s1 =	sld [smem:$0x3F99];
	s0 =	simm.s32 @p0 $0x1  }
0x13: {  	[smem:$0x3FB4] =	sst s0;
	s0 =	simm.s32 @!p1 $0x0  }
0x14: {  	s2 =	sld [smem:$0x3F98];
	s0 =	simm.s32 @p1 $0x1  }
0x15: {  	[smem:$0x3FB5] =	sst s0;
	s0 =	simm.s32 @!p2 $0x0  }
0x16: {  	s3 =	sld [smem:$0x3FDB];
	s0 =	simm.s32 @p2 $0x1  }
0x17: {  	s4 =	simm.s32 $0x1BF5;
	[smem:$0x3FB7] =	sst s0  }
0x18: {  	s0 =	sld [smem:$0x3F9A];
	_ =	swait.ge [sflag:s4], $0x0  }
0x19: {  	s7 =	sld [smem:$0x3F9B]  }
0x1a: {  	s8 =	sadd.s32 $0xFFFFE003, lr  }
0x1b: {  	s9 =	sadd.s32 $0xFFFFFEF7, lr;
	s5 =	simm.s32 $0xFFFFFFFF;
	p2 =	slt.u32 s8, $0xFFFFF086  }
0x1c: {  	p1 =	slt.u32 s9, $0xF7A;
	s5 =	simm.s32 @!p2 $0x0  }
0x1d: {  	s5 =	simm.s32 @p1 $0x1;
	p0 =	seq.s32 s7, s2  }
0x1e: {  	s7 =	smul.u32 @!p0 $0xF7A, s2;
	p2 =	seq.s32 @!p0 s5, $0x0  }
0x1f: {  	s9 =	smul.u32 $0xF7A, s1;
	s8 =	simm.s32 @!p0 $0x1BF5;
	p2 =	por !p2, p0  }
0x20: {  	[sflag:s8] =	ssyncset.s32 @!p0 $0xFFFFF086;
	s6 =	sadd.s32 @!p0 s3, s7;
	s7 =	simm.s32 @!p0 $0x108  }
0x21: {  	s3 =	sadd.s32 s3, s9;
	s6 =	sadd.s32 @!p0 $0x88, s6;
	s7 =	simm.s32 @p2 $0x1082  }
0x22: {  	[simem:s7], [sflag:s8] =	dma.local @!p0 [hbm:s6], $0xF7A  }
0x23: {  	s9 =	sor.u32 $0xD0000000, s2;
	s6 =	simm.s32 $0x108;
	_ =	swait.ge @!p0 [sflag:s8], $0x0  }
0x24: {  	s3 =	sadd.s32 $0x88, s3;
	s6 =	simm.s32 @!p1 $0x1082;
	[sflag:s4] =	ssyncset.s32 $0xFFFFF086  }
0x25: {  	[simem:s6], [sflag:s4] =	dma.local [hbm:s3], $0xF7A  }
0x26: {  	[smem:$0x3F9B] =	sst s1;
	(tag) =	ssettag s2;
	_ =	strace s9  }
0x27: {  	s1 =	sld [smem:$0x3FAB]  }
0x28: {  	s2 =	sld [smem:$0x3FAC]  }
0x29: {  	s4 =	sld [smem:$0x3FAE]  }
0x2a: {  	p0 =	seq.s32 s5, $0x0;
	s5 =	sld [smem:$0x3FAF]  }
0x2b: {  	s6 =	sld [smem:$0x3FB0]  }
0x2c: {  	s7 =	sld [smem:$0x3FB1]  }
0x2d: {  	s3 =	simm.s32 $0x108;
	s8 =	sld [smem:$0x3FB2]  }
0x2e: {  	s3 =	simm.s32 @!p0 $0x1082;
	s9 =	sld [smem:$0x3FB3]  }
0x2f: {  	lr =	sadd.s32 s0, s3;
	s0 =	sld [smem:$0x3FAA]  }
0x30: {  	s3 =	sld [smem:$0x3FAD]  }
0x31: {  	[smem:$0x3FB6] =	sst s10  }
0x32: {  	s10 =	sld [smem:$0x3FB4];
	_ =	sdelay $0x3  }
0x33: {  	p0 =	seq.s32 s10, $0x1;
	s10 =	sld [smem:$0x3FB6];
	_ =	sdelay $0x3  }
0x34: {  	[smem:$0x3FB6] =	sst s10  }
0x35: {  	s10 =	sld [smem:$0x3FB5];
	_ =	sdelay $0x3  }
0x36: {  	p1 =	seq.s32 s10, $0x1;
	s10 =	sld [smem:$0x3FB6];
	_ =	sdelay $0x3  }
0x37: {  	[smem:$0x3FB6] =	sst s10  }
0x38: {  	s10 =	sld [smem:$0x3FB7]  }
0x39: {  	_ = 	snop;
	(pc) =	sbr.ind lr, $3  }
0x3a: {  	_ = 	snop  }
0x3b: {  	_ = 	snop  }
0x3c: {  	p2 =	seq.s32 s10, $0x1;
	s10 =	sld [smem:$0x3FB6]  }
0x3d: {  	_ =	shalt  }
0x3e: {  	_ =	shalt  }
0x3f: {  	_ =	shalt  }
0x40: {  	_ =	shalt  }
0x41: {  	_ =	shalt  }
0x42: {  	_ =	shalt  }
0x43: {  	_ =	shalt  }
0x44: {  	_ =	shalt  }
0x45: {  	_ =	shalt  }
0x46: {  	_ =	shalt  }
0x47: {  	_ =	shalt  }
0x48: {  	_ =	shalt  }
0x49: {  	_ =	shalt  }
0x4a: {  	_ =	shalt  }
0x4b: {  	_ =	shalt  }
0x4c: {  	_ =	shalt  }
0x4d: {  	_ =	shalt  }
0x4e: {  	_ =	shalt  }
0x4f: {  	_ =	shalt  }
0x50: {  	_ =	shalt  }
0x51: {  	_ =	shalt  }
0x52: {  	_ =	shalt  }
0x53: {  	_ =	shalt  }
0x54: {  	_ =	shalt  }
0x55: {  	_ =	shalt  }
0x56: {  	_ =	shalt  }
0x57: {  	_ =	shalt  }
0x58: {  	_ =	shalt  }
0x59: {  	_ =	shalt  }
0x5a: {  	_ =	shalt  }
0x5b: {  	_ =	shalt  }
0x5c: {  	_ =	shalt  }
0x5d: {  	_ =	shalt  }
0x5e: {  	_ =	shalt  }
0x5f: {  	_ =	shalt  }
0x60: {  	_ =	shalt  }
0x61: {  	_ =	shalt  }
0x62: {  	_ =	shalt  }
0x63: {  	_ =	shalt  }
0x64: {  	_ =	shalt  }
0x65: {  	_ =	shalt  }
0x66: {  	_ =	shalt  }
0x67: {  	_ =	shalt  }
0x68: {  	_ =	shalt  }
0x69: {  	_ =	shalt  }
0x6a: {  	_ =	shalt  }
0x6b: {  	_ =	shalt  }
0x6c: {  	_ =	shalt  }
0x6d: {  	_ =	shalt  }
0x6e: {  	_ =	shalt  }
0x6f: {  	_ =	shalt  }
0x70: {  	_ =	shalt  }
0x71: {  	_ =	shalt  }
0x72: {  	_ =	shalt  }
0x73: {  	_ =	shalt  }
0x74: {  	_ =	shalt  }
0x75: {  	_ =	shalt  }
0x76: {  	_ =	shalt  }
0x77: {  	_ =	shalt  }
0x78: {  	_ =	shalt  }
0x79: {  	_ =	shalt  }
0x7a: {  	_ =	shalt  }
0x7b: {  	_ =	shalt  }
0x7c: {  	_ =	shalt  }
0x7d: {  	_ =	shalt  }
0x7e: {  	_ =	shalt  }
0x7f: {  	_ =	shalt  }
0x80: {  	_ =	shalt  }
0x81: {  	_ =	shalt  }
0x82: {  	_ =	shalt  }
0x83: {  	_ =	shalt  }
0x84: {  	_ =	shalt  }
0x85: {  	_ =	shalt  }
0x86: {  	_ =	shalt  }
0x87: {  	_ =	shalt  }
.Lfunc_end0:
.L_simem_size_0:
called_computation_lowered:
.L_overlay_start_0:
0x88: {  	s2 =	sld [smem:$0x3FD9]  }
0x89: {  	s3 =	sld [smem:$0x3FFE];
	_ =	sdelay $0x1  }
0x8a: {  	s1 =	srdreg.scid  }
0x8b: {  	s0 =	sand.u32 $0x1, s1  }
0x8c: {  	s17 =	sshll.u32 s0, $0xA;
	s2 =	sadd.s32 s3, s2  }
0x8d: {  	s2 =	sadd.s32 s2, s17  }
0x8e: {  	[smem:$0x3FC2] =	sst s2  }
0x8f: {  	_ = 	snop  }
0x90: {  	s2 =	sld [smem:$0x3FD0];
	(tm) =	ssettm $0x1  }
0x91: {  	s18 =	sld [smem:$0x3FFB];
	_ =	sdelay $0x3  }
0x92: {  	_ =	strace s18  }
0x93: {  	s3 =	sld [smem:$0x3FFC];
	_ =	sdelay $0x3  }
0x94: {  	_ =	strace s3  }
0x95: {  	s3 =	sld [smem:$0x3FFD];
	_ =	sdelay $0x3  }
0x96: {  	_ =	strace s3  }
0x97: {  	_ =	strace $0x8FFFFFFF  }
0x98: {  	s19 =	sld [smem:$0x3FDB];
	_ =	sdelay $0x1  }
0x99: {  	s4 =	simm.s32 $_scs_section_size  }
0x9a: {  	s5 =	simm.s32 $_size__tile_overlayer_lowered;
	s6 =	simm.s32 $_tile_overlayer_lowered  }
0x9b: {  	s22 =	simm.s32 $0x1BFF;
	s21 =	sshll.u32 s6, $0x1;
	s3 =	sadd.s32 s4, s19  }
0x9c: {  	s7 =	simm.s32 $0x0;
	s20 =	sshll.u32 s5, $0x1;
	s5 =	sadd.s32 s21, s3  }
0x9d: {  	[timem:s7], [sflag:s22] =	dma.local [hbm:s5], s20  }
0x9e: {  	_ =	swait.ge [sflag:s22], s20  }
0x9f: {  	s4 =	ssub.s32 $0x0, s20;
	[sflag:s22] =	ssyncset.done $0x0  }
0xa0: {  	[sflag:s22] =	ssyncadd.s32 s4;
	_ =	sdelay $0x1  }
0xa1: {  	s23 =	simm.s32 $0x1B8B  }
0xa2: {  	_ =	swait.ge [sflag:s23], $0x1  }
0xa3: {  	[sflag:s23] =	ssyncset.done $0x0  }
0xa4: {  	s25 =	simm.s32 $0x1B8E;
	s24 =	sld [smem:$0x3FFE];
	[sflag:s23] =	ssyncadd.s32 $0xFFFFFFFF  }
0xa5: {  	s26 =	simm.s32 $execute0_lowered;
	[smem:$0x3FD2] =	sst s25  }
0xa6: {  	s5 =	sshll.u32 s26, $0x1;
	_ =	strace $0x80000046;
	[dreg:$0x1] =	wrdreg $0xFFFFFFFF  }
0xa7: {  	s28 =	simm.s32 $_size_execute0_lowered;
	s3 =	sadd.s32 s3, s5;
	[dreg:$0x0] =	wrdreg $0x0  }
0xa8: {  	s5 =	sshll.u32 s28, $0x1;
	[dreg:$0x2] =	wrdreg s3  }
0xa9: {  	[dreg:$0x3] =	wrdreg s5  }
0xaa: {  	[dreg:$0x4] =	wrdreg $0xC0  }
0xab: {  	_ =	task [dreg:s7], $0x5FFFF  }
0xac: {  	[dreg:$0x1] =	wrdreg $0xFFFFFFFF  }
0xad: {  	[dreg:$0x0] =	wrdreg $0x60  }
0xae: {  	[dreg:$0x2] =	wrdreg s24  }
0xaf: {  	[dreg:$0x3] =	wrdreg s2  }
0xb0: {  	[dreg:$0x4] =	wrdreg $0x2B000  }
0xb1: {  	[dreg:$0x5] =	wrdreg $0x9  }
0xb2: {  	_ =	task.clear_ibuf [dreg:s7], $0x6FFFF;
	_ =	strace $0x90000046  }
0xb3: {  	s29 =	simm.s32 $0x9;
	_ =	strace $0x80000048  }
0xb4: {  	_ =	swait.ge [sflag:s29], $0x1  }
0xb5: {  	[sflag:s29] =	ssyncadd.s32 $0xFFFFFFFF  }
0xb6: {  	_ =	strace $0x90000048  }
0xb7: {  	_ =	sfence  }
0xb8: {  	s30 =	sld [smem:$0x0];
	_ =	sdelay $0x2  }
0xb9: {  	s31 =	sshll.u32 s1, $0xD;
	s1 =	sshrl.u32 s1, $0x2  }
0xba: {  	s3 =	sand.u32 $0x4000, s31;
	s1 =	sadd.s32 s1, s30  }
0xbb: {  	s0 =	sor.u32 s3, s0;
	s1 =	sshll.u32 s1, $0x11  }
0xbc: {  	s0 =	sor.u32 s1, s0  }
0xbd: {  	s0 =	sadd.s32 $0x8F2B, s0  }
0xbe: {  	[sflag:s0] =	ssyncadd.remote.s32 $0x1  }
0xbf: {  	_ =	sfence.sel $0xFFFF  }
0xc0: {  	[dreg:$0x0] =	wrdreg $0xFFFFFFFF;
	(pc) =	sbr.abs _section_cstart, $3  }
0xc1: {  	[dreg:$0x1] =	wrdreg $0xFFFFFFFF  }
0xc2: {  	_ =	task.clear_ibuf [dreg:s7], $0x2FFFF;
	_ =	strace $0x9FFFFFFF  }
0xc3: {  	(tm) =	ssettm $0x7FFFFFFF  }
tec
execute0_lowered:
.L_overlay_start_1:
0x0: {  	(tag) =	ssettag $0x1  }
0x1: {  	s4 =	rddreg [dreg:$0x0]  }
0x2: {  	s7 =	rddreg [dreg:$0x1]  }
0x3: {  	s2 =	rddreg [dreg:$0x2]  }
0x4: {  	s0 =	rddreg [dreg:$0x3];
	s3 =	simm.s32 $0x0;
	s1 =	stileid.u32  }
0x5: {  	s6 =	srdreg.scid;
	s11 =	simm.s32 $0x2880;
	s12 =	simm.s32 $0x2800  }
0x6: {  	s13 =	simm.s32 $0x1;
	s16 =	simm.s32 $0x0;
	[smem:$0x7FF] =	sst s3  }
0x7: {  	s5 =	sshll.u32 s1, $0x4;
	s6 =	sand.u32 $0x1, s6;
	s8 =	sadd.s32 $0x18600, s4  }
0x8: {  	s31 =	smul.u32 $0x280, s1;
	s14 =	sshll.u32 s1, $0x6;
	_ =	strace $0x80000047  }
0x9: {  	s5 =	sadd.s32 s5, s4;
	s30 =	ssub.s32 $0x2, s6;
	s9 =	sshll.u32 s6, $0x8  }
0xa: {  	p0 =	seq.s32 s6, $0x1;
	s14 =	sor.u32 $0x1C02, s14;
	s10 =	sshrl.u32 s30, $0x1  }
0xb: {  	s5 =	sadd.s32 s9, s5;
	s9 =	sshrl.u32 s31, $0x3;
	s7 =	smov.u32 @p0 s8  }
0xc: {  	s8 =	simm.s32 $0x80;
	s10 =	ssub.s32 s30, s10;
	s4 =	sadd.s32 $0xE600, s5  }
0xd: {  	s5 =	sadd.s32 s31, s2;
	s7 =	sadd.s32 s7, s9;
	s9 =	simm.s32 $0x1000  }
0xe: {  	v0 =	vimm.f32 $0.0e+00;
	v1 =	vimm.f32 $1.000000000e+00;
	s6 =	smax.u32 s10, $0x1;
	s10 =	simm.s32 $0x2;
	s15 =	sshrl.u32 s5, $0x3  }
.LBB2_1:
0xf: {  	[tilespmem:s3], [sflag:$0x2] =	stream.strided.gather [hbm4b:s4+s8], $0x2800, s9, s8, $0x38;
	[tilespmem:$0x2D80] =	vst v63  }
0x10: {  	_ =	swait.ge [sflag:s10], $0x2800  }
0x11: {  	[sflag:s10] =	ssyncset.done $0x0  }
0x12: {  	[sflag:s10] =	ssyncadd.s32 $0xFFFFD800  }
0x13: {  	[tilespmem:$0x2880] =	vst v0  }
0x14: {  	[tilespmem:$0x2890] =	vst v0  }
0x15: {  	[tilespmem:$0x28A0] =	vst v0  }
0x16: {  	[tilespmem:$0x28B0] =	vst v0  }
0x17: {  	[tilespmem:$0x28C0] =	vst v0  }
0x18: {  	[tilespmem:$0x28D0] =	vst v0  }
0x19: {  	[tilespmem:$0x28E0] =	vst v0  }
0x1a: {  	[tilespmem:$0x28F0] =	vst v0  }
0x1b: {  	[tilespmem:$0x2900] =	vst v0  }
0x1c: {  	[tilespmem:$0x2910] =	vst v0  }
0x1d: {  	[tilespmem:$0x2920] =	vst v0  }
0x1e: {  	[tilespmem:$0x2930] =	vst v0  }
0x1f: {  	[tilespmem:$0x2940] =	vst v0  }
0x20: {  	[tilespmem:$0x2950] =	vst v0  }
0x21: {  	[tilespmem:$0x2960] =	vst v0  }
0x22: {  	[tilespmem:$0x2970] =	vst v0  }
0x23: {  	[tilespmem:$0x2980] =	vst v0  }
0x24: {  	[tilespmem:$0x2990] =	vst v0  }
0x25: {  	[tilespmem:$0x29A0] =	vst v0  }
0x26: {  	[tilespmem:$0x29B0] =	vst v0  }
0x27: {  	[tilespmem:$0x29C0] =	vst v0  }
0x28: {  	[tilespmem:$0x29D0] =	vst v0  }
0x29: {  	[tilespmem:$0x29E0] =	vst v0  }
0x2a: {  	[tilespmem:$0x29F0] =	vst v0  }
0x2b: {  	[tilespmem:$0x2A00] =	vst v0  }
0x2c: {  	[tilespmem:$0x2A10] =	vst v0  }
0x2d: {  	[tilespmem:$0x2A20] =	vst v0  }
0x2e: {  	[tilespmem:$0x2A30] =	vst v0  }
0x2f: {  	[tilespmem:$0x2A40] =	vst v0  }
0x30: {  	[tilespmem:$0x2A50] =	vst v0  }
0x31: {  	[tilespmem:$0x2A60] =	vst v0  }
0x32: {  	[tilespmem:$0x2A70] =	vst v0  }
0x33: {  	[tilespmem:$0x2A80] =	vst v0  }
0x34: {  	[tilespmem:$0x2A90] =	vst v0  }
0x35: {  	[tilespmem:$0x2AA0] =	vst v0  }
0x36: {  	[tilespmem:$0x2AB0] =	vst v0  }
0x37: {  	[tilespmem:$0x2AC0] =	vst v0  }
0x38: {  	[tilespmem:$0x2AD0] =	vst v0  }
0x39: {  	[tilespmem:$0x2AE0] =	vst v0  }
0x3a: {  	[tilespmem:$0x2AF0] =	vst v0  }
0x3b: {  	[tilespmem:$0x2800] =	vst v1  }
0x3c: {  	[tilespmem:$0x2810] =	vst v1  }
0x3d: {  	[tilespmem:$0x2820] =	vst v1  }
0x3e: {  	[tilespmem:$0x2830] =	vst v1  }
0x3f: {  	[tilespmem:$0x2840] =	vst v1  }
0x40: {  	[tilespmem:$0x2850] =	vst v1  }
0x41: {  	[tilespmem:$0x2860] =	vst v1  }
0x42: {  	[tilespmem:$0x2870] =	vst v1  }
0x43: {  	[spmem:s5] =	stream.linear.scatter [tilespmem:s11], [sflag:$0x2], $0x280, $0x38;
	[tilespmem:$0x2D80] =	vst v63  }
0x44: {  	_ =	swait.ge [sflag:s10], $0x280  }
0x45: {  	[sflag:s10] =	ssyncset.done $0x0  }
0x46: {  	[sflag:s10] =	ssyncadd.s32 $0xFFFFFD80  }
0x47: {  	s17 =	simm.s32 $0x0;
	[bflag:$0x0] =	sbarrier.arrive $0xFFFF  }
.LBB2_2:
0x48: {  	p0 =	sne.s32 s17, $0x9E00  }
.Ltmp0:
0x49: {  	_ = 	snop;
	(pc) =	sbr.rel @p0 .LBB2_2-.Ltmp0, $3  }
0x4a: {  	_ =	sdelay $0x1  }
0x4b: {  	s18 =	sshra.s32 s17, $0x2;
	s17 =	sadd.s32 $0x200, s17  }
0x4c: {  	[spmem:s2] =	stream.indirect.scatter.add.f32 [tilespmem:s12], [sflag:$0x1], $0x1, s18, s8, $0xb8;
	[tilespmem:$0x2D80] =	vst v63  }
0x4d: {  	_ =	swait.ge [sflag:s13], $0x80  }
0x4e: {  	s17 =	simm.s32 $0x4F;
	[sflag:s13] =	ssyncset.done $0x0  }
.LBB2_4:
0x4f: {  	p0 =	sne.s32 s17, $0x1;
	s17 =	sadd.s32 $0xFFFFFFFF, s17;
	[sflag:s13] =	ssyncadd.s32 $0xFFFFFF80  }
.Ltmp1:
0x50: {  	(pc) =	sbr.rel @p0 .LBB2_4-.Ltmp1, $3  }
0x51: {  	_ =	sdelay $0x1  }
0x52: {  	_ =	swait.ge [sflag:s13], $0x80  }
0x53: {  	[sflag:s13] =	ssyncset.done $0x0  }
0x54: {  	s16 =	sadd.s32 $0x1, s16  }
0x55: {  	[sflag:s13] =	ssyncadd.s32 $0xFFFFFF80;
	p0 =	sne.s32 s16, s6  }
.Ltmp2:
0x56: {  	[bflag:$0x0] =	sbarrier.arrive $0xFFFF;
	(pc) =	sbr.rel @p0 .LBB2_1-.Ltmp2, $4  }
0x57: {  	[hbm:s7], [sflag:s14] =	dma.local [spmem:s15], $0x50  }
0x58: {  	_ =	swait.ge [sflag:s10], $0x50  }
0x59: {  	[sflag:s10] =	ssyncset.done $0x0  }
0x5a: {  	[sflag:s10] =	ssyncadd.s32 $0xFFFFFFB0  }
0x5b: {  	_ =	sfence.sel $0x180000  }
0x5c: {  	[bflag:$0x0] =	sbarrier.arrive $0xFFFF  }
0x5d: {  	p0 =	sne.s32 s1, $0x0;
	_ =	strace $0x90000047  }
0x5e: {  	s0 =	sadd.s32 @!p0 $0x100000, s0;
	[bflag:$0x2] =	sbarrier.arrive $0xFFFF  }
0x5f: {  	[sflag:s0] =	ssyncadd.tile.s32 @!p0 $0x1;
	_ =	shalt  }
.Lfunc_end2:
_tile_overlayer_lowered:
.L_overlay_start_2:
0x60: {  	(tag) =	ssettag $0x2  }
0x61: {  	s0 =	rddreg [dreg:$0x0];
	s2 =	stileid.u32  }
0x62: {  	s1 =	rddreg [dreg:$0x1];
	p0 =	sne.s32 s2, $0x0  }
0x63: {  	s3 =	rddreg [dreg:$0x2];
	[bflag:$0x3] =	sbarrier.arrive $0xFFFF;
	s2 =	simm.s32 @!p0 $0x1C02  }
0x64: {  	[timem:s3], [sflag:s2] =	dma.local @!p0 [hbm:s0], s1  }
0x65: {  	s0 =	simm.s32 @!p0 $0x2  }
0x66: {  	_ =	swait.ge @!p0 [sflag:s0], s1  }
0x67: {  	s1 =	ssub.s32 @!p0 $0x0, s1;
	[sflag:s0] =	ssyncset.done @!p0 $0x0  }
0x68: {  	[sflag:s0] =	ssyncadd.s32 @!p0 s1  }
0x69: {  	[bflag:$0x3] =	sbarrier.arrive $0xFFFF  }
0x6a: {  	_ =	shalt  }

</sc_bundles>
